<compile_context>
chip_gen: v7x
topology: tpu7x:2x2x1
jax: 0.10.2.dev20260603
libtpu: 0.0.44.dev20260713+nightly
codegen_flags: <defaults>
</compile_context>

<pallas_src>
import functools

import jax
import jax.numpy as jnp
from jax import lax
from jax.experimental import pallas as pl
from jax.experimental.pallas import tpu as pltpu
from jax.experimental.pallas import tpu_sc as plsc

NC = 2
NS = 16
NW = NC * NS
CH = 128


def _chunk_assignment(t):
    base_n, extra = t // NW, t % NW

    def base_of(wid):
        return wid * base_n + jnp.minimum(wid, extra)

    def count_of(wid):
        return base_n + (wid < extra).astype(jnp.int32)

    return base_n, extra, base_of, count_of


def _sc_scalar_segsum(vals, rowp, colp, n, t, acc_rows, stripe,
                      count_only=False):
    zpad = ((stripe + 15) // 16) * 16
    base_n, extra, base_of, count_of = _chunk_assignment(t)
    kb = base_n + (1 if extra else 0)
    mesh = plsc.VectorSubcoreMesh(core_axis_name="c", subcore_axis_name="s")

    @functools.partial(
        pl.kernel,
        out_type=jax.ShapeDtypeStruct((NC * acc_rows,), jnp.float32),
        mesh=mesh,
        compiler_params=pltpu.CompilerParams(needs_layout_passes=False),
        scratch_types=[
            pltpu.VMEM((n,), jnp.float32),
            pltpu.VMEM((kb, 1, CH), jnp.int32),
            pltpu.VMEM((kb, 1, CH), jnp.int32),
            pltpu.VMEM((CH,), jnp.float32),
            pltpu.VMEM((zpad,), jnp.float32),
            pltpu.VMEM_SHARED((acc_rows,), jnp.float32),
        ],
    )
    def k_fn(vals_hbm, rowp_hbm, colp_hbm, out_hbm,
             vals_v, row_v, col_v, valbuf, zbuf, acc):
        cid = lax.axis_index("c")
        sid = lax.axis_index("s")
        wid = cid * NS + sid
        r0 = sid * stripe

        def zero_body(i, carry):
            zbuf[pl.ds(i * 16, 16)] = jnp.zeros((16,), jnp.float32)
            return carry
        lax.fori_loop(0, zpad // 16, zero_body, 0)
        pltpu.sync_copy(zbuf.at[pl.ds(0, stripe)], acc.at[pl.ds(r0, stripe)])
        plsc.subcore_barrier()

        base = base_of(wid)
        nc_ = count_of(wid)
        base_c = jnp.minimum(base, t - kb)
        off = base - base_c

        if not count_only:
            pltpu.sync_copy(vals_hbm, vals_v)
            pltpu.sync_copy(rowp_hbm.at[pl.ds(base_c, kb)], row_v)
        else:
            for v in range(CH // 16):
                valbuf[pl.ds(v * 16, 16)] = jnp.ones((16,), jnp.float32)
        pltpu.sync_copy(colp_hbm.at[pl.ds(base_c, kb)], col_v)

        def edge_body(j, carry):
            if not count_only:
                for v in range(CH // 16):
                    idx = row_v[off + j, 0, pl.ds(v * 16, 16)]
                    valbuf[pl.ds(v * 16, 16)] = plsc.load_gather(vals_v, [idx])
            pltpu.sync_copy(valbuf, acc.at[col_v.at[off + j, 0]], add=True)
            return carry
        lax.fori_loop(0, nc_, edge_body, 0)

        plsc.subcore_barrier()
        pltpu.sync_copy(acc.at[pl.ds(r0, stripe)], zbuf.at[pl.ds(0, stripe)])
        pltpu.sync_copy(zbuf.at[pl.ds(0, stripe)],
                        out_hbm.at[pl.ds(cid * acc_rows + r0, stripe)])

    return k_fn(vals, rowp, colp).reshape(NC, acc_rows)


def _sc_row_segsum(y, rowp, colp, t, acc_rows, stripe):
    n, f = y.shape
    base_n, extra, base_of, count_of = _chunk_assignment(t)
    npairs = base_n // 2
    mesh = plsc.VectorSubcoreMesh(core_axis_name="c", subcore_axis_name="s")

    @functools.partial(
        pl.kernel,
        out_type=jax.ShapeDtypeStruct((NC, acc_rows, f), jnp.float32),
        mesh=mesh,
        scratch_types=[
            pltpu.VMEM((1, CH), jnp.int32),
            pltpu.VMEM((1, CH), jnp.int32),
            pltpu.VMEM((1, CH), jnp.int32),
            pltpu.VMEM((1, CH), jnp.int32),
            pltpu.VMEM((CH, f), jnp.float32),
            pltpu.VMEM((CH, f), jnp.float32),
            pltpu.VMEM_SHARED((acc_rows, f), jnp.float32),
            pltpu.SemaphoreType.DMA,
            pltpu.SemaphoreType.DMA,
            pltpu.SemaphoreType.DMA,
            pltpu.SemaphoreType.DMA,
        ],
    )
    def k_fn(y_hbm, rowp_hbm, colp_hbm, out_hbm,
             ri_a, ri_b, ci_a, ci_b, buf_a, buf_b, acc,
             sem_a, sem_b, sem_ia, sem_ib):
        cid = lax.axis_index("c")
        sid = lax.axis_index("s")
        wid = cid * NS + sid
        r0 = sid * stripe
        base = base_of(wid)
        nc_ = count_of(wid)

        def idx_start(j, ri, ci, sem):
            pltpu.async_copy(rowp_hbm.at[base + j], ri, sem)
            pltpu.async_copy(colp_hbm.at[base + j], ci, sem)

        def idx_wait(j, ri, ci, sem):
            pltpu.make_async_copy(rowp_hbm.at[base + j], ri, sem).wait()
            pltpu.make_async_copy(colp_hbm.at[base + j], ci, sem).wait()

        def gather_start(ri, buf, sem):
            pltpu.async_copy(y_hbm.at[ri.at[0]], buf, sem)

        def gather_wait(ri, buf, sem):
            pltpu.make_async_copy(y_hbm.at[ri.at[0]], buf, sem).wait()

        idx_start(0, ri_a, ci_a, sem_ia)
        idx_start(1, ri_b, ci_b, sem_ib)

        def zr(r, carry):
            def zc(c, inner):
                buf_a[r, pl.ds(c * 16, 16)] = jnp.zeros((16,), jnp.float32)
                return inner
            return lax.fori_loop(0, f // 16, zc, carry)
        lax.fori_loop(0, CH, zr, 0)
        nfull, rem = stripe // CH, stripe % CH
        for q in range(nfull):
            pltpu.sync_copy(buf_a, acc.at[pl.ds(r0 + q * CH, CH)])
        if rem:
            pltpu.sync_copy(buf_a.at[pl.ds(0, rem)],
                            acc.at[pl.ds(r0 + nfull * CH, rem)])
        plsc.subcore_barrier()

        idx_wait(0, ri_a, ci_a, sem_ia)
        gather_start(ri_a, buf_a, sem_a)

        def body(i, carry):
            j0 = 2 * i
            gather_wait(ri_a, buf_a, sem_a)
            idx_wait(j0 + 1, ri_b, ci_b, sem_ib)
            gather_start(ri_b, buf_b, sem_b)
            pltpu.sync_copy(buf_a, acc.at[ci_a.at[0]], add=True)

            @pl.when(i < npairs - 1)
            def _():
                idx_start(j0 + 2, ri_a, ci_a, sem_ia)

            gather_wait(ri_b, buf_b, sem_b)

            @pl.when(i < npairs - 1)
            def _():
                idx_wait(j0 + 2, ri_a, ci_a, sem_ia)
                gather_start(ri_a, buf_a, sem_a)

            pltpu.sync_copy(buf_b, acc.at[ci_b.at[0]], add=True)

            @pl.when(i < npairs - 1)
            def _():
                idx_start(j0 + 3, ri_b, ci_b, sem_ib)
            return carry
        lax.fori_loop(0, npairs, body, 0)

        def tail_body(j, carry):
            idx_start(j, ri_a, ci_a, sem_ia)
            idx_wait(j, ri_a, ci_a, sem_ia)
            gather_start(ri_a, buf_a, sem_a)
            gather_wait(ri_a, buf_a, sem_a)
            pltpu.sync_copy(buf_a, acc.at[ci_a.at[0]], add=True)
            return carry
        lax.fori_loop(2 * npairs, nc_, tail_body, 0)

        plsc.subcore_barrier()
        pltpu.sync_copy(acc.at[pl.ds(r0, stripe), :],
                        out_hbm.at[cid, pl.ds(r0, stripe), :])

    return k_fn(y, rowp, colp)


def _tc_mm_heads(x, w1, o, wl, blr):
    n, f = x.shape
    br = 1000

    def body(x_ref, w_ref, o_ref, wl_ref, bl_ref, xw_ref, ohe_ref):
        xw_ref[...] = jnp.dot(x_ref[...], w_ref[...],
                              preferred_element_type=jnp.float32)
        ohe_ref[...] = jnp.dot(
            o_ref[...], wl_ref[...], preferred_element_type=jnp.float32
        ) + bl_ref[...]

    return pl.pallas_call(
        body,
        grid=(n // br,),
        in_specs=[
            pl.BlockSpec((br, f), lambda i: (i, 0)),
            pl.BlockSpec((f, f), lambda i: (0, 0)),
            pl.BlockSpec((br, 4), lambda i: (i, 0)),
            pl.BlockSpec((4, 1), lambda i: (0, 0)),
            pl.BlockSpec((1, 1), lambda i: (0, 0)),
        ],
        out_specs=[pl.BlockSpec((br, f), lambda i: (i, 0)),
                   pl.BlockSpec((br, 1), lambda i: (i, 0))],
        out_shape=[jax.ShapeDtypeStruct((n, f), jnp.float32),
                   jax.ShapeDtypeStruct((n, 1), jnp.float32)],
    )(x, w1, o, wl, blr)


def _tc_scale(xw, deg_t):
    n, f = xw.shape
    br = 1000

    def body(xw_ref, d_ref, y_ref, dinv_ref):
        deg = 1.0 + d_ref[:, 0:1] + d_ref[:, 1:2]
        dinv = lax.rsqrt(deg)
        y_ref[...] = dinv * xw_ref[...]
        dinv_ref[...] = dinv

    return pl.pallas_call(
        body,
        grid=(n // br,),
        in_specs=[
            pl.BlockSpec((br, f), lambda i: (i, 0)),
            pl.BlockSpec((br, NC), lambda i: (i, 0)),
        ],
        out_specs=[pl.BlockSpec((br, f), lambda i: (i, 0)),
                   pl.BlockSpec((br, 1), lambda i: (i, 0))],
        out_shape=[jax.ShapeDtypeStruct((n, f), jnp.float32),
                   jax.ShapeDtypeStruct((n, 1), jnp.float32)],
    )(xw, deg_t)


def _tc_layer2_in(sparts, y, dinv, b1r, w2):
    n, f = y.shape
    br = 1000

    def body(sp_ref, y_ref, d_ref, b1_ref, w2_ref, t_ref):
        s = sp_ref[0] + sp_ref[1]
        dinv = d_ref[...]
        h = jnp.maximum(dinv * (s + y_ref[...]) + b1_ref[...], 0.0)
        z = jnp.dot(h, w2_ref[...], preferred_element_type=jnp.float32)
        t_ref[...] = dinv * z

    return pl.pallas_call(
        body,
        grid=(n // br,),
        in_specs=[
            pl.BlockSpec((NC, br, f), lambda i: (0, i, 0)),
            pl.BlockSpec((br, f), lambda i: (i, 0)),
            pl.BlockSpec((br, 1), lambda i: (i, 0)),
            pl.BlockSpec((1, f), lambda i: (0, 0)),
            pl.BlockSpec((f, 1), lambda i: (0, 0)),
        ],
        out_specs=pl.BlockSpec((br, 1), lambda i: (i, 0)),
        out_shape=jax.ShapeDtypeStruct((n, 1), jnp.float32),
    )(sparts, y, dinv, b1r, w2)


def _tc_xm(s2_t, t, dinv, b2r):
    n = t.shape[0]
    br = 1000

    def body(s2_ref, t_ref, d_ref, b2_ref, xm_ref):
        s2 = s2_ref[:, 0:1] + s2_ref[:, 1:2]
        xm_ref[...] = d_ref[...] * (s2 + t_ref[...]) + b2_ref[...]

    return pl.pallas_call(
        body,
        grid=(n // br,),
        in_specs=[
            pl.BlockSpec((br, NC), lambda i: (i, 0)),
            pl.BlockSpec((br, 1), lambda i: (i, 0)),
            pl.BlockSpec((br, 1), lambda i: (i, 0)),
            pl.BlockSpec((1, 1), lambda i: (0, 0)),
        ],
        out_specs=pl.BlockSpec((br, 1), lambda i: (i, 0)),
        out_shape=jax.ShapeDtypeStruct((n, 1), jnp.float32),
    )(s2_t, t, dinv, b2r)


def _tc_broadcast(xm_row, ohe):
    n = ohe.shape[0]
    br = 200

    def body(xm_ref, ohe_ref, out_ref):
        out_ref[...] = ohe_ref[...] + xm_ref[...]

    return pl.pallas_call(
        body,
        grid=(n // br,),
        in_specs=[
            pl.BlockSpec((1, n), lambda i: (0, 0)),
            pl.BlockSpec((br, 1), lambda i: (i, 0)),
        ],
        out_specs=pl.BlockSpec((br, n), lambda i: (i, 0)),
        out_shape=jax.ShapeDtypeStruct((n, n), jnp.float32),
    )(xm_row, ohe)


def kernel(x, o, edge_index, W1, b1, W2, b2, Wl, bl):
    n, f = x.shape
    e = edge_index.shape[1]

    stripe = ((-(-n // NS) + 7) // 8) * 8
    acc_rows = stripe * NS
    if acc_rows <= n:
        stripe += 8
        acc_rows = stripe * NS

    ei = edge_index.astype(jnp.int32)
    if e % CH:
        padn = CH - e % CH
        pidx = jnp.arange(padn, dtype=jnp.int32)
        ei = jnp.concatenate(
            [ei, jnp.stack([pidx % n, n + pidx % (acc_rows - n)])], axis=1)
    t_chunks = ei.shape[1] // CH
    rowp = ei[0].reshape(t_chunks, 1, CH)
    colp = ei[1].reshape(t_chunks, 1, CH)

    xw, ohe = _tc_mm_heads(x, W1, o, Wl, bl.reshape(1, 1))
    ones = jnp.ones((n,), jnp.float32)
    degp = _sc_scalar_segsum(ones, rowp, colp, n, t_chunks, acc_rows, stripe,
                             count_only=True)
    deg_t = degp[:, :n].T

    y, dinv = _tc_scale(xw, deg_t)

    sparts = _sc_row_segsum(y, rowp, colp, t_chunks, acc_rows, stripe)

    t = _tc_layer2_in(sparts, y, dinv, b1.reshape(1, f), W2)

    s2p = _sc_scalar_segsum(t.reshape(n), rowp, colp, n, t_chunks,
                            acc_rows, stripe)
    s2_t = s2p[:, :n].T

    xm = _tc_xm(s2_t, t, dinv, b2.reshape(1, 1))
    return _tc_broadcast(xm.reshape(1, n), ohe)

# --- scband reference (transcript-rebuilt; emitter-appended) ---
"""Pipeline reference for scband-gcn-oh-1614907703640 (READ-ONLY COPY).

The authoritative reference and input builder live on the scoring server;
editing this copy changes nothing except your own understanding.
"""

import jax, jax.numpy as jnp
import numpy as np

N_NODES = 10000


def gcn_conv(x, edge_index, W, b, num_nodes):
    # PyG GCNConv: x' = D^{-1/2} (A + I) D^{-1/2} X W + b
    xw = x @ W
    row = edge_index[0]
    col = edge_index[1]
    loop = jnp.arange(num_nodes, dtype=edge_index.dtype)
    row = jnp.concatenate([row, loop])
    col = jnp.concatenate([col, loop])
    deg = jnp.zeros((num_nodes,), dtype=xw.dtype).at[col].add(1.0)
    deg_inv_sqrt = jnp.where(deg > 0, 1.0 / jnp.sqrt(deg), 0.0)
    norm = deg_inv_sqrt[row] * deg_inv_sqrt[col]
    msgs = xw[row] * norm[:, None]
    out = jax.ops.segment_sum(msgs, col, num_segments=num_nodes)
    return out + b


def setup_inputs(seed: int = 0) -> dict:
    key = jax.random.key(seed)
    ks = jax.random.split(key, 10)
    num_features = 128
    hidden = 128
    x = jax.random.normal(ks[0], (N_NODES, num_features), dtype=jnp.float32)
    o = jax.random.normal(ks[1], (N_NODES, 4), dtype=jnp.float32)
    edge_index = jax.random.randint(ks[2], (2, 320000), 0, N_NODES, dtype=jnp.int64)
    s1 = 1.0 / np.sqrt(num_features)
    s2 = 1.0 / np.sqrt(hidden)
    W1 = jax.random.uniform(ks[3], (num_features, hidden), minval=-s1, maxval=s1, dtype=jnp.float32)
    b1 = jnp.zeros((hidden,), dtype=jnp.float32)
    W2 = jax.random.uniform(ks[4], (hidden, 1), minval=-s2, maxval=s2, dtype=jnp.float32)
    b2 = jnp.zeros((1,), dtype=jnp.float32)
    sl = 1.0 / np.sqrt(4.0)
    Wl = jax.random.uniform(ks[5], (4, 1), minval=-sl, maxval=sl, dtype=jnp.float32)
    bl = jax.random.uniform(ks[6], (1,), minval=-sl, maxval=sl, dtype=jnp.float32)
    return {"x": x, "o": o, "edge_index": edge_index, "W1": W1, "b1": b1, "W2": W2, "b2": b2, "Wl": Wl, "bl": bl}


def reference(x, o, edge_index, W1, b1, W2, b2, Wl, bl):
    num_nodes = x.shape[0]
    h = gcn_conv(x, edge_index, W1, b1, num_nodes)
    h = jax.nn.relu(h)
    h2 = gcn_conv(h, edge_index, W2, b2, num_nodes)  # [N, 1]
    xm = h2.mean(axis=1)  # [N]
    ohe = o @ Wl + bl  # [N, 1]
    # torch broadcasting: [N] + [N, 1] -> [N, N]
    out = xm + ohe
    return out

if __name__ == "__main__":
    import jax
    _d = setup_inputs()
    print(jax.jit(kernel)(*tuple(_d.values())))

</pallas_src>

<mosaic_0001>
#map = affine_map<(d0, d1) -> (0)>
#map1 = affine_map<(d0, d1) -> (0, 0, 0)>
module attributes {stable_mosaic.version = 14 : i64} {
  func.func @k_fn(%arg0: i32, %arg1: i32, %arg2: memref<10000xf32, #tpu.memory_space<hbm>>, %arg3: memref<2500x1x128xi32, #tpu.memory_space<hbm>>, %arg4: memref<2500x1x128xi32, #tpu.memory_space<hbm>>, %arg5: memref<20224xf32, #tpu.memory_space<hbm>>, %arg6: memref<10000xf32, #tpu.memory_space<vmem>>, %arg7: memref<79x1x128xi32, #tpu.memory_space<vmem>>, %arg8: memref<79x1x128xi32, #tpu.memory_space<vmem>>, %arg9: memref<128xf32, #tpu.memory_space<vmem>>, %arg10: memref<640xf32, #tpu.memory_space<vmem>>, %arg11: memref<10112xf32, #tpu.memory_space<vmem_shared>>) attributes {dimension_semantics = [#tpu.dimension_semantics<core_parallel>, #tpu.dimension_semantics<subcore_parallel>], iteration_bounds = array<i64: 2, 16>, scalar_prefetch = 0 : i64, scratch_operands = 6 : i64, tpu.core_type = #tpu.core_type<sc_vector_subcore>, window_params = [{transform_indices = #map}, {transform_indices = #map1}, {transform_indices = #map1}, {transform_indices = #map}]} {
    %mul3A = arith.constant 16 : i32
    %mul3A_0 = arith.muli %arg0, %mul3A : i32
    %add3A = arith.addi %mul3A_0, %arg1 : i32
    %mul3A_1 = arith.constant 632 : i32
    %mul3A_2 = arith.muli %arg1, %mul3A_1 : i32
    %scan3A = arith.constant 0 : i32
    %scan3A_3 = arith.constant 0 : i32
    %scan3A_4 = arith.constant 40 : i32
    %scan3A_5 = arith.addi %scan3A_3, %scan3A_4 : i32
    %scan3A_6 = arith.constant 1 : i32
    scf.for %scan3A_30 = %scan3A_3 to %scan3A_5 step %scan3A_6  : i32 {
      %broadcast_in_dim3A = arith.constant 0.000000e+00 : f32
      %broadcast_in_dim3A_31 = vector.broadcast %broadcast_in_dim3A : f32 to vector<16xf32>
      %mul3A_32 = arith.constant 16 : i32
      %mul3A_33 = arith.muli %scan3A_30, %mul3A_32 : i32
      %swap3A = arith.index_cast %mul3A_33 : i32 to index
      %swap3A_34 = tpu.vector_load %arg10[%swap3A] {strides = array<i32>} : memref<640xf32, #tpu.memory_space<vmem>>, vector<16xf32>,
      tpu.vector_store %arg10[%swap3A], %broadcast_in_dim3A_31 {strides = array<i32>} : memref<640xf32, #tpu.memory_space<vmem>>, vector<16xf32>,
    }
    %scan3A_7 = arith.constant 40 : i32
    "tpu.region"() ({
      %run_scoped3A = tpu.sem_alloc : memref<!tpu.dma_semaphore, #tpu.memory_space<semaphore_mem>>
      %dma_start3A = arith.constant 0 : i32
      %dma_start3A_30 = tpu.memref_slice %arg10[%dma_start3A] : memref<640xf32, #tpu.memory_space<vmem>> -> memref<632xf32, #tpu.memory_space<vmem>>
      %dma_start3A_31 = tpu.memref_slice %arg11[%mul3A_2] : memref<10112xf32, #tpu.memory_space<vmem_shared>> -> memref<632xf32, #tpu.memory_space<vmem_shared>>
      %dma_start3A_32 = tpu.memref_slice %arg11[%mul3A_2] : memref<10112xf32, #tpu.memory_space<vmem_shared>> -> memref<632xf32, #tpu.memory_space<vmem_shared>>
      %dma_start3A_33 = arith.constant 0 : i32
      %dma_start3A_34 = tpu.memref_slice %arg10[%dma_start3A_33] : memref<640xf32, #tpu.memory_space<vmem>> -> memref<632xf32, #tpu.memory_space<vmem>>
      tpu.enqueue_dma source(%dma_start3A_34 : memref<632xf32, #tpu.memory_space<vmem>>) target(%dma_start3A_32 : memref<632xf32, #tpu.memory_space<vmem_shared>>) target_semaphore(%run_scoped3A : memref<!tpu.dma_semaphore, #tpu.memory_space<semaphore_mem>>)
      %dma_wait3A = arith.constant 0 : i32
      %dma_wait3A_35 = tpu.memref_slice %arg10[%dma_wait3A] : memref<640xf32, #tpu.memory_space<vmem>> -> memref<632xf32, #tpu.memory_space<vmem>>
      %dma_wait3A_36 = tpu.memref_slice %arg11[%mul3A_2] : memref<10112xf32, #tpu.memory_space<vmem_shared>> -> memref<632xf32, #tpu.memory_space<vmem_shared>>
      %dma_wait3A_37 = tpu.memref_slice %arg11[%mul3A_2] : memref<10112xf32, #tpu.memory_space<vmem_shared>> -> memref<632xf32, #tpu.memory_space<vmem_shared>>
      %dma_wait3A_38 = arith.constant 0 : i32
      %dma_wait3A_39 = tpu.memref_slice %arg10[%dma_wait3A_38] : memref<640xf32, #tpu.memory_space<vmem>> -> memref<632xf32, #tpu.memory_space<vmem>>
      tpu.wait_dma2 semaphore(%run_scoped3A : memref<!tpu.dma_semaphore, #tpu.memory_space<semaphore_mem>>) src(%dma_wait3A_39 : memref<632xf32, #tpu.memory_space<vmem>>) dst(%dma_wait3A_37 : memref<632xf32, #tpu.memory_space<vmem_shared>>)
      tpu.yield
    }) : () -> ()
    %barrier3A = arith.constant 0 : index
    tpu.barrier barrier_id(%barrier3A)
    %mul3A_8 = arith.constant 78 : i32
    %mul3A_9 = arith.muli %add3A, %mul3A_8 : i32
    %min3A = arith.constant 4 : i32
    %min3A_10 = arith.minsi %add3A, %min3A : i32
    %add3A_11 = arith.addi %mul3A_9, %min3A_10 : i32
    %lt3A = arith.constant 4 : i32
    %lt3A_12 = arith.cmpi slt, %add3A, %lt3A : i32
    %convert_element_type3A = arith.extui %lt3A_12 : i1 to i32
    %add3A_13 = arith.constant 78 : i32
    %add3A_14 = arith.addi %add3A_13, %convert_element_type3A : i32
    %min3A_15 = arith.constant 2421 : i32
    %min3A_16 = arith.minsi %add3A_11, %min3A_15 : i32
    %sub3A = arith.subi %add3A_11, %min3A_16 : i32
    "tpu.region"() ({
      %run_scoped3A = tpu.sem_alloc : memref<!tpu.dma_semaphore, #tpu.memory_space<semaphore_mem>>
      tpu.enqueue_dma source(%arg2 : memref<10000xf32, #tpu.memory_space<hbm>>) target(%arg6 : memref<10000xf32, #tpu.memory_space<vmem>>) target_semaphore(%run_scoped3A : memref<!tpu.dma_semaphore, #tpu.memory_space<semaphore_mem>>)
      tpu.wait_dma2 semaphore(%run_scoped3A : memref<!tpu.dma_semaphore, #tpu.memory_space<semaphore_mem>>) src(%arg2 : memref<10000xf32, #tpu.memory_space<hbm>>) dst(%arg6 : memref<10000xf32, #tpu.memory_space<vmem>>)
      tpu.yield
    }) : () -> ()
    "tpu.region"() ({
      %run_scoped3A = tpu.sem_alloc : memref<!tpu.dma_semaphore, #tpu.memory_space<semaphore_mem>>
      %dma_start3A = arith.constant 0 : i32
      %dma_start3A_30 = arith.constant 0 : i32
      %dma_start3A_31 = tpu.memref_slice %arg3[%min3A_16, %dma_start3A, %dma_start3A_30] : memref<2500x1x128xi32, #tpu.memory_space<hbm>> -> memref<79x1x128xi32, #tpu.memory_space<hbm>>
      %dma_start3A_32 = arith.constant 0 : i32
      %dma_start3A_33 = arith.constant 0 : i32
      %dma_start3A_34 = tpu.memref_slice %arg3[%min3A_16, %dma_start3A_32, %dma_start3A_33] : memref<2500x1x128xi32, #tpu.memory_space<hbm>> -> memref<79x1x128xi32, #tpu.memory_space<hbm>>
      tpu.enqueue_dma source(%dma_start3A_34 : memref<79x1x128xi32, #tpu.memory_space<hbm>>) target(%arg7 : memref<79x1x128xi32, #tpu.memory_space<vmem>>) target_semaphore(%run_scoped3A : memref<!tpu.dma_semaphore, #tpu.memory_space<semaphore_mem>>)
      %dma_wait3A = arith.constant 0 : i32
      %dma_wait3A_35 = arith.constant 0 : i32
      %dma_wait3A_36 = tpu.memref_slice %arg3[%min3A_16, %dma_wait3A, %dma_wait3A_35] : memref<2500x1x128xi32, #tpu.memory_space<hbm>> -> memref<79x1x128xi32, #tpu.memory_space<hbm>>
      %dma_wait3A_37 = arith.constant 0 : i32
      %dma_wait3A_38 = arith.constant 0 : i32
      %dma_wait3A_39 = tpu.memref_slice %arg3[%min3A_16, %dma_wait3A_37, %dma_wait3A_38] : memref<2500x1x128xi32, #tpu.memory_space<hbm>> -> memref<79x1x128xi32, #tpu.memory_space<hbm>>
      tpu.wait_dma2 semaphore(%run_scoped3A : memref<!tpu.dma_semaphore, #tpu.memory_space<semaphore_mem>>) src(%dma_wait3A_39 : memref<79x1x128xi32, #tpu.memory_space<hbm>>) dst(%arg7 : memref<79x1x128xi32, #tpu.memory_space<vmem>>)
      tpu.yield
    }) : () -> ()
    "tpu.region"() ({
      %run_scoped3A = tpu.sem_alloc : memref<!tpu.dma_semaphore, #tpu.memory_space<semaphore_mem>>
      %dma_start3A = arith.constant 0 : i32
      %dma_start3A_30 = arith.constant 0 : i32
      %dma_start3A_31 = tpu.memref_slice %arg4[%min3A_16, %dma_start3A, %dma_start3A_30] : memref<2500x1x128xi32, #tpu.memory_space<hbm>> -> memref<79x1x128xi32, #tpu.memory_space<hbm>>
      %dma_start3A_32 = arith.constant 0 : i32
      %dma_start3A_33 = arith.constant 0 : i32
      %dma_start3A_34 = tpu.memref_slice %arg4[%min3A_16, %dma_start3A_32, %dma_start3A_33] : memref<2500x1x128xi32, #tpu.memory_space<hbm>> -> memref<79x1x128xi32, #tpu.memory_space<hbm>>
      tpu.enqueue_dma source(%dma_start3A_34 : memref<79x1x128xi32, #tpu.memory_space<hbm>>) target(%arg8 : memref<79x1x128xi32, #tpu.memory_space<vmem>>) target_semaphore(%run_scoped3A : memref<!tpu.dma_semaphore, #tpu.memory_space<semaphore_mem>>)
      %dma_wait3A = arith.constant 0 : i32
      %dma_wait3A_35 = arith.constant 0 : i32
      %dma_wait3A_36 = tpu.memref_slice %arg4[%min3A_16, %dma_wait3A, %dma_wait3A_35] : memref<2500x1x128xi32, #tpu.memory_space<hbm>> -> memref<79x1x128xi32, #tpu.memory_space<hbm>>
      %dma_wait3A_37 = arith.constant 0 : i32
      %dma_wait3A_38 = arith.constant 0 : i32
      %dma_wait3A_39 = tpu.memref_slice %arg4[%min3A_16, %dma_wait3A_37, %dma_wait3A_38] : memref<2500x1x128xi32, #tpu.memory_space<hbm>> -> memref<79x1x128xi32, #tpu.memory_space<hbm>>
      tpu.wait_dma2 semaphore(%run_scoped3A : memref<!tpu.dma_semaphore, #tpu.memory_space<semaphore_mem>>) src(%dma_wait3A_39 : memref<79x1x128xi32, #tpu.memory_space<hbm>>) dst(%arg8 : memref<79x1x128xi32, #tpu.memory_space<vmem>>)
      tpu.yield
    }) : () -> ()
    %while3A = arith.constant 0 : i32
    %while3A_17 = arith.constant 0 : i32
    %while3A_18 = arith.subi %add3A_14, %while3A_17 : i32
    %while3A_19 = arith.addi %while3A_17, %while3A_18 : i32
    %while3A_20 = arith.constant 1 : i32
    %while3A_21 = arith.divsi %while3A_18, %while3A_20 : i32
    %while3A_22 = arith.muli %while3A_21, %while3A_20 : i32
    %while3A_23 = arith.addi %while3A_17, %while3A_22 : i32
    %while3A_24 = arith.constant 1 : i32
    scf.for %while3A_30 = %while3A_17 to %while3A_23 step %while3A_24  : i32 {
      %add3A_31 = arith.addi %sub3A, %while3A_30 : i32
      %get3A = arith.constant 0 : i32
      %get3A_32 = arith.index_cast %add3A_31 : i32 to index
      %get3A_33 = arith.index_cast %get3A : i32 to index
      %get3A_34 = arith.constant 0 : index
      %get3A_35 = tpu.vector_load %arg7[%get3A_32, %get3A_33, %get3A_34] {strides = array<i32>} : memref<79x1x128xi32, #tpu.memory_space<vmem>>, vector<16xi32>,
      %gather3A = tpu.vector_load_idx %arg6[%get3A_35] : memref<10000xf32, #tpu.memory_space<vmem>>[vector<16xi32>], vector<16xf32>,
      %swap3A = arith.constant 0 : index
      %swap3A_36 = tpu.vector_load %arg9[%swap3A] {strides = array<i32>} : memref<128xf32, #tpu.memory_space<vmem>>, vector<16xf32>,
      tpu.vector_store %arg9[%swap3A], %gather3A {strides = array<i32>} : memref<128xf32, #tpu.memory_space<vmem>>, vector<16xf32>,
      %add3A_37 = arith.addi %sub3A, %while3A_30 : i32
      %get3A_38 = arith.constant 0 : i32
      %get3A_39 = arith.index_cast %add3A_37 : i32 to index
      %get3A_40 = arith.index_cast %get3A_38 : i32 to index
      %get3A_41 = arith.constant 16 : index
      %get3A_42 = tpu.vector_load %arg7[%get3A_39, %get3A_40, %get3A_41] {strides = array<i32>} : memref<79x1x128xi32, #tpu.memory_space<vmem>>, vector<16xi32>,
      %gather3A_43 = tpu.vector_load_idx %arg6[%get3A_42] : memref<10000xf32, #tpu.memory_space<vmem>>[vector<16xi32>], vector<16xf32>,
      %swap3A_44 = arith.constant 16 : index
      %swap3A_45 = tpu.vector_load %arg9[%swap3A_44] {strides = array<i32>} : memref<128xf32, #tpu.memory_space<vmem>>, vector<16xf32>,
      tpu.vector_store %arg9[%swap3A_44], %gather3A_43 {strides = array<i32>} : memref<128xf32, #tpu.memory_space<vmem>>, vector<16xf32>,
      %add3A_46 = arith.addi %sub3A, %while3A_30 : i32
      %get3A_47 = arith.constant 0 : i32
      %get3A_48 = arith.index_cast %add3A_46 : i32 to index
      %get3A_49 = arith.index_cast %get3A_47 : i32 to index
      %get3A_50 = arith.constant 32 : index
      %get3A_51 = tpu.vector_load %arg7[%get3A_48, %get3A_49, %get3A_50] {strides = array<i32>} : memref<79x1x128xi32, #tpu.memory_space<vmem>>, vector<16xi32>,
      %gather3A_52 = tpu.vector_load_idx %arg6[%get3A_51] : memref<10000xf32, #tpu.memory_space<vmem>>[vector<16xi32>], vector<16xf32>,
      %swap3A_53 = arith.constant 32 : index
      %swap3A_54 = tpu.vector_load %arg9[%swap3A_53] {strides = array<i32>} : memref<128xf32, #tpu.memory_space<vmem>>, vector<16xf32>,
      tpu.vector_store %arg9[%swap3A_53], %gather3A_52 {strides = array<i32>} : memref<128xf32, #tpu.memory_space<vmem>>, vector<16xf32>,
      %add3A_55 = arith.addi %sub3A, %while3A_30 : i32
      %get3A_56 = arith.constant 0 : i32
      %get3A_57 = arith.index_cast %add3A_55 : i32 to index
      %get3A_58 = arith.index_cast %get3A_56 : i32 to index
      %get3A_59 = arith.constant 48 : index
      %get3A_60 = tpu.vector_load %arg7[%get3A_57, %get3A_58, %get3A_59] {strides = array<i32>} : memref<79x1x128xi32, #tpu.memory_space<vmem>>, vector<16xi32>,
      %gather3A_61 = tpu.vector_load_idx %arg6[%get3A_60] : memref<10000xf32, #tpu.memory_space<vmem>>[vector<16xi32>], vector<16xf32>,
      %swap3A_62 = arith.constant 48 : index
      %swap3A_63 = tpu.vector_load %arg9[%swap3A_62] {strides = array<i32>} : memref<128xf32, #tpu.memory_space<vmem>>, vector<16xf32>,
      tpu.vector_store %arg9[%swap3A_62], %gather3A_61 {strides = array<i32>} : memref<128xf32, #tpu.memory_space<vmem>>, vector<16xf32>,
      %add3A_64 = arith.addi %sub3A, %while3A_30 : i32
      %get3A_65 = arith.constant 0 : i32
      %get3A_66 = arith.index_cast %add3A_64 : i32 to index
      %get3A_67 = arith.index_cast %get3A_65 : i32 to index
      %get3A_68 = arith.constant 64 : index
      %get3A_69 = tpu.vector_load %arg7[%get3A_66, %get3A_67, %get3A_68] {strides = array<i32>} : memref<79x1x128xi32, #tpu.memory_space<vmem>>, vector<16xi32>,
      %gather3A_70 = tpu.vector_load_idx %arg6[%get3A_69] : memref<10000xf32, #tpu.memory_space<vmem>>[vector<16xi32>], vector<16xf32>,
      %swap3A_71 = arith.constant 64 : index
      %swap3A_72 = tpu.vector_load %arg9[%swap3A_71] {strides = array<i32>} : memref<128xf32, #tpu.memory_space<vmem>>, vector<16xf32>,
      tpu.vector_store %arg9[%swap3A_71], %gather3A_70 {strides = array<i32>} : memref<128xf32, #tpu.memory_space<vmem>>, vector<16xf32>,
      %add3A_73 = arith.addi %sub3A, %while3A_30 : i32
      %get3A_74 = arith.constant 0 : i32
      %get3A_75 = arith.index_cast %add3A_73 : i32 to index
      %get3A_76 = arith.index_cast %get3A_74 : i32 to index
      %get3A_77 = arith.constant 80 : index
      %get3A_78 = tpu.vector_load %arg7[%get3A_75, %get3A_76, %get3A_77] {strides = array<i32>} : memref<79x1x128xi32, #tpu.memory_space<vmem>>, vector<16xi32>,
      %gather3A_79 = tpu.vector_load_idx %arg6[%get3A_78] : memref<10000xf32, #tpu.memory_space<vmem>>[vector<16xi32>], vector<16xf32>,
      %swap3A_80 = arith.constant 80 : index
      %swap3A_81 = tpu.vector_load %arg9[%swap3A_80] {strides = array<i32>} : memref<128xf32, #tpu.memory_space<vmem>>, vector<16xf32>,
      tpu.vector_store %arg9[%swap3A_80], %gather3A_79 {strides = array<i32>} : memref<128xf32, #tpu.memory_space<vmem>>, vector<16xf32>,
      %add3A_82 = arith.addi %sub3A, %while3A_30 : i32
      %get3A_83 = arith.constant 0 : i32
      %get3A_84 = arith.index_cast %add3A_82 : i32 to index
      %get3A_85 = arith.index_cast %get3A_83 : i32 to index
      %get3A_86 = arith.constant 96 : index
      %get3A_87 = tpu.vector_load %arg7[%get3A_84, %get3A_85, %get3A_86] {strides = array<i32>} : memref<79x1x128xi32, #tpu.memory_space<vmem>>, vector<16xi32>,
      %gather3A_88 = tpu.vector_load_idx %arg6[%get3A_87] : memref<10000xf32, #tpu.memory_space<vmem>>[vector<16xi32>], vector<16xf32>,
      %swap3A_89 = arith.constant 96 : index
      %swap3A_90 = tpu.vector_load %arg9[%swap3A_89] {strides = array<i32>} : memref<128xf32, #tpu.memory_space<vmem>>, vector<16xf32>,
      tpu.vector_store %arg9[%swap3A_89], %gather3A_88 {strides = array<i32>} : memref<128xf32, #tpu.memory_space<vmem>>, vector<16xf32>,
      %add3A_91 = arith.addi %sub3A, %while3A_30 : i32
      %get3A_92 = arith.constant 0 : i32
      %get3A_93 = arith.index_cast %add3A_91 : i32 to index
      %get3A_94 = arith.index_cast %get3A_92 : i32 to index
      %get3A_95 = arith.constant 112 : index
      %get3A_96 = tpu.vector_load %arg7[%get3A_93, %get3A_94, %get3A_95] {strides = array<i32>} : memref<79x1x128xi32, #tpu.memory_space<vmem>>, vector<16xi32>,
      %gather3A_97 = tpu.vector_load_idx %arg6[%get3A_96] : memref<10000xf32, #tpu.memory_space<vmem>>[vector<16xi32>], vector<16xf32>,
      %swap3A_98 = arith.constant 112 : index
      %swap3A_99 = tpu.vector_load %arg9[%swap3A_98] {strides = array<i32>} : memref<128xf32, #tpu.memory_space<vmem>>, vector<16xf32>,
      tpu.vector_store %arg9[%swap3A_98], %gather3A_97 {strides = array<i32>} : memref<128xf32, #tpu.memory_space<vmem>>, vector<16xf32>,
      %add3A_100 = arith.addi %sub3A, %while3A_30 : i32
      %run_scoped3A = arith.constant 0 : i32
      "tpu.region"() ({
        %run_scoped3A_101 = tpu.sem_alloc : memref<!tpu.dma_semaphore, #tpu.memory_space<semaphore_mem>>
        %dma_start3A = arith.constant 0 : i32
        %dma_start3A_102 = tpu.memref_slice %arg8[%add3A_100, %run_scoped3A, %dma_start3A] : memref<79x1x128xi32, #tpu.memory_space<vmem>> -> memref<1x1x128xi32, #tpu.memory_space<vmem>>
        %dma_start3A_103 = tpu.memref_squeeze %dma_start3A_102 : memref<1x1x128xi32, #tpu.memory_space<vmem>> -> memref<128xi32, #tpu.memory_space<vmem>>
        %dma_start3A_104 = arith.constant 0 : i32
        %dma_start3A_105 = tpu.memref_slice %arg11[%dma_start3A_104] : memref<10112xf32, #tpu.memory_space<vmem_shared>> -> memref<10112xf32, #tpu.memory_space<vmem_shared>>
        tpu.enqueue_indirect_dma source(%arg9 : memref<128xf32, #tpu.memory_space<vmem>>) target(%dma_start3A_105 : memref<10112xf32, #tpu.memory_space<vmem_shared>>) offsets(%dma_start3A_103 : memref<128xi32, #tpu.memory_space<vmem>>) semaphore(%run_scoped3A_101 : memref<!tpu.dma_semaphore, #tpu.memory_space<semaphore_mem>>) {add = true}
        %dma_wait3A = arith.constant 0 : i32
        %dma_wait3A_106 = tpu.memref_slice %arg8[%add3A_100, %run_scoped3A, %dma_wait3A] : memref<79x1x128xi32, #tpu.memory_space<vmem>> -> memref<1x1x128xi32, #tpu.memory_space<vmem>>
        %dma_wait3A_107 = tpu.memref_squeeze %dma_wait3A_106 : memref<1x1x128xi32, #tpu.memory_space<vmem>> -> memref<128xi32, #tpu.memory_space<vmem>>
        %dma_wait3A_108 = arith.constant 0 : i32
        %dma_wait3A_109 = tpu.memref_slice %arg11[%dma_wait3A_108] : memref<10112xf32, #tpu.memory_space<vmem_shared>> -> memref<10112xf32, #tpu.memory_space<vmem_shared>>
        tpu.wait_indirect_dma semaphore(%run_scoped3A_101 : memref<!tpu.dma_semaphore, #tpu.memory_space<semaphore_mem>>) src(%arg9 : memref<128xf32, #tpu.memory_space<vmem>>) dst(%dma_wait3A_109 : memref<10112xf32, #tpu.memory_space<vmem_shared>>)
        tpu.yield
      }) : () -> ()
    }
    %while3A_25 = arith.constant 1 : i32
    scf.for %while3A_30 = %while3A_23 to %while3A_19 step %while3A_25  : i32 {
      %add3A_31 = arith.addi %sub3A, %while3A_30 : i32
      %get3A = arith.constant 0 : i32
      %get3A_32 = arith.index_cast %add3A_31 : i32 to index
      %get3A_33 = arith.index_cast %get3A : i32 to index
      %get3A_34 = arith.constant 0 : index
      %get3A_35 = tpu.vector_load %arg7[%get3A_32, %get3A_33, %get3A_34] {strides = array<i32>} : memref<79x1x128xi32, #tpu.memory_space<vmem>>, vector<16xi32>,
      %gather3A = tpu.vector_load_idx %arg6[%get3A_35] : memref<10000xf32, #tpu.memory_space<vmem>>[vector<16xi32>], vector<16xf32>,
      %swap3A = arith.constant 0 : index
      %swap3A_36 = tpu.vector_load %arg9[%swap3A] {strides = array<i32>} : memref<128xf32, #tpu.memory_space<vmem>>, vector<16xf32>,
      tpu.vector_store %arg9[%swap3A], %gather3A {strides = array<i32>} : memref<128xf32, #tpu.memory_space<vmem>>, vector<16xf32>,
      %add3A_37 = arith.addi %sub3A, %while3A_30 : i32
      %get3A_38 = arith.constant 0 : i32
      %get3A_39 = arith.index_cast %add3A_37 : i32 to index
      %get3A_40 = arith.index_cast %get3A_38 : i32 to index
      %get3A_41 = arith.constant 16 : index
      %get3A_42 = tpu.vector_load %arg7[%get3A_39, %get3A_40, %get3A_41] {strides = array<i32>} : memref<79x1x128xi32, #tpu.memory_space<vmem>>, vector<16xi32>,
      %gather3A_43 = tpu.vector_load_idx %arg6[%get3A_42] : memref<10000xf32, #tpu.memory_space<vmem>>[vector<16xi32>], vector<16xf32>,
      %swap3A_44 = arith.constant 16 : index
      %swap3A_45 = tpu.vector_load %arg9[%swap3A_44] {strides = array<i32>} : memref<128xf32, #tpu.memory_space<vmem>>, vector<16xf32>,
      tpu.vector_store %arg9[%swap3A_44], %gather3A_43 {strides = array<i32>} : memref<128xf32, #tpu.memory_space<vmem>>, vector<16xf32>,
      %add3A_46 = arith.addi %sub3A, %while3A_30 : i32
      %get3A_47 = arith.constant 0 : i32
      %get3A_48 = arith.index_cast %add3A_46 : i32 to index
      %get3A_49 = arith.index_cast %get3A_47 : i32 to index
      %get3A_50 = arith.constant 32 : index
      %get3A_51 = tpu.vector_load %arg7[%get3A_48, %get3A_49, %get3A_50] {strides = array<i32>} : memref<79x1x128xi32, #tpu.memory_space<vmem>>, vector<16xi32>,
      %gather3A_52 = tpu.vector_load_idx %arg6[%get3A_51] : memref<10000xf32, #tpu.memory_space<vmem>>[vector<16xi32>], vector<16xf32>,
      %swap3A_53 = arith.constant 32 : index
      %swap3A_54 = tpu.vector_load %arg9[%swap3A_53] {strides = array<i32>} : memref<128xf32, #tpu.memory_space<vmem>>, vector<16xf32>,
      tpu.vector_store %arg9[%swap3A_53], %gather3A_52 {strides = array<i32>} : memref<128xf32, #tpu.memory_space<vmem>>, vector<16xf32>,
      %add3A_55 = arith.addi %sub3A, %while3A_30 : i32
      %get3A_56 = arith.constant 0 : i32
      %get3A_57 = arith.index_cast %add3A_55 : i32 to index
      %get3A_58 = arith.index_cast %get3A_56 : i32 to index
      %get3A_59 = arith.constant 48 : index
      %get3A_60 = tpu.vector_load %arg7[%get3A_57, %get3A_58, %get3A_59] {strides = array<i32>} : memref<79x1x128xi32, #tpu.memory_space<vmem>>, vector<16xi32>,
      %gather3A_61 = tpu.vector_load_idx %arg6[%get3A_60] : memref<10000xf32, #tpu.memory_space<vmem>>[vector<16xi32>], vector<16xf32>,
      %swap3A_62 = arith.constant 48 : index
      %swap3A_63 = tpu.vector_load %arg9[%swap3A_62] {strides = array<i32>} : memref<128xf32, #tpu.memory_space<vmem>>, vector<16xf32>,
      tpu.vector_store %arg9[%swap3A_62], %gather3A_61 {strides = array<i32>} : memref<128xf32, #tpu.memory_space<vmem>>, vector<16xf32>,
      %add3A_64 = arith.addi %sub3A, %while3A_30 : i32
      %get3A_65 = arith.constant 0 : i32
      %get3A_66 = arith.index_cast %add3A_64 : i32 to index
      %get3A_67 = arith.index_cast %get3A_65 : i32 to index
      %get3A_68 = arith.constant 64 : index
      %get3A_69 = tpu.vector_load %arg7[%get3A_66, %get3A_67, %get3A_68] {strides = array<i32>} : memref<79x1x128xi32, #tpu.memory_space<vmem>>, vector<16xi32>,
      %gather3A_70 = tpu.vector_load_idx %arg6[%get3A_69] : memref<10000xf32, #tpu.memory_space<vmem>>[vector<16xi32>], vector<16xf32>,
      %swap3A_71 = arith.constant 64 : index
      %swap3A_72 = tpu.vector_load %arg9[%swap3A_71] {strides = array<i32>} : memref<128xf32, #tpu.memory_space<vmem>>, vector<16xf32>,
      tpu.vector_store %arg9[%swap3A_71], %gather3A_70 {strides = array<i32>} : memref<128xf32, #tpu.memory_space<vmem>>, vector<16xf32>,
      %add3A_73 = arith.addi %sub3A, %while3A_30 : i32
      %get3A_74 = arith.constant 0 : i32
      %get3A_75 = arith.index_cast %add3A_73 : i32 to index
      %get3A_76 = arith.index_cast %get3A_74 : i32 to index
      %get3A_77 = arith.constant 80 : index
      %get3A_78 = tpu.vector_load %arg7[%get3A_75, %get3A_76, %get3A_77] {strides = array<i32>} : memref<79x1x128xi32, #tpu.memory_space<vmem>>, vector<16xi32>,
      %gather3A_79 = tpu.vector_load_idx %arg6[%get3A_78] : memref<10000xf32, #tpu.memory_space<vmem>>[vector<16xi32>], vector<16xf32>,
      %swap3A_80 = arith.constant 80 : index
      %swap3A_81 = tpu.vector_load %arg9[%swap3A_80] {strides = array<i32>} : memref<128xf32, #tpu.memory_space<vmem>>, vector<16xf32>,
      tpu.vector_store %arg9[%swap3A_80], %gather3A_79 {strides = array<i32>} : memref<128xf32, #tpu.memory_space<vmem>>, vector<16xf32>,
      %add3A_82 = arith.addi %sub3A, %while3A_30 : i32
      %get3A_83 = arith.constant 0 : i32
      %get3A_84 = arith.index_cast %add3A_82 : i32 to index
      %get3A_85 = arith.index_cast %get3A_83 : i32 to index
      %get3A_86 = arith.constant 96 : index
      %get3A_87 = tpu.vector_load %arg7[%get3A_84, %get3A_85, %get3A_86] {strides = array<i32>} : memref<79x1x128xi32, #tpu.memory_space<vmem>>, vector<16xi32>,
      %gather3A_88 = tpu.vector_load_idx %arg6[%get3A_87] : memref<10000xf32, #tpu.memory_space<vmem>>[vector<16xi32>], vector<16xf32>,
      %swap3A_89 = arith.constant 96 : index
      %swap3A_90 = tpu.vector_load %arg9[%swap3A_89] {strides = array<i32>} : memref<128xf32, #tpu.memory_space<vmem>>, vector<16xf32>,
      tpu.vector_store %arg9[%swap3A_89], %gather3A_88 {strides = array<i32>} : memref<128xf32, #tpu.memory_space<vmem>>, vector<16xf32>,
      %add3A_91 = arith.addi %sub3A, %while3A_30 : i32
      %get3A_92 = arith.constant 0 : i32
      %get3A_93 = arith.index_cast %add3A_91 : i32 to index
      %get3A_94 = arith.index_cast %get3A_92 : i32 to index
      %get3A_95 = arith.constant 112 : index
      %get3A_96 = tpu.vector_load %arg7[%get3A_93, %get3A_94, %get3A_95] {strides = array<i32>} : memref<79x1x128xi32, #tpu.memory_space<vmem>>, vector<16xi32>,
      %gather3A_97 = tpu.vector_load_idx %arg6[%get3A_96] : memref<10000xf32, #tpu.memory_space<vmem>>[vector<16xi32>], vector<16xf32>,
      %swap3A_98 = arith.constant 112 : index
      %swap3A_99 = tpu.vector_load %arg9[%swap3A_98] {strides = array<i32>} : memref<128xf32, #tpu.memory_space<vmem>>, vector<16xf32>,
      tpu.vector_store %arg9[%swap3A_98], %gather3A_97 {strides = array<i32>} : memref<128xf32, #tpu.memory_space<vmem>>, vector<16xf32>,
      %add3A_100 = arith.addi %sub3A, %while3A_30 : i32
      %run_scoped3A = arith.constant 0 : i32
      "tpu.region"() ({
        %run_scoped3A_101 = tpu.sem_alloc : memref<!tpu.dma_semaphore, #tpu.memory_space<semaphore_mem>>
        %dma_start3A = arith.constant 0 : i32
        %dma_start3A_102 = tpu.memref_slice %arg8[%add3A_100, %run_scoped3A, %dma_start3A] : memref<79x1x128xi32, #tpu.memory_space<vmem>> -> memref<1x1x128xi32, #tpu.memory_space<vmem>>
        %dma_start3A_103 = tpu.memref_squeeze %dma_start3A_102 : memref<1x1x128xi32, #tpu.memory_space<vmem>> -> memref<128xi32, #tpu.memory_space<vmem>>
        %dma_start3A_104 = arith.constant 0 : i32
        %dma_start3A_105 = tpu.memref_slice %arg11[%dma_start3A_104] : memref<10112xf32, #tpu.memory_space<vmem_shared>> -> memref<10112xf32, #tpu.memory_space<vmem_shared>>
        tpu.enqueue_indirect_dma source(%arg9 : memref<128xf32, #tpu.memory_space<vmem>>) target(%dma_start3A_105 : memref<10112xf32, #tpu.memory_space<vmem_shared>>) offsets(%dma_start3A_103 : memref<128xi32, #tpu.memory_space<vmem>>) semaphore(%run_scoped3A_101 : memref<!tpu.dma_semaphore, #tpu.memory_space<semaphore_mem>>) {add = true}
        %dma_wait3A = arith.constant 0 : i32
        %dma_wait3A_106 = tpu.memref_slice %arg8[%add3A_100, %run_scoped3A, %dma_wait3A] : memref<79x1x128xi32, #tpu.memory_space<vmem>> -> memref<1x1x128xi32, #tpu.memory_space<vmem>>
        %dma_wait3A_107 = tpu.memref_squeeze %dma_wait3A_106 : memref<1x1x128xi32, #tpu.memory_space<vmem>> -> memref<128xi32, #tpu.memory_space<vmem>>
        %dma_wait3A_108 = arith.constant 0 : i32
        %dma_wait3A_109 = tpu.memref_slice %arg11[%dma_wait3A_108] : memref<10112xf32, #tpu.memory_space<vmem_shared>> -> memref<10112xf32, #tpu.memory_space<vmem_shared>>
        tpu.wait_indirect_dma semaphore(%run_scoped3A_101 : memref<!tpu.dma_semaphore, #tpu.memory_space<semaphore_mem>>) src(%arg9 : memref<128xf32, #tpu.memory_space<vmem>>) dst(%dma_wait3A_109 : memref<10112xf32, #tpu.memory_space<vmem_shared>>)
        tpu.yield
      }) : () -> ()
    }
    %barrier3A_26 = arith.constant 0 : index
    tpu.barrier barrier_id(%barrier3A_26)
    "tpu.region"() ({
      %run_scoped3A = tpu.sem_alloc : memref<!tpu.dma_semaphore, #tpu.memory_space<semaphore_mem>>
      %dma_start3A = arith.constant 0 : i32
      %dma_start3A_30 = tpu.memref_slice %arg10[%dma_start3A] : memref<640xf32, #tpu.memory_space<vmem>> -> memref<632xf32, #tpu.memory_space<vmem>>
      %dma_start3A_31 = tpu.memref_slice %arg11[%mul3A_2] : memref<10112xf32, #tpu.memory_space<vmem_shared>> -> memref<632xf32, #tpu.memory_space<vmem_shared>>
      %dma_start3A_32 = arith.constant 0 : i32
      %dma_start3A_33 = tpu.memref_slice %arg10[%dma_start3A_32] : memref<640xf32, #tpu.memory_space<vmem>> -> memref<632xf32, #tpu.memory_space<vmem>>
      %dma_start3A_34 = tpu.memref_slice %arg11[%mul3A_2] : memref<10112xf32, #tpu.memory_space<vmem_shared>> -> memref<632xf32, #tpu.memory_space<vmem_shared>>
      tpu.enqueue_dma source(%dma_start3A_34 : memref<632xf32, #tpu.memory_space<vmem_shared>>) target(%dma_start3A_33 : memref<632xf32, #tpu.memory_space<vmem>>) target_semaphore(%run_scoped3A : memref<!tpu.dma_semaphore, #tpu.memory_space<semaphore_mem>>)
      %dma_wait3A = arith.constant 0 : i32
      %dma_wait3A_35 = tpu.memref_slice %arg10[%dma_wait3A] : memref<640xf32, #tpu.memory_space<vmem>> -> memref<632xf32, #tpu.memory_space<vmem>>
      %dma_wait3A_36 = tpu.memref_slice %arg11[%mul3A_2] : memref<10112xf32, #tpu.memory_space<vmem_shared>> -> memref<632xf32, #tpu.memory_space<vmem_shared>>
      %dma_wait3A_37 = arith.constant 0 : i32
      %dma_wait3A_38 = tpu.memref_slice %arg10[%dma_wait3A_37] : memref<640xf32, #tpu.memory_space<vmem>> -> memref<632xf32, #tpu.memory_space<vmem>>
      %dma_wait3A_39 = tpu.memref_slice %arg11[%mul3A_2] : memref<10112xf32, #tpu.memory_space<vmem_shared>> -> memref<632xf32, #tpu.memory_space<vmem_shared>>
      tpu.wait_dma2 semaphore(%run_scoped3A : memref<!tpu.dma_semaphore, #tpu.memory_space<semaphore_mem>>) src(%dma_wait3A_39 : memref<632xf32, #tpu.memory_space<vmem_shared>>) dst(%dma_wait3A_38 : memref<632xf32, #tpu.memory_space<vmem>>)
      tpu.yield
    }) : () -> ()
    %mul3A_27 = arith.constant 10112 : i32
    %mul3A_28 = arith.muli %arg0, %mul3A_27 : i32
    %add3A_29 = arith.addi %mul3A_28, %mul3A_2 : i32
    "tpu.region"() ({
      %run_scoped3A = tpu.sem_alloc : memref<!tpu.dma_semaphore, #tpu.memory_space<semaphore_mem>>
      %dma_start3A = arith.constant 0 : i32
      %dma_start3A_30 = tpu.memref_slice %arg10[%dma_start3A] : memref<640xf32, #tpu.memory_space<vmem>> -> memref<632xf32, #tpu.memory_space<vmem>>
      %dma_start3A_31 = tpu.memref_slice %arg5[%add3A_29] : memref<20224xf32, #tpu.memory_space<hbm>> -> memref<632xf32, #tpu.memory_space<hbm>>
      %dma_start3A_32 = tpu.memref_slice %arg5[%add3A_29] : memref<20224xf32, #tpu.memory_space<hbm>> -> memref<632xf32, #tpu.memory_space<hbm>>
      %dma_start3A_33 = arith.constant 0 : i32
      %dma_start3A_34 = tpu.memref_slice %arg10[%dma_start3A_33] : memref<640xf32, #tpu.memory_space<vmem>> -> memref<632xf32, #tpu.memory_space<vmem>>
      tpu.enqueue_dma source(%dma_start3A_34 : memref<632xf32, #tpu.memory_space<vmem>>) target(%dma_start3A_32 : memref<632xf32, #tpu.memory_space<hbm>>) target_semaphore(%run_scoped3A : memref<!tpu.dma_semaphore, #tpu.memory_space<semaphore_mem>>)
      %dma_wait3A = arith.constant 0 : i32
      %dma_wait3A_35 = tpu.memref_slice %arg10[%dma_wait3A] : memref<640xf32, #tpu.memory_space<vmem>> -> memref<632xf32, #tpu.memory_space<vmem>>
      %dma_wait3A_36 = tpu.memref_slice %arg5[%add3A_29] : memref<20224xf32, #tpu.memory_space<hbm>> -> memref<632xf32, #tpu.memory_space<hbm>>
      %dma_wait3A_37 = tpu.memref_slice %arg5[%add3A_29] : memref<20224xf32, #tpu.memory_space<hbm>> -> memref<632xf32, #tpu.memory_space<hbm>>
      %dma_wait3A_38 = arith.constant 0 : i32
      %dma_wait3A_39 = tpu.memref_slice %arg10[%dma_wait3A_38] : memref<640xf32, #tpu.memory_space<vmem>> -> memref<632xf32, #tpu.memory_space<vmem>>
      tpu.wait_dma2 semaphore(%run_scoped3A : memref<!tpu.dma_semaphore, #tpu.memory_space<semaphore_mem>>) src(%dma_wait3A_39 : memref<632xf32, #tpu.memory_space<vmem>>) dst(%dma_wait3A_37 : memref<632xf32, #tpu.memory_space<hbm>>)
      tpu.yield
    }) : () -> ()
    return
  }
}

#map = affine_map<(d0, d1) -> (0)>
#map1 = affine_map<(d0, d1) -> (0, 0, 0)>
module attributes {stable_mosaic.version = 14 : i64} {
  func.func @k_fn(%arg0: i32, %arg1: i32, %arg2: memref<10000xf32, #tpu.memory_space<hbm>>, %arg3: memref<2500x1x128xi32, #tpu.memory_space<hbm>>, %arg4: memref<2500x1x128xi32, #tpu.memory_space<hbm>>, %arg5: memref<20224xf32, #tpu.memory_space<hbm>>, %arg6: memref<10000xf32, #tpu.memory_space<vmem>>, %arg7: memref<79x1x128xi32, #tpu.memory_space<vmem>>, %arg8: memref<79x1x128xi32, #tpu.memory_space<vmem>>, %arg9: memref<128xf32, #tpu.memory_space<vmem>>, %arg10: memref<640xf32, #tpu.memory_space<vmem>>, %arg11: memref<10112xf32, #tpu.memory_space<vmem_shared>>) attributes {dimension_semantics = [#tpu.dimension_semantics<core_parallel>, #tpu.dimension_semantics<subcore_parallel>], iteration_bounds = array<i64: 2, 16>, scalar_prefetch = 0 : i64, scratch_operands = 6 : i64, tpu.core_type = #tpu.core_type<sc_vector_subcore>, window_params = [{transform_indices = #map}, {transform_indices = #map1}, {transform_indices = #map1}, {transform_indices = #map}]} {
    %mul3A = arith.constant 16 : i32
    %mul3A_0 = arith.muli %arg0, %mul3A : i32
    %add3A = arith.addi %mul3A_0, %arg1 : i32
    %mul3A_1 = arith.constant 632 : i32
    %mul3A_2 = arith.muli %arg1, %mul3A_1 : i32
    %scan3A = arith.constant 0 : i32
    %scan3A_3 = arith.constant 0 : i32
    %scan3A_4 = arith.constant 40 : i32
    %scan3A_5 = arith.addi %scan3A_3, %scan3A_4 : i32
    %scan3A_6 = arith.constant 1 : i32
    scf.for %scan3A_60 = %scan3A_3 to %scan3A_5 step %scan3A_6  : i32 {
      %broadcast_in_dim3A_61 = arith.constant 0.000000e+00 : f32
      %broadcast_in_dim3A_62 = vector.broadcast %broadcast_in_dim3A_61 : f32 to vector<16xf32>
      %mul3A_63 = arith.constant 16 : i32
      %mul3A_64 = arith.muli %scan3A_60, %mul3A_63 : i32
      %swap3A_65 = arith.index_cast %mul3A_64 : i32 to index
      %swap3A_66 = tpu.vector_load %arg10[%swap3A_65] {strides = array<i32>} : memref<640xf32, #tpu.memory_space<vmem>>, vector<16xf32>,
      tpu.vector_store %arg10[%swap3A_65], %broadcast_in_dim3A_62 {strides = array<i32>} : memref<640xf32, #tpu.memory_space<vmem>>, vector<16xf32>,
    }
    %scan3A_7 = arith.constant 40 : i32
    "tpu.region"() ({
      %run_scoped3A = tpu.sem_alloc : memref<!tpu.dma_semaphore, #tpu.memory_space<semaphore_mem>>
      %dma_start3A = arith.constant 0 : i32
      %dma_start3A_60 = tpu.memref_slice %arg10[%dma_start3A] : memref<640xf32, #tpu.memory_space<vmem>> -> memref<632xf32, #tpu.memory_space<vmem>>
      %dma_start3A_61 = tpu.memref_slice %arg11[%mul3A_2] : memref<10112xf32, #tpu.memory_space<vmem_shared>> -> memref<632xf32, #tpu.memory_space<vmem_shared>>
      %dma_start3A_62 = tpu.memref_slice %arg11[%mul3A_2] : memref<10112xf32, #tpu.memory_space<vmem_shared>> -> memref<632xf32, #tpu.memory_space<vmem_shared>>
      %dma_start3A_63 = arith.constant 0 : i32
      %dma_start3A_64 = tpu.memref_slice %arg10[%dma_start3A_63] : memref<640xf32, #tpu.memory_space<vmem>> -> memref<632xf32, #tpu.memory_space<vmem>>
      tpu.enqueue_dma source(%dma_start3A_64 : memref<632xf32, #tpu.memory_space<vmem>>) target(%dma_start3A_62 : memref<632xf32, #tpu.memory_space<vmem_shared>>) target_semaphore(%run_scoped3A : memref<!tpu.dma_semaphore, #tpu.memory_space<semaphore_mem>>)
      %dma_wait3A = arith.constant 0 : i32
      %dma_wait3A_65 = tpu.memref_slice %arg10[%dma_wait3A] : memref<640xf32, #tpu.memory_space<vmem>> -> memref<632xf32, #tpu.memory_space<vmem>>
      %dma_wait3A_66 = tpu.memref_slice %arg11[%mul3A_2] : memref<10112xf32, #tpu.memory_space<vmem_shared>> -> memref<632xf32, #tpu.memory_space<vmem_shared>>
      %dma_wait3A_67 = tpu.memref_slice %arg11[%mul3A_2] : memref<10112xf32, #tpu.memory_space<vmem_shared>> -> memref<632xf32, #tpu.memory_space<vmem_shared>>
      %dma_wait3A_68 = arith.constant 0 : i32
      %dma_wait3A_69 = tpu.memref_slice %arg10[%dma_wait3A_68] : memref<640xf32, #tpu.memory_space<vmem>> -> memref<632xf32, #tpu.memory_space<vmem>>
      tpu.wait_dma2 semaphore(%run_scoped3A : memref<!tpu.dma_semaphore, #tpu.memory_space<semaphore_mem>>) src(%dma_wait3A_69 : memref<632xf32, #tpu.memory_space<vmem>>) dst(%dma_wait3A_67 : memref<632xf32, #tpu.memory_space<vmem_shared>>)
      tpu.yield
    }) : () -> ()
    %barrier3A = arith.constant 0 : index
    tpu.barrier barrier_id(%barrier3A)
    %mul3A_8 = arith.constant 78 : i32
    %mul3A_9 = arith.muli %add3A, %mul3A_8 : i32
    %min3A = arith.constant 4 : i32
    %min3A_10 = arith.minsi %add3A, %min3A : i32
    %add3A_11 = arith.addi %mul3A_9, %min3A_10 : i32
    %lt3A = arith.constant 4 : i32
    %lt3A_12 = arith.cmpi slt, %add3A, %lt3A : i32
    %convert_element_type3A = arith.extui %lt3A_12 : i1 to i32
    %add3A_13 = arith.constant 78 : i32
    %add3A_14 = arith.addi %add3A_13, %convert_element_type3A : i32
    %min3A_15 = arith.constant 2421 : i32
    %min3A_16 = arith.minsi %add3A_11, %min3A_15 : i32
    %sub3A = arith.subi %add3A_11, %min3A_16 : i32
    %broadcast_in_dim3A = arith.constant 1.000000e+00 : f32
    %broadcast_in_dim3A_17 = vector.broadcast %broadcast_in_dim3A : f32 to vector<16xf32>
    %swap3A = arith.constant 0 : index
    %swap3A_18 = tpu.vector_load %arg9[%swap3A] {strides = array<i32>} : memref<128xf32, #tpu.memory_space<vmem>>, vector<16xf32>,
    tpu.vector_store %arg9[%swap3A], %broadcast_in_dim3A_17 {strides = array<i32>} : memref<128xf32, #tpu.memory_space<vmem>>, vector<16xf32>,
    %broadcast_in_dim3A_19 = arith.constant 1.000000e+00 : f32
    %broadcast_in_dim3A_20 = vector.broadcast %broadcast_in_dim3A_19 : f32 to vector<16xf32>
    %swap3A_21 = arith.constant 16 : index
    %swap3A_22 = tpu.vector_load %arg9[%swap3A_21] {strides = array<i32>} : memref<128xf32, #tpu.memory_space<vmem>>, vector<16xf32>,
    tpu.vector_store %arg9[%swap3A_21], %broadcast_in_dim3A_20 {strides = array<i32>} : memref<128xf32, #tpu.memory_space<vmem>>, vector<16xf32>,
    %broadcast_in_dim3A_23 = arith.constant 1.000000e+00 : f32
    %broadcast_in_dim3A_24 = vector.broadcast %broadcast_in_dim3A_23 : f32 to vector<16xf32>
    %swap3A_25 = arith.constant 32 : index
    %swap3A_26 = tpu.vector_load %arg9[%swap3A_25] {strides = array<i32>} : memref<128xf32, #tpu.memory_space<vmem>>, vector<16xf32>,
    tpu.vector_store %arg9[%swap3A_25], %broadcast_in_dim3A_24 {strides = array<i32>} : memref<128xf32, #tpu.memory_space<vmem>>, vector<16xf32>,
    %broadcast_in_dim3A_27 = arith.constant 1.000000e+00 : f32
    %broadcast_in_dim3A_28 = vector.broadcast %broadcast_in_dim3A_27 : f32 to vector<16xf32>
    %swap3A_29 = arith.constant 48 : index
    %swap3A_30 = tpu.vector_load %arg9[%swap3A_29] {strides = array<i32>} : memref<128xf32, #tpu.memory_space<vmem>>, vector<16xf32>,
    tpu.vector_store %arg9[%swap3A_29], %broadcast_in_dim3A_28 {strides = array<i32>} : memref<128xf32, #tpu.memory_space<vmem>>, vector<16xf32>,
    %broadcast_in_dim3A_31 = arith.constant 1.000000e+00 : f32
    %broadcast_in_dim3A_32 = vector.broadcast %broadcast_in_dim3A_31 : f32 to vector<16xf32>
    %swap3A_33 = arith.constant 64 : index
    %swap3A_34 = tpu.vector_load %arg9[%swap3A_33] {strides = array<i32>} : memref<128xf32, #tpu.memory_space<vmem>>, vector<16xf32>,
    tpu.vector_store %arg9[%swap3A_33], %broadcast_in_dim3A_32 {strides = array<i32>} : memref<128xf32, #tpu.memory_space<vmem>>, vector<16xf32>,
    %broadcast_in_dim3A_35 = arith.constant 1.000000e+00 : f32
    %broadcast_in_dim3A_36 = vector.broadcast %broadcast_in_dim3A_35 : f32 to vector<16xf32>
    %swap3A_37 = arith.constant 80 : index
    %swap3A_38 = tpu.vector_load %arg9[%swap3A_37] {strides = array<i32>} : memref<128xf32, #tpu.memory_space<vmem>>, vector<16xf32>,
    tpu.vector_store %arg9[%swap3A_37], %broadcast_in_dim3A_36 {strides = array<i32>} : memref<128xf32, #tpu.memory_space<vmem>>, vector<16xf32>,
    %broadcast_in_dim3A_39 = arith.constant 1.000000e+00 : f32
    %broadcast_in_dim3A_40 = vector.broadcast %broadcast_in_dim3A_39 : f32 to vector<16xf32>
    %swap3A_41 = arith.constant 96 : index
    %swap3A_42 = tpu.vector_load %arg9[%swap3A_41] {strides = array<i32>} : memref<128xf32, #tpu.memory_space<vmem>>, vector<16xf32>,
    tpu.vector_store %arg9[%swap3A_41], %broadcast_in_dim3A_40 {strides = array<i32>} : memref<128xf32, #tpu.memory_space<vmem>>, vector<16xf32>,
    %broadcast_in_dim3A_43 = arith.constant 1.000000e+00 : f32
    %broadcast_in_dim3A_44 = vector.broadcast %broadcast_in_dim3A_43 : f32 to vector<16xf32>
    %swap3A_45 = arith.constant 112 : index
    %swap3A_46 = tpu.vector_load %arg9[%swap3A_45] {strides = array<i32>} : memref<128xf32, #tpu.memory_space<vmem>>, vector<16xf32>,
    tpu.vector_store %arg9[%swap3A_45], %broadcast_in_dim3A_44 {strides = array<i32>} : memref<128xf32, #tpu.memory_space<vmem>>, vector<16xf32>,
    "tpu.region"() ({
      %run_scoped3A = tpu.sem_alloc : memref<!tpu.dma_semaphore, #tpu.memory_space<semaphore_mem>>
      %dma_start3A = arith.constant 0 : i32
      %dma_start3A_60 = arith.constant 0 : i32
      %dma_start3A_61 = tpu.memref_slice %arg4[%min3A_16, %dma_start3A, %dma_start3A_60] : memref<2500x1x128xi32, #tpu.memory_space<hbm>> -> memref<79x1x128xi32, #tpu.memory_space<hbm>>
      %dma_start3A_62 = arith.constant 0 : i32
      %dma_start3A_63 = arith.constant 0 : i32
      %dma_start3A_64 = tpu.memref_slice %arg4[%min3A_16, %dma_start3A_62, %dma_start3A_63] : memref<2500x1x128xi32, #tpu.memory_space<hbm>> -> memref<79x1x128xi32, #tpu.memory_space<hbm>>
      tpu.enqueue_dma source(%dma_start3A_64 : memref<79x1x128xi32, #tpu.memory_space<hbm>>) target(%arg8 : memref<79x1x128xi32, #tpu.memory_space<vmem>>) target_semaphore(%run_scoped3A : memref<!tpu.dma_semaphore, #tpu.memory_space<semaphore_mem>>)
      %dma_wait3A = arith.constant 0 : i32
      %dma_wait3A_65 = arith.constant 0 : i32
      %dma_wait3A_66 = tpu.memref_slice %arg4[%min3A_16, %dma_wait3A, %dma_wait3A_65] : memref<2500x1x128xi32, #tpu.memory_space<hbm>> -> memref<79x1x128xi32, #tpu.memory_space<hbm>>
      %dma_wait3A_67 = arith.constant 0 : i32
      %dma_wait3A_68 = arith.constant 0 : i32
      %dma_wait3A_69 = tpu.memref_slice %arg4[%min3A_16, %dma_wait3A_67, %dma_wait3A_68] : memref<2500x1x128xi32, #tpu.memory_space<hbm>> -> memref<79x1x128xi32, #tpu.memory_space<hbm>>
      tpu.wait_dma2 semaphore(%run_scoped3A : memref<!tpu.dma_semaphore, #tpu.memory_space<semaphore_mem>>) src(%dma_wait3A_69 : memref<79x1x128xi32, #tpu.memory_space<hbm>>) dst(%arg8 : memref<79x1x128xi32, #tpu.memory_space<vmem>>)
      tpu.yield
    }) : () -> ()
    %while3A = arith.constant 0 : i32
    %while3A_47 = arith.constant 0 : i32
    %while3A_48 = arith.subi %add3A_14, %while3A_47 : i32
    %while3A_49 = arith.addi %while3A_47, %while3A_48 : i32
    %while3A_50 = arith.constant 1 : i32
    %while3A_51 = arith.divsi %while3A_48, %while3A_50 : i32
    %while3A_52 = arith.muli %while3A_51, %while3A_50 : i32
    %while3A_53 = arith.addi %while3A_47, %while3A_52 : i32
    %while3A_54 = arith.constant 1 : i32
    scf.for %while3A_60 = %while3A_47 to %while3A_53 step %while3A_54  : i32 {
      %add3A_61 = arith.addi %sub3A, %while3A_60 : i32
      %run_scoped3A = arith.constant 0 : i32
      "tpu.region"() ({
        %run_scoped3A_62 = tpu.sem_alloc : memref<!tpu.dma_semaphore, #tpu.memory_space<semaphore_mem>>
        %dma_start3A = arith.constant 0 : i32
        %dma_start3A_63 = tpu.memref_slice %arg8[%add3A_61, %run_scoped3A, %dma_start3A] : memref<79x1x128xi32, #tpu.memory_space<vmem>> -> memref<1x1x128xi32, #tpu.memory_space<vmem>>
        %dma_start3A_64 = tpu.memref_squeeze %dma_start3A_63 : memref<1x1x128xi32, #tpu.memory_space<vmem>> -> memref<128xi32, #tpu.memory_space<vmem>>
        %dma_start3A_65 = arith.constant 0 : i32
        %dma_start3A_66 = tpu.memref_slice %arg11[%dma_start3A_65] : memref<10112xf32, #tpu.memory_space<vmem_shared>> -> memref<10112xf32, #tpu.memory_space<vmem_shared>>
        tpu.enqueue_indirect_dma source(%arg9 : memref<128xf32, #tpu.memory_space<vmem>>) target(%dma_start3A_66 : memref<10112xf32, #tpu.memory_space<vmem_shared>>) offsets(%dma_start3A_64 : memref<128xi32, #tpu.memory_space<vmem>>) semaphore(%run_scoped3A_62 : memref<!tpu.dma_semaphore, #tpu.memory_space<semaphore_mem>>) {add = true}
        %dma_wait3A = arith.constant 0 : i32
        %dma_wait3A_67 = tpu.memref_slice %arg8[%add3A_61, %run_scoped3A, %dma_wait3A] : memref<79x1x128xi32, #tpu.memory_space<vmem>> -> memref<1x1x128xi32, #tpu.memory_space<vmem>>
        %dma_wait3A_68 = tpu.memref_squeeze %dma_wait3A_67 : memref<1x1x128xi32, #tpu.memory_space<vmem>> -> memref<128xi32, #tpu.memory_space<vmem>>
        %dma_wait3A_69 = arith.constant 0 : i32
        %dma_wait3A_70 = tpu.memref_slice %arg11[%dma_wait3A_69] : memref<10112xf32, #tpu.memory_space<vmem_shared>> -> memref<10112xf32, #tpu.memory_space<vmem_shared>>
        tpu.wait_indirect_dma semaphore(%run_scoped3A_62 : memref<!tpu.dma_semaphore, #tpu.memory_space<semaphore_mem>>) src(%arg9 : memref<128xf32, #tpu.memory_space<vmem>>) dst(%dma_wait3A_70 : memref<10112xf32, #tpu.memory_space<vmem_shared>>)
        tpu.yield
      }) : () -> ()
    }
    %while3A_55 = arith.constant 1 : i32
    scf.for %while3A_60 = %while3A_53 to %while3A_49 step %while3A_55  : i32 {
      %add3A_61 = arith.addi %sub3A, %while3A_60 : i32
      %run_scoped3A = arith.constant 0 : i32
      "tpu.region"() ({
        %run_scoped3A_62 = tpu.sem_alloc : memref<!tpu.dma_semaphore, #tpu.memory_space<semaphore_mem>>
        %dma_start3A = arith.constant 0 : i32
        %dma_start3A_63 = tpu.memref_slice %arg8[%add3A_61, %run_scoped3A, %dma_start3A] : memref<79x1x128xi32, #tpu.memory_space<vmem>> -> memref<1x1x128xi32, #tpu.memory_space<vmem>>
        %dma_start3A_64 = tpu.memref_squeeze %dma_start3A_63 : memref<1x1x128xi32, #tpu.memory_space<vmem>> -> memref<128xi32, #tpu.memory_space<vmem>>
        %dma_start3A_65 = arith.constant 0 : i32
        %dma_start3A_66 = tpu.memref_slice %arg11[%dma_start3A_65] : memref<10112xf32, #tpu.memory_space<vmem_shared>> -> memref<10112xf32, #tpu.memory_space<vmem_shared>>
        tpu.enqueue_indirect_dma source(%arg9 : memref<128xf32, #tpu.memory_space<vmem>>) target(%dma_start3A_66 : memref<10112xf32, #tpu.memory_space<vmem_shared>>) offsets(%dma_start3A_64 : memref<128xi32, #tpu.memory_space<vmem>>) semaphore(%run_scoped3A_62 : memref<!tpu.dma_semaphore, #tpu.memory_space<semaphore_mem>>) {add = true}
        %dma_wait3A = arith.constant 0 : i32
        %dma_wait3A_67 = tpu.memref_slice %arg8[%add3A_61, %run_scoped3A, %dma_wait3A] : memref<79x1x128xi32, #tpu.memory_space<vmem>> -> memref<1x1x128xi32, #tpu.memory_space<vmem>>
        %dma_wait3A_68 = tpu.memref_squeeze %dma_wait3A_67 : memref<1x1x128xi32, #tpu.memory_space<vmem>> -> memref<128xi32, #tpu.memory_space<vmem>>
        %dma_wait3A_69 = arith.constant 0 : i32
        %dma_wait3A_70 = tpu.memref_slice %arg11[%dma_wait3A_69] : memref<10112xf32, #tpu.memory_space<vmem_shared>> -> memref<10112xf32, #tpu.memory_space<vmem_shared>>
        tpu.wait_indirect_dma semaphore(%run_scoped3A_62 : memref<!tpu.dma_semaphore, #tpu.memory_space<semaphore_mem>>) src(%arg9 : memref<128xf32, #tpu.memory_space<vmem>>) dst(%dma_wait3A_70 : memref<10112xf32, #tpu.memory_space<vmem_shared>>)
        tpu.yield
      }) : () -> ()
    }
    %barrier3A_56 = arith.constant 0 : index
    tpu.barrier barrier_id(%barrier3A_56)
    "tpu.region"() ({
      %run_scoped3A = tpu.sem_alloc : memref<!tpu.dma_semaphore, #tpu.memory_space<semaphore_mem>>
      %dma_start3A = arith.constant 0 : i32
      %dma_start3A_60 = tpu.memref_slice %arg10[%dma_start3A] : memref<640xf32, #tpu.memory_space<vmem>> -> memref<632xf32, #tpu.memory_space<vmem>>
      %dma_start3A_61 = tpu.memref_slice %arg11[%mul3A_2] : memref<10112xf32, #tpu.memory_space<vmem_shared>> -> memref<632xf32, #tpu.memory_space<vmem_shared>>
      %dma_start3A_62 = arith.constant 0 : i32
      %dma_start3A_63 = tpu.memref_slice %arg10[%dma_start3A_62] : memref<640xf32, #tpu.memory_space<vmem>> -> memref<632xf32, #tpu.memory_space<vmem>>
      %dma_start3A_64 = tpu.memref_slice %arg11[%mul3A_2] : memref<10112xf32, #tpu.memory_space<vmem_shared>> -> memref<632xf32, #tpu.memory_space<vmem_shared>>
      tpu.enqueue_dma source(%dma_start3A_64 : memref<632xf32, #tpu.memory_space<vmem_shared>>) target(%dma_start3A_63 : memref<632xf32, #tpu.memory_space<vmem>>) target_semaphore(%run_scoped3A : memref<!tpu.dma_semaphore, #tpu.memory_space<semaphore_mem>>)
      %dma_wait3A = arith.constant 0 : i32
      %dma_wait3A_65 = tpu.memref_slice %arg10[%dma_wait3A] : memref<640xf32, #tpu.memory_space<vmem>> -> memref<632xf32, #tpu.memory_space<vmem>>
      %dma_wait3A_66 = tpu.memref_slice %arg11[%mul3A_2] : memref<10112xf32, #tpu.memory_space<vmem_shared>> -> memref<632xf32, #tpu.memory_space<vmem_shared>>
      %dma_wait3A_67 = arith.constant 0 : i32
      %dma_wait3A_68 = tpu.memref_slice %arg10[%dma_wait3A_67] : memref<640xf32, #tpu.memory_space<vmem>> -> memref<632xf32, #tpu.memory_space<vmem>>
      %dma_wait3A_69 = tpu.memref_slice %arg11[%mul3A_2] : memref<10112xf32, #tpu.memory_space<vmem_shared>> -> memref<632xf32, #tpu.memory_space<vmem_shared>>
      tpu.wait_dma2 semaphore(%run_scoped3A : memref<!tpu.dma_semaphore, #tpu.memory_space<semaphore_mem>>) src(%dma_wait3A_69 : memref<632xf32, #tpu.memory_space<vmem_shared>>) dst(%dma_wait3A_68 : memref<632xf32, #tpu.memory_space<vmem>>)
      tpu.yield
    }) : () -> ()
    %mul3A_57 = arith.constant 10112 : i32
    %mul3A_58 = arith.muli %arg0, %mul3A_57 : i32
    %add3A_59 = arith.addi %mul3A_58, %mul3A_2 : i32
    "tpu.region"() ({
      %run_scoped3A = tpu.sem_alloc : memref<!tpu.dma_semaphore, #tpu.memory_space<semaphore_mem>>
      %dma_start3A = arith.constant 0 : i32
      %dma_start3A_60 = tpu.memref_slice %arg10[%dma_start3A] : memref<640xf32, #tpu.memory_space<vmem>> -> memref<632xf32, #tpu.memory_space<vmem>>
      %dma_start3A_61 = tpu.memref_slice %arg5[%add3A_59] : memref<20224xf32, #tpu.memory_space<hbm>> -> memref<632xf32, #tpu.memory_space<hbm>>
      %dma_start3A_62 = tpu.memref_slice %arg5[%add3A_59] : memref<20224xf32, #tpu.memory_space<hbm>> -> memref<632xf32, #tpu.memory_space<hbm>>
      %dma_start3A_63 = arith.constant 0 : i32
      %dma_start3A_64 = tpu.memref_slice %arg10[%dma_start3A_63] : memref<640xf32, #tpu.memory_space<vmem>> -> memref<632xf32, #tpu.memory_space<vmem>>
      tpu.enqueue_dma source(%dma_start3A_64 : memref<632xf32, #tpu.memory_space<vmem>>) target(%dma_start3A_62 : memref<632xf32, #tpu.memory_space<hbm>>) target_semaphore(%run_scoped3A : memref<!tpu.dma_semaphore, #tpu.memory_space<semaphore_mem>>)
      %dma_wait3A = arith.constant 0 : i32
      %dma_wait3A_65 = tpu.memref_slice %arg10[%dma_wait3A] : memref<640xf32, #tpu.memory_space<vmem>> -> memref<632xf32, #tpu.memory_space<vmem>>
      %dma_wait3A_66 = tpu.memref_slice %arg5[%add3A_59] : memref<20224xf32, #tpu.memory_space<hbm>> -> memref<632xf32, #tpu.memory_space<hbm>>
      %dma_wait3A_67 = tpu.memref_slice %arg5[%add3A_59] : memref<20224xf32, #tpu.memory_space<hbm>> -> memref<632xf32, #tpu.memory_space<hbm>>
      %dma_wait3A_68 = arith.constant 0 : i32
      %dma_wait3A_69 = tpu.memref_slice %arg10[%dma_wait3A_68] : memref<640xf32, #tpu.memory_space<vmem>> -> memref<632xf32, #tpu.memory_space<vmem>>
      tpu.wait_dma2 semaphore(%run_scoped3A : memref<!tpu.dma_semaphore, #tpu.memory_space<semaphore_mem>>) src(%dma_wait3A_69 : memref<632xf32, #tpu.memory_space<vmem>>) dst(%dma_wait3A_67 : memref<632xf32, #tpu.memory_space<hbm>>)
      tpu.yield
    }) : () -> ()
    return
  }
}

#map = affine_map<(d0, d1) -> (0, 0)>
#map1 = affine_map<(d0, d1) -> (0, 0, 0)>
module attributes {stable_mosaic.version = 14 : i64} {
  func.func @k_fn(%arg0: i32, %arg1: i32, %arg2: memref<10000x128xf32, #tpu.memory_space<hbm>>, %arg3: memref<2500x1x128xi32, #tpu.memory_space<hbm>>, %arg4: memref<2500x1x128xi32, #tpu.memory_space<hbm>>, %arg5: memref<2x10112x128xf32, #tpu.memory_space<hbm>>, %arg6: memref<1x128xi32, #tpu.memory_space<vmem>>, %arg7: memref<1x128xi32, #tpu.memory_space<vmem>>, %arg8: memref<1x128xi32, #tpu.memory_space<vmem>>, %arg9: memref<1x128xi32, #tpu.memory_space<vmem>>, %arg10: memref<128x128xf32, #tpu.memory_space<vmem>>, %arg11: memref<128x128xf32, #tpu.memory_space<vmem>>, %arg12: memref<10112x128xf32, #tpu.memory_space<vmem_shared>>, %arg13: memref<!tpu.dma_semaphore, #tpu.memory_space<semaphore_mem>>, %arg14: memref<!tpu.dma_semaphore, #tpu.memory_space<semaphore_mem>>, %arg15: memref<!tpu.dma_semaphore, #tpu.memory_space<semaphore_mem>>, %arg16: memref<!tpu.dma_semaphore, #tpu.memory_space<semaphore_mem>>) attributes {dimension_semantics = [#tpu.dimension_semantics<core_parallel>, #tpu.dimension_semantics<subcore_parallel>], iteration_bounds = array<i64: 2, 16>, scalar_prefetch = 0 : i64, scratch_operands = 11 : i64, tpu.core_type = #tpu.core_type<sc_vector_subcore>, window_params = [{transform_indices = #map}, {transform_indices = #map1}, {transform_indices = #map1}, {transform_indices = #map1}]} {
    %mul3A = arith.constant 16 : i32
    %mul3A_0 = arith.muli %arg0, %mul3A : i32
    %add3A = arith.addi %mul3A_0, %arg1 : i32
    %mul3A_1 = arith.constant 632 : i32
    %mul3A_2 = arith.muli %arg1, %mul3A_1 : i32
    %mul3A_3 = arith.constant 78 : i32
    %mul3A_4 = arith.muli %add3A, %mul3A_3 : i32
    %min3A = arith.constant 4 : i32
    %min3A_5 = arith.minsi %add3A, %min3A : i32
    %add3A_6 = arith.addi %mul3A_4, %min3A_5 : i32
    %lt3A = arith.constant 4 : i32
    %lt3A_7 = arith.cmpi slt, %add3A, %lt3A : i32
    %convert_element_type3A = arith.extui %lt3A_7 : i1 to i32
    %add3A_8 = arith.constant 78 : i32
    %add3A_9 = arith.addi %add3A_8, %convert_element_type3A : i32
    %add3A_10 = arith.constant 0 : i32
    %add3A_11 = arith.addi %add3A_6, %add3A_10 : i32
    %dma_start3A = arith.constant 0 : i32
    %dma_start3A_12 = arith.constant 0 : i32
    %dma_start3A_13 = tpu.memref_slice %arg3[%add3A_11, %dma_start3A, %dma_start3A_12] : memref<2500x1x128xi32, #tpu.memory_space<hbm>> -> memref<1x1x128xi32, #tpu.memory_space<hbm>>
    %dma_start3A_14 = tpu.memref_squeeze %dma_start3A_13 : memref<1x1x128xi32, #tpu.memory_space<hbm>> -> memref<1x128xi32, #tpu.memory_space<hbm>>
    %dma_start3A_15 = arith.constant 0 : i32
    %dma_start3A_16 = arith.constant 0 : i32
    %dma_start3A_17 = tpu.memref_slice %arg3[%add3A_11, %dma_start3A_15, %dma_start3A_16] : memref<2500x1x128xi32, #tpu.memory_space<hbm>> -> memref<1x1x128xi32, #tpu.memory_space<hbm>>
    %dma_start3A_18 = tpu.memref_squeeze %dma_start3A_17 : memref<1x1x128xi32, #tpu.memory_space<hbm>> -> memref<1x128xi32, #tpu.memory_space<hbm>>
    tpu.enqueue_dma source(%dma_start3A_18 : memref<1x128xi32, #tpu.memory_space<hbm>>) target(%arg6 : memref<1x128xi32, #tpu.memory_space<vmem>>) target_semaphore(%arg15 : memref<!tpu.dma_semaphore, #tpu.memory_space<semaphore_mem>>)
    %add3A_19 = arith.constant 0 : i32
    %add3A_20 = arith.addi %add3A_6, %add3A_19 : i32
    %dma_start3A_21 = arith.constant 0 : i32
    %dma_start3A_22 = arith.constant 0 : i32
    %dma_start3A_23 = tpu.memref_slice %arg4[%add3A_20, %dma_start3A_21, %dma_start3A_22] : memref<2500x1x128xi32, #tpu.memory_space<hbm>> -> memref<1x1x128xi32, #tpu.memory_space<hbm>>
    %dma_start3A_24 = tpu.memref_squeeze %dma_start3A_23 : memref<1x1x128xi32, #tpu.memory_space<hbm>> -> memref<1x128xi32, #tpu.memory_space<hbm>>
    %dma_start3A_25 = arith.constant 0 : i32
    %dma_start3A_26 = arith.constant 0 : i32
    %dma_start3A_27 = tpu.memref_slice %arg4[%add3A_20, %dma_start3A_25, %dma_start3A_26] : memref<2500x1x128xi32, #tpu.memory_space<hbm>> -> memref<1x1x128xi32, #tpu.memory_space<hbm>>
    %dma_start3A_28 = tpu.memref_squeeze %dma_start3A_27 : memref<1x1x128xi32, #tpu.memory_space<hbm>> -> memref<1x128xi32, #tpu.memory_space<hbm>>
    tpu.enqueue_dma source(%dma_start3A_28 : memref<1x128xi32, #tpu.memory_space<hbm>>) target(%arg8 : memref<1x128xi32, #tpu.memory_space<vmem>>) target_semaphore(%arg15 : memref<!tpu.dma_semaphore, #tpu.memory_space<semaphore_mem>>)
    %add3A_29 = arith.constant 1 : i32
    %add3A_30 = arith.addi %add3A_6, %add3A_29 : i32
    %dma_start3A_31 = arith.constant 0 : i32
    %dma_start3A_32 = arith.constant 0 : i32
    %dma_start3A_33 = tpu.memref_slice %arg3[%add3A_30, %dma_start3A_31, %dma_start3A_32] : memref<2500x1x128xi32, #tpu.memory_space<hbm>> -> memref<1x1x128xi32, #tpu.memory_space<hbm>>
    %dma_start3A_34 = tpu.memref_squeeze %dma_start3A_33 : memref<1x1x128xi32, #tpu.memory_space<hbm>> -> memref<1x128xi32, #tpu.memory_space<hbm>>
    %dma_start3A_35 = arith.constant 0 : i32
    %dma_start3A_36 = arith.constant 0 : i32
    %dma_start3A_37 = tpu.memref_slice %arg3[%add3A_30, %dma_start3A_35, %dma_start3A_36] : memref<2500x1x128xi32, #tpu.memory_space<hbm>> -> memref<1x1x128xi32, #tpu.memory_space<hbm>>
    %dma_start3A_38 = tpu.memref_squeeze %dma_start3A_37 : memref<1x1x128xi32, #tpu.memory_space<hbm>> -> memref<1x128xi32, #tpu.memory_space<hbm>>
    tpu.enqueue_dma source(%dma_start3A_38 : memref<1x128xi32, #tpu.memory_space<hbm>>) target(%arg7 : memref<1x128xi32, #tpu.memory_space<vmem>>) target_semaphore(%arg16 : memref<!tpu.dma_semaphore, #tpu.memory_space<semaphore_mem>>)
    %add3A_39 = arith.constant 1 : i32
    %add3A_40 = arith.addi %add3A_6, %add3A_39 : i32
    %dma_start3A_41 = arith.constant 0 : i32
    %dma_start3A_42 = arith.constant 0 : i32
    %dma_start3A_43 = tpu.memref_slice %arg4[%add3A_40, %dma_start3A_41, %dma_start3A_42] : memref<2500x1x128xi32, #tpu.memory_space<hbm>> -> memref<1x1x128xi32, #tpu.memory_space<hbm>>
    %dma_start3A_44 = tpu.memref_squeeze %dma_start3A_43 : memref<1x1x128xi32, #tpu.memory_space<hbm>> -> memref<1x128xi32, #tpu.memory_space<hbm>>
    %dma_start3A_45 = arith.constant 0 : i32
    %dma_start3A_46 = arith.constant 0 : i32
    %dma_start3A_47 = tpu.memref_slice %arg4[%add3A_40, %dma_start3A_45, %dma_start3A_46] : memref<2500x1x128xi32, #tpu.memory_space<hbm>> -> memref<1x1x128xi32, #tpu.memory_space<hbm>>
    %dma_start3A_48 = tpu.memref_squeeze %dma_start3A_47 : memref<1x1x128xi32, #tpu.memory_space<hbm>> -> memref<1x128xi32, #tpu.memory_space<hbm>>
    tpu.enqueue_dma source(%dma_start3A_48 : memref<1x128xi32, #tpu.memory_space<hbm>>) target(%arg9 : memref<1x128xi32, #tpu.memory_space<vmem>>) target_semaphore(%arg16 : memref<!tpu.dma_semaphore, #tpu.memory_space<semaphore_mem>>)
    %scan3A = arith.constant 0 : i32
    %scan3A_49 = arith.constant 0 : i32
    %scan3A_50 = arith.constant 128 : i32
    %scan3A_51 = arith.addi %scan3A_49, %scan3A_50 : i32
    %scan3A_52 = arith.constant 1 : i32
    scf.for %scan3A_106 = %scan3A_49 to %scan3A_51 step %scan3A_52  : i32 {
      %scan3A_107 = arith.constant 0 : i32
      %scan3A_108 = arith.constant 8 : i32
      %scan3A_109 = arith.addi %scan3A_107, %scan3A_108 : i32
      %scan3A_110 = arith.constant 1 : i32
      scf.for %scan3A_112 = %scan3A_107 to %scan3A_109 step %scan3A_110  : i32 {
        %broadcast_in_dim3A = arith.constant 0.000000e+00 : f32
        %broadcast_in_dim3A_113 = vector.broadcast %broadcast_in_dim3A : f32 to vector<16xf32>
        %mul3A_114 = arith.constant 16 : i32
        %mul3A_115 = arith.muli %scan3A_112, %mul3A_114 : i32
        %swap3A = arith.index_cast %scan3A_106 : i32 to index
        %swap3A_116 = arith.index_cast %mul3A_115 : i32 to index
        %swap3A_117 = tpu.vector_load %arg10[%swap3A, %swap3A_116] {strides = array<i32>} : memref<128x128xf32, #tpu.memory_space<vmem>>, vector<1x16xf32>,
        %swap3A_118 = vector.shape_cast %swap3A_117 : vector<1x16xf32> to vector<16xf32>
        %swap3A_119 = vector.shape_cast %broadcast_in_dim3A_113 : vector<16xf32> to vector<1x16xf32>
        tpu.vector_store %arg10[%swap3A, %swap3A_116], %swap3A_119 {strides = array<i32>} : memref<128x128xf32, #tpu.memory_space<vmem>>, vector<1x16xf32>,
      }
      %scan3A_111 = arith.constant 8 : i32
    }
    %scan3A_53 = arith.constant 128 : i32
    %add3A_54 = arith.constant 0 : i32
    %add3A_55 = arith.addi %mul3A_2, %add3A_54 : i32
    "tpu.region"() ({
      %run_scoped3A = tpu.sem_alloc : memref<!tpu.dma_semaphore, #tpu.memory_space<semaphore_mem>>
      %dma_start3A_106 = arith.constant 0 : i32
      %dma_start3A_107 = tpu.memref_slice %arg12[%add3A_55, %dma_start3A_106] : memref<10112x128xf32, #tpu.memory_space<vmem_shared>> -> memref<128x128xf32, #tpu.memory_space<vmem_shared>>
      %dma_start3A_108 = arith.constant 0 : i32
      %dma_start3A_109 = tpu.memref_slice %arg12[%add3A_55, %dma_start3A_108] : memref<10112x128xf32, #tpu.memory_space<vmem_shared>> -> memref<128x128xf32, #tpu.memory_space<vmem_shared>>
      tpu.enqueue_dma source(%arg10 : memref<128x128xf32, #tpu.memory_space<vmem>>) target(%dma_start3A_109 : memref<128x128xf32, #tpu.memory_space<vmem_shared>>) target_semaphore(%run_scoped3A : memref<!tpu.dma_semaphore, #tpu.memory_space<semaphore_mem>>)
      %dma_wait3A_110 = arith.constant 0 : i32
      %dma_wait3A_111 = tpu.memref_slice %arg12[%add3A_55, %dma_wait3A_110] : memref<10112x128xf32, #tpu.memory_space<vmem_shared>> -> memref<128x128xf32, #tpu.memory_space<vmem_shared>>
      %dma_wait3A_112 = arith.constant 0 : i32
      %dma_wait3A_113 = tpu.memref_slice %arg12[%add3A_55, %dma_wait3A_112] : memref<10112x128xf32, #tpu.memory_space<vmem_shared>> -> memref<128x128xf32, #tpu.memory_space<vmem_shared>>
      tpu.wait_dma2 semaphore(%run_scoped3A : memref<!tpu.dma_semaphore, #tpu.memory_space<semaphore_mem>>) src(%arg10 : memref<128x128xf32, #tpu.memory_space<vmem>>) dst(%dma_wait3A_113 : memref<128x128xf32, #tpu.memory_space<vmem_shared>>)
      tpu.yield
    }) : () -> ()
    %add3A_56 = arith.constant 128 : i32
    %add3A_57 = arith.addi %mul3A_2, %add3A_56 : i32
    "tpu.region"() ({
      %run_scoped3A = tpu.sem_alloc : memref<!tpu.dma_semaphore, #tpu.memory_space<semaphore_mem>>
      %dma_start3A_106 = arith.constant 0 : i32
      %dma_start3A_107 = tpu.memref_slice %arg12[%add3A_57, %dma_start3A_106] : memref<10112x128xf32, #tpu.memory_space<vmem_shared>> -> memref<128x128xf32, #tpu.memory_space<vmem_shared>>
      %dma_start3A_108 = arith.constant 0 : i32
      %dma_start3A_109 = tpu.memref_slice %arg12[%add3A_57, %dma_start3A_108] : memref<10112x128xf32, #tpu.memory_space<vmem_shared>> -> memref<128x128xf32, #tpu.memory_space<vmem_shared>>
      tpu.enqueue_dma source(%arg10 : memref<128x128xf32, #tpu.memory_space<vmem>>) target(%dma_start3A_109 : memref<128x128xf32, #tpu.memory_space<vmem_shared>>) target_semaphore(%run_scoped3A : memref<!tpu.dma_semaphore, #tpu.memory_space<semaphore_mem>>)
      %dma_wait3A_110 = arith.constant 0 : i32
      %dma_wait3A_111 = tpu.memref_slice %arg12[%add3A_57, %dma_wait3A_110] : memref<10112x128xf32, #tpu.memory_space<vmem_shared>> -> memref<128x128xf32, #tpu.memory_space<vmem_shared>>
      %dma_wait3A_112 = arith.constant 0 : i32
      %dma_wait3A_113 = tpu.memref_slice %arg12[%add3A_57, %dma_wait3A_112] : memref<10112x128xf32, #tpu.memory_space<vmem_shared>> -> memref<128x128xf32, #tpu.memory_space<vmem_shared>>
      tpu.wait_dma2 semaphore(%run_scoped3A : memref<!tpu.dma_semaphore, #tpu.memory_space<semaphore_mem>>) src(%arg10 : memref<128x128xf32, #tpu.memory_space<vmem>>) dst(%dma_wait3A_113 : memref<128x128xf32, #tpu.memory_space<vmem_shared>>)
      tpu.yield
    }) : () -> ()
    %add3A_58 = arith.constant 256 : i32
    %add3A_59 = arith.addi %mul3A_2, %add3A_58 : i32
    "tpu.region"() ({
      %run_scoped3A = tpu.sem_alloc : memref<!tpu.dma_semaphore, #tpu.memory_space<semaphore_mem>>
      %dma_start3A_106 = arith.constant 0 : i32
      %dma_start3A_107 = tpu.memref_slice %arg12[%add3A_59, %dma_start3A_106] : memref<10112x128xf32, #tpu.memory_space<vmem_shared>> -> memref<128x128xf32, #tpu.memory_space<vmem_shared>>
      %dma_start3A_108 = arith.constant 0 : i32
      %dma_start3A_109 = tpu.memref_slice %arg12[%add3A_59, %dma_start3A_108] : memref<10112x128xf32, #tpu.memory_space<vmem_shared>> -> memref<128x128xf32, #tpu.memory_space<vmem_shared>>
      tpu.enqueue_dma source(%arg10 : memref<128x128xf32, #tpu.memory_space<vmem>>) target(%dma_start3A_109 : memref<128x128xf32, #tpu.memory_space<vmem_shared>>) target_semaphore(%run_scoped3A : memref<!tpu.dma_semaphore, #tpu.memory_space<semaphore_mem>>)
      %dma_wait3A_110 = arith.constant 0 : i32
      %dma_wait3A_111 = tpu.memref_slice %arg12[%add3A_59, %dma_wait3A_110] : memref<10112x128xf32, #tpu.memory_space<vmem_shared>> -> memref<128x128xf32, #tpu.memory_space<vmem_shared>>
      %dma_wait3A_112 = arith.constant 0 : i32
      %dma_wait3A_113 = tpu.memref_slice %arg12[%add3A_59, %dma_wait3A_112] : memref<10112x128xf32, #tpu.memory_space<vmem_shared>> -> memref<128x128xf32, #tpu.memory_space<vmem_shared>>
      tpu.wait_dma2 semaphore(%run_scoped3A : memref<!tpu.dma_semaphore, #tpu.memory_space<semaphore_mem>>) src(%arg10 : memref<128x128xf32, #tpu.memory_space<vmem>>) dst(%dma_wait3A_113 : memref<128x128xf32, #tpu.memory_space<vmem_shared>>)
      tpu.yield
    }) : () -> ()
    %add3A_60 = arith.constant 384 : i32
    %add3A_61 = arith.addi %mul3A_2, %add3A_60 : i32
    "tpu.region"() ({
      %run_scoped3A = tpu.sem_alloc : memref<!tpu.dma_semaphore, #tpu.memory_space<semaphore_mem>>
      %dma_start3A_106 = arith.constant 0 : i32
      %dma_start3A_107 = tpu.memref_slice %arg12[%add3A_61, %dma_start3A_106] : memref<10112x128xf32, #tpu.memory_space<vmem_shared>> -> memref<128x128xf32, #tpu.memory_space<vmem_shared>>
      %dma_start3A_108 = arith.constant 0 : i32
      %dma_start3A_109 = tpu.memref_slice %arg12[%add3A_61, %dma_start3A_108] : memref<10112x128xf32, #tpu.memory_space<vmem_shared>> -> memref<128x128xf32, #tpu.memory_space<vmem_shared>>
      tpu.enqueue_dma source(%arg10 : memref<128x128xf32, #tpu.memory_space<vmem>>) target(%dma_start3A_109 : memref<128x128xf32, #tpu.memory_space<vmem_shared>>) target_semaphore(%run_scoped3A : memref<!tpu.dma_semaphore, #tpu.memory_space<semaphore_mem>>)
      %dma_wait3A_110 = arith.constant 0 : i32
      %dma_wait3A_111 = tpu.memref_slice %arg12[%add3A_61, %dma_wait3A_110] : memref<10112x128xf32, #tpu.memory_space<vmem_shared>> -> memref<128x128xf32, #tpu.memory_space<vmem_shared>>
      %dma_wait3A_112 = arith.constant 0 : i32
      %dma_wait3A_113 = tpu.memref_slice %arg12[%add3A_61, %dma_wait3A_112] : memref<10112x128xf32, #tpu.memory_space<vmem_shared>> -> memref<128x128xf32, #tpu.memory_space<vmem_shared>>
      tpu.wait_dma2 semaphore(%run_scoped3A : memref<!tpu.dma_semaphore, #tpu.memory_space<semaphore_mem>>) src(%arg10 : memref<128x128xf32, #tpu.memory_space<vmem>>) dst(%dma_wait3A_113 : memref<128x128xf32, #tpu.memory_space<vmem_shared>>)
      tpu.yield
    }) : () -> ()
    %add3A_62 = arith.constant 512 : i32
    %add3A_63 = arith.addi %mul3A_2, %add3A_62 : i32
    "tpu.region"() ({
      %run_scoped3A = tpu.sem_alloc : memref<!tpu.dma_semaphore, #tpu.memory_space<semaphore_mem>>
      %dma_start3A_106 = arith.constant 0 : i32
      %dma_start3A_107 = arith.constant 0 : i32
      %dma_start3A_108 = tpu.memref_slice %arg10[%dma_start3A_106, %dma_start3A_107] : memref<128x128xf32, #tpu.memory_space<vmem>> -> memref<120x128xf32, #tpu.memory_space<vmem>>
      %dma_start3A_109 = arith.constant 0 : i32
      %dma_start3A_110 = tpu.memref_slice %arg12[%add3A_63, %dma_start3A_109] : memref<10112x128xf32, #tpu.memory_space<vmem_shared>> -> memref<120x128xf32, #tpu.memory_space<vmem_shared>>
      %dma_start3A_111 = arith.constant 0 : i32
      %dma_start3A_112 = tpu.memref_slice %arg12[%add3A_63, %dma_start3A_111] : memref<10112x128xf32, #tpu.memory_space<vmem_shared>> -> memref<120x128xf32, #tpu.memory_space<vmem_shared>>
      %dma_start3A_113 = arith.constant 0 : i32
      %dma_start3A_114 = arith.constant 0 : i32
      %dma_start3A_115 = tpu.memref_slice %arg10[%dma_start3A_113, %dma_start3A_114] : memref<128x128xf32, #tpu.memory_space<vmem>> -> memref<120x128xf32, #tpu.memory_space<vmem>>
      tpu.enqueue_dma source(%dma_start3A_115 : memref<120x128xf32, #tpu.memory_space<vmem>>) target(%dma_start3A_112 : memref<120x128xf32, #tpu.memory_space<vmem_shared>>) target_semaphore(%run_scoped3A : memref<!tpu.dma_semaphore, #tpu.memory_space<semaphore_mem>>)
      %dma_wait3A_116 = arith.constant 0 : i32
      %dma_wait3A_117 = arith.constant 0 : i32
      %dma_wait3A_118 = tpu.memref_slice %arg10[%dma_wait3A_116, %dma_wait3A_117] : memref<128x128xf32, #tpu.memory_space<vmem>> -> memref<120x128xf32, #tpu.memory_space<vmem>>
      %dma_wait3A_119 = arith.constant 0 : i32
      %dma_wait3A_120 = tpu.memref_slice %arg12[%add3A_63, %dma_wait3A_119] : memref<10112x128xf32, #tpu.memory_space<vmem_shared>> -> memref<120x128xf32, #tpu.memory_space<vmem_shared>>
      %dma_wait3A_121 = arith.constant 0 : i32
      %dma_wait3A_122 = tpu.memref_slice %arg12[%add3A_63, %dma_wait3A_121] : memref<10112x128xf32, #tpu.memory_space<vmem_shared>> -> memref<120x128xf32, #tpu.memory_space<vmem_shared>>
      %dma_wait3A_123 = arith.constant 0 : i32
      %dma_wait3A_124 = arith.constant 0 : i32
      %dma_wait3A_125 = tpu.memref_slice %arg10[%dma_wait3A_123, %dma_wait3A_124] : memref<128x128xf32, #tpu.memory_space<vmem>> -> memref<120x128xf32, #tpu.memory_space<vmem>>
      tpu.wait_dma2 semaphore(%run_scoped3A : memref<!tpu.dma_semaphore, #tpu.memory_space<semaphore_mem>>) src(%dma_wait3A_125 : memref<120x128xf32, #tpu.memory_space<vmem>>) dst(%dma_wait3A_122 : memref<120x128xf32, #tpu.memory_space<vmem_shared>>)
      tpu.yield
    }) : () -> ()
    %barrier3A = arith.constant 0 : index
    tpu.barrier barrier_id(%barrier3A)
    %add3A_64 = arith.constant 0 : i32
    %add3A_65 = arith.addi %add3A_6, %add3A_64 : i32
    %dma_wait3A = arith.constant 0 : i32
    %dma_wait3A_66 = arith.constant 0 : i32
    %dma_wait3A_67 = tpu.memref_slice %arg3[%add3A_65, %dma_wait3A, %dma_wait3A_66] : memref<2500x1x128xi32, #tpu.memory_space<hbm>> -> memref<1x1x128xi32, #tpu.memory_space<hbm>>
    %dma_wait3A_68 = tpu.memref_squeeze %dma_wait3A_67 : memref<1x1x128xi32, #tpu.memory_space<hbm>> -> memref<1x128xi32, #tpu.memory_space<hbm>>
    %dma_wait3A_69 = arith.constant 0 : i32
    %dma_wait3A_70 = arith.constant 0 : i32
    %dma_wait3A_71 = tpu.memref_slice %arg3[%add3A_65, %dma_wait3A_69, %dma_wait3A_70] : memref<2500x1x128xi32, #tpu.memory_space<hbm>> -> memref<1x1x128xi32, #tpu.memory_space<hbm>>
    %dma_wait3A_72 = tpu.memref_squeeze %dma_wait3A_71 : memref<1x1x128xi32, #tpu.memory_space<hbm>> -> memref<1x128xi32, #tpu.memory_space<hbm>>
    tpu.wait_dma2 semaphore(%arg15 : memref<!tpu.dma_semaphore, #tpu.memory_space<semaphore_mem>>) src(%dma_wait3A_72 : memref<1x128xi32, #tpu.memory_space<hbm>>) dst(%arg6 : memref<1x128xi32, #tpu.memory_space<vmem>>)
    %add3A_73 = arith.constant 0 : i32
    %add3A_74 = arith.addi %add3A_6, %add3A_73 : i32
    %dma_wait3A_75 = arith.constant 0 : i32
    %dma_wait3A_76 = arith.constant 0 : i32
    %dma_wait3A_77 = tpu.memref_slice %arg4[%add3A_74, %dma_wait3A_75, %dma_wait3A_76] : memref<2500x1x128xi32, #tpu.memory_space<hbm>> -> memref<1x1x128xi32, #tpu.memory_space<hbm>>
    %dma_wait3A_78 = tpu.memref_squeeze %dma_wait3A_77 : memref<1x1x128xi32, #tpu.memory_space<hbm>> -> memref<1x128xi32, #tpu.memory_space<hbm>>
    %dma_wait3A_79 = arith.constant 0 : i32
    %dma_wait3A_80 = arith.constant 0 : i32
    %dma_wait3A_81 = tpu.memref_slice %arg4[%add3A_74, %dma_wait3A_79, %dma_wait3A_80] : memref<2500x1x128xi32, #tpu.memory_space<hbm>> -> memref<1x1x128xi32, #tpu.memory_space<hbm>>
    %dma_wait3A_82 = tpu.memref_squeeze %dma_wait3A_81 : memref<1x1x128xi32, #tpu.memory_space<hbm>> -> memref<1x128xi32, #tpu.memory_space<hbm>>
    tpu.wait_dma2 semaphore(%arg15 : memref<!tpu.dma_semaphore, #tpu.memory_space<semaphore_mem>>) src(%dma_wait3A_82 : memref<1x128xi32, #tpu.memory_space<hbm>>) dst(%arg8 : memref<1x128xi32, #tpu.memory_space<vmem>>)
    %dma_start3A_83 = arith.constant 0 : i32
    %dma_start3A_84 = arith.constant 0 : i32
    %dma_start3A_85 = tpu.memref_slice %arg6[%dma_start3A_83, %dma_start3A_84] : memref<1x128xi32, #tpu.memory_space<vmem>> -> memref<1x128xi32, #tpu.memory_space<vmem>>
    %dma_start3A_86 = tpu.memref_squeeze %dma_start3A_85 : memref<1x128xi32, #tpu.memory_space<vmem>> -> memref<128xi32, #tpu.memory_space<vmem>>
    %dma_start3A_87 = arith.constant 0 : i32
    %dma_start3A_88 = arith.constant 0 : i32
    %dma_start3A_89 = tpu.memref_slice %arg2[%dma_start3A_87, %dma_start3A_88] : memref<10000x128xf32, #tpu.memory_space<hbm>> -> memref<10000x128xf32, #tpu.memory_space<hbm>>
    tpu.enqueue_indirect_dma source(%dma_start3A_89 : memref<10000x128xf32, #tpu.memory_space<hbm>>) target(%arg10 : memref<128x128xf32, #tpu.memory_space<vmem>>) offsets(%dma_start3A_86 : memref<128xi32, #tpu.memory_space<vmem>>) semaphore(%arg13 : memref<!tpu.dma_semaphore, #tpu.memory_space<semaphore_mem>>)
    %scan3A_90 = arith.constant 0 : i32
    %scan3A_91 = arith.constant 0 : i32
    %scan3A_92 = arith.constant 39 : i32
    %scan3A_93 = arith.addi %scan3A_91, %scan3A_92 : i32
    %scan3A_94 = arith.constant 1 : i32
    scf.for %scan3A_106 = %scan3A_91 to %scan3A_93 step %scan3A_94  : i32 {
      %mul3A_107 = arith.constant 2 : i32
      %mul3A_108 = arith.muli %mul3A_107, %scan3A_106 : i32
      %dma_wait3A_109 = arith.constant 0 : i32
      %dma_wait3A_110 = arith.constant 0 : i32
      %dma_wait3A_111 = tpu.memref_slice %arg6[%dma_wait3A_109, %dma_wait3A_110] : memref<1x128xi32, #tpu.memory_space<vmem>> -> memref<1x128xi32, #tpu.memory_space<vmem>>
      %dma_wait3A_112 = tpu.memref_squeeze %dma_wait3A_111 : memref<1x128xi32, #tpu.memory_space<vmem>> -> memref<128xi32, #tpu.memory_space<vmem>>
      %dma_wait3A_113 = arith.constant 0 : i32
      %dma_wait3A_114 = arith.constant 0 : i32
      %dma_wait3A_115 = tpu.memref_slice %arg2[%dma_wait3A_113, %dma_wait3A_114] : memref<10000x128xf32, #tpu.memory_space<hbm>> -> memref<10000x128xf32, #tpu.memory_space<hbm>>
      tpu.wait_indirect_dma semaphore(%arg13 : memref<!tpu.dma_semaphore, #tpu.memory_space<semaphore_mem>>) src(%dma_wait3A_115 : memref<10000x128xf32, #tpu.memory_space<hbm>>) dst(%arg10 : memref<128x128xf32, #tpu.memory_space<vmem>>)
      %add3A_116 = arith.constant 1 : i32
      %add3A_117 = arith.addi %mul3A_108, %add3A_116 : i32
      %add3A_118 = arith.addi %add3A_6, %add3A_117 : i32
      %dma_wait3A_119 = arith.constant 0 : i32
      %dma_wait3A_120 = arith.constant 0 : i32
      %dma_wait3A_121 = tpu.memref_slice %arg3[%add3A_118, %dma_wait3A_119, %dma_wait3A_120] : memref<2500x1x128xi32, #tpu.memory_space<hbm>> -> memref<1x1x128xi32, #tpu.memory_space<hbm>>
      %dma_wait3A_122 = tpu.memref_squeeze %dma_wait3A_121 : memref<1x1x128xi32, #tpu.memory_space<hbm>> -> memref<1x128xi32, #tpu.memory_space<hbm>>
      %dma_wait3A_123 = arith.constant 0 : i32
      %dma_wait3A_124 = arith.constant 0 : i32
      %dma_wait3A_125 = tpu.memref_slice %arg3[%add3A_118, %dma_wait3A_123, %dma_wait3A_124] : memref<2500x1x128xi32, #tpu.memory_space<hbm>> -> memref<1x1x128xi32, #tpu.memory_space<hbm>>
      %dma_wait3A_126 = tpu.memref_squeeze %dma_wait3A_125 : memref<1x1x128xi32, #tpu.memory_space<hbm>> -> memref<1x128xi32, #tpu.memory_space<hbm>>
      tpu.wait_dma2 semaphore(%arg16 : memref<!tpu.dma_semaphore, #tpu.memory_space<semaphore_mem>>) src(%dma_wait3A_126 : memref<1x128xi32, #tpu.memory_space<hbm>>) dst(%arg7 : memref<1x128xi32, #tpu.memory_space<vmem>>)
      %add3A_127 = arith.addi %add3A_6, %add3A_117 : i32
      %dma_wait3A_128 = arith.constant 0 : i32
      %dma_wait3A_129 = arith.constant 0 : i32
      %dma_wait3A_130 = tpu.memref_slice %arg4[%add3A_127, %dma_wait3A_128, %dma_wait3A_129] : memref<2500x1x128xi32, #tpu.memory_space<hbm>> -> memref<1x1x128xi32, #tpu.memory_space<hbm>>
      %dma_wait3A_131 = tpu.memref_squeeze %dma_wait3A_130 : memref<1x1x128xi32, #tpu.memory_space<hbm>> -> memref<1x128xi32, #tpu.memory_space<hbm>>
      %dma_wait3A_132 = arith.constant 0 : i32
      %dma_wait3A_133 = arith.constant 0 : i32
      %dma_wait3A_134 = tpu.memref_slice %arg4[%add3A_127, %dma_wait3A_132, %dma_wait3A_133] : memref<2500x1x128xi32, #tpu.memory_space<hbm>> -> memref<1x1x128xi32, #tpu.memory_space<hbm>>
      %dma_wait3A_135 = tpu.memref_squeeze %dma_wait3A_134 : memref<1x1x128xi32, #tpu.memory_space<hbm>> -> memref<1x128xi32, #tpu.memory_space<hbm>>
      tpu.wait_dma2 semaphore(%arg16 : memref<!tpu.dma_semaphore, #tpu.memory_space<semaphore_mem>>) src(%dma_wait3A_135 : memref<1x128xi32, #tpu.memory_space<hbm>>) dst(%arg9 : memref<1x128xi32, #tpu.memory_space<vmem>>)
      %dma_start3A_136 = arith.constant 0 : i32
      %dma_start3A_137 = arith.constant 0 : i32
      %dma_start3A_138 = tpu.memref_slice %arg7[%dma_start3A_136, %dma_start3A_137] : memref<1x128xi32, #tpu.memory_space<vmem>> -> memref<1x128xi32, #tpu.memory_space<vmem>>
      %dma_start3A_139 = tpu.memref_squeeze %dma_start3A_138 : memref<1x128xi32, #tpu.memory_space<vmem>> -> memref<128xi32, #tpu.memory_space<vmem>>
      %dma_start3A_140 = arith.constant 0 : i32
      %dma_start3A_141 = arith.constant 0 : i32
      %dma_start3A_142 = tpu.memref_slice %arg2[%dma_start3A_140, %dma_start3A_141] : memref<10000x128xf32, #tpu.memory_space<hbm>> -> memref<10000x128xf32, #tpu.memory_space<hbm>>
      tpu.enqueue_indirect_dma source(%dma_start3A_142 : memref<10000x128xf32, #tpu.memory_space<hbm>>) target(%arg11 : memref<128x128xf32, #tpu.memory_space<vmem>>) offsets(%dma_start3A_139 : memref<128xi32, #tpu.memory_space<vmem>>) semaphore(%arg14 : memref<!tpu.dma_semaphore, #tpu.memory_space<semaphore_mem>>)
      %run_scoped3A = arith.constant 0 : i32
      "tpu.region"() ({
        %run_scoped3A_165 = tpu.sem_alloc : memref<!tpu.dma_semaphore, #tpu.memory_space<semaphore_mem>>
        %dma_start3A_166 = arith.constant 0 : i32
        %dma_start3A_167 = tpu.memref_slice %arg8[%run_scoped3A, %dma_start3A_166] : memref<1x128xi32, #tpu.memory_space<vmem>> -> memref<1x128xi32, #tpu.memory_space<vmem>>
        %dma_start3A_168 = tpu.memref_squeeze %dma_start3A_167 : memref<1x128xi32, #tpu.memory_space<vmem>> -> memref<128xi32, #tpu.memory_space<vmem>>
        %dma_start3A_169 = arith.constant 0 : i32
        %dma_start3A_170 = arith.constant 0 : i32
        %dma_start3A_171 = tpu.memref_slice %arg12[%dma_start3A_169, %dma_start3A_170] : memref<10112x128xf32, #tpu.memory_space<vmem_shared>> -> memref<10112x128xf32, #tpu.memory_space<vmem_shared>>
        tpu.enqueue_indirect_dma source(%arg10 : memref<128x128xf32, #tpu.memory_space<vmem>>) target(%dma_start3A_171 : memref<10112x128xf32, #tpu.memory_space<vmem_shared>>) offsets(%dma_start3A_168 : memref<128xi32, #tpu.memory_space<vmem>>) semaphore(%run_scoped3A_165 : memref<!tpu.dma_semaphore, #tpu.memory_space<semaphore_mem>>) {add = true}
        %dma_wait3A_172 = arith.constant 0 : i32
        %dma_wait3A_173 = tpu.memref_slice %arg8[%run_scoped3A, %dma_wait3A_172] : memref<1x128xi32, #tpu.memory_space<vmem>> -> memref<1x128xi32, #tpu.memory_space<vmem>>
        %dma_wait3A_174 = tpu.memref_squeeze %dma_wait3A_173 : memref<1x128xi32, #tpu.memory_space<vmem>> -> memref<128xi32, #tpu.memory_space<vmem>>
        %dma_wait3A_175 = arith.constant 0 : i32
        %dma_wait3A_176 = arith.constant 0 : i32
        %dma_wait3A_177 = tpu.memref_slice %arg12[%dma_wait3A_175, %dma_wait3A_176] : memref<10112x128xf32, #tpu.memory_space<vmem_shared>> -> memref<10112x128xf32, #tpu.memory_space<vmem_shared>>
        tpu.wait_indirect_dma semaphore(%run_scoped3A_165 : memref<!tpu.dma_semaphore, #tpu.memory_space<semaphore_mem>>) src(%arg10 : memref<128x128xf32, #tpu.memory_space<vmem>>) dst(%dma_wait3A_177 : memref<10112x128xf32, #tpu.memory_space<vmem_shared>>)
        tpu.yield
      }) : () -> ()
      %lt3A_143 = arith.constant 38 : i32
      %lt3A_144 = arith.cmpi slt, %scan3A_106, %lt3A_143 : i32
      %convert_element_type3A_145 = arith.extui %lt3A_144 : i1 to i32
      %cond3A = arith.constant 0 : i32
      %cond3A_146 = arith.cmpi ne, %convert_element_type3A_145, %cond3A : i32
      scf.if %cond3A_146 {
        %add3A_165 = arith.constant 2 : i32
        %add3A_166 = arith.addi %mul3A_108, %add3A_165 : i32
        %add3A_167 = arith.addi %add3A_6, %add3A_166 : i32
        %dma_start3A_168 = arith.constant 0 : i32
        %dma_start3A_169 = arith.constant 0 : i32
        %dma_start3A_170 = tpu.memref_slice %arg3[%add3A_167, %dma_start3A_168, %dma_start3A_169] : memref<2500x1x128xi32, #tpu.memory_space<hbm>> -> memref<1x1x128xi32, #tpu.memory_space<hbm>>
        %dma_start3A_171 = tpu.memref_squeeze %dma_start3A_170 : memref<1x1x128xi32, #tpu.memory_space<hbm>> -> memref<1x128xi32, #tpu.memory_space<hbm>>
        %dma_start3A_172 = arith.constant 0 : i32
        %dma_start3A_173 = arith.constant 0 : i32
        %dma_start3A_174 = tpu.memref_slice %arg3[%add3A_167, %dma_start3A_172, %dma_start3A_173] : memref<2500x1x128xi32, #tpu.memory_space<hbm>> -> memref<1x1x128xi32, #tpu.memory_space<hbm>>
        %dma_start3A_175 = tpu.memref_squeeze %dma_start3A_174 : memref<1x1x128xi32, #tpu.memory_space<hbm>> -> memref<1x128xi32, #tpu.memory_space<hbm>>
        tpu.enqueue_dma source(%dma_start3A_175 : memref<1x128xi32, #tpu.memory_space<hbm>>) target(%arg6 : memref<1x128xi32, #tpu.memory_space<vmem>>) target_semaphore(%arg15 : memref<!tpu.dma_semaphore, #tpu.memory_space<semaphore_mem>>)
        %add3A_176 = arith.addi %add3A_6, %add3A_166 : i32
        %dma_start3A_177 = arith.constant 0 : i32
        %dma_start3A_178 = arith.constant 0 : i32
        %dma_start3A_179 = tpu.memref_slice %arg4[%add3A_176, %dma_start3A_177, %dma_start3A_178] : memref<2500x1x128xi32, #tpu.memory_space<hbm>> -> memref<1x1x128xi32, #tpu.memory_space<hbm>>
        %dma_start3A_180 = tpu.memref_squeeze %dma_start3A_179 : memref<1x1x128xi32, #tpu.memory_space<hbm>> -> memref<1x128xi32, #tpu.memory_space<hbm>>
        %dma_start3A_181 = arith.constant 0 : i32
        %dma_start3A_182 = arith.constant 0 : i32
        %dma_start3A_183 = tpu.memref_slice %arg4[%add3A_176, %dma_start3A_181, %dma_start3A_182] : memref<2500x1x128xi32, #tpu.memory_space<hbm>> -> memref<1x1x128xi32, #tpu.memory_space<hbm>>
        %dma_start3A_184 = tpu.memref_squeeze %dma_start3A_183 : memref<1x1x128xi32, #tpu.memory_space<hbm>> -> memref<1x128xi32, #tpu.memory_space<hbm>>
        tpu.enqueue_dma source(%dma_start3A_184 : memref<1x128xi32, #tpu.memory_space<hbm>>) target(%arg8 : memref<1x128xi32, #tpu.memory_space<vmem>>) target_semaphore(%arg15 : memref<!tpu.dma_semaphore, #tpu.memory_space<semaphore_mem>>)
      } else {
      }
      %dma_wait3A_147 = arith.constant 0 : i32
      %dma_wait3A_148 = arith.constant 0 : i32
      %dma_wait3A_149 = tpu.memref_slice %arg7[%dma_wait3A_147, %dma_wait3A_148] : memref<1x128xi32, #tpu.memory_space<vmem>> -> memref<1x128xi32, #tpu.memory_space<vmem>>
      %dma_wait3A_150 = tpu.memref_squeeze %dma_wait3A_149 : memref<1x128xi32, #tpu.memory_space<vmem>> -> memref<128xi32, #tpu.memory_space<vmem>>
      %dma_wait3A_151 = arith.constant 0 : i32
      %dma_wait3A_152 = arith.constant 0 : i32
      %dma_wait3A_153 = tpu.memref_slice %arg2[%dma_wait3A_151, %dma_wait3A_152] : memref<10000x128xf32, #tpu.memory_space<hbm>> -> memref<10000x128xf32, #tpu.memory_space<hbm>>
      tpu.wait_indirect_dma semaphore(%arg14 : memref<!tpu.dma_semaphore, #tpu.memory_space<semaphore_mem>>) src(%dma_wait3A_153 : memref<10000x128xf32, #tpu.memory_space<hbm>>) dst(%arg11 : memref<128x128xf32, #tpu.memory_space<vmem>>)
      %lt3A_154 = arith.constant 38 : i32
      %lt3A_155 = arith.cmpi slt, %scan3A_106, %lt3A_154 : i32
      %convert_element_type3A_156 = arith.extui %lt3A_155 : i1 to i32
      %cond3A_157 = arith.constant 0 : i32
      %cond3A_158 = arith.cmpi ne, %convert_element_type3A_156, %cond3A_157 : i32
      scf.if %cond3A_158 {
        %add3A_165 = arith.constant 2 : i32
        %add3A_166 = arith.addi %mul3A_108, %add3A_165 : i32
        %add3A_167 = arith.addi %add3A_6, %add3A_166 : i32
        %dma_wait3A_168 = arith.constant 0 : i32
        %dma_wait3A_169 = arith.constant 0 : i32
        %dma_wait3A_170 = tpu.memref_slice %arg3[%add3A_167, %dma_wait3A_168, %dma_wait3A_169] : memref<2500x1x128xi32, #tpu.memory_space<hbm>> -> memref<1x1x128xi32, #tpu.memory_space<hbm>>
        %dma_wait3A_171 = tpu.memref_squeeze %dma_wait3A_170 : memref<1x1x128xi32, #tpu.memory_space<hbm>> -> memref<1x128xi32, #tpu.memory_space<hbm>>
        %dma_wait3A_172 = arith.constant 0 : i32
        %dma_wait3A_173 = arith.constant 0 : i32
        %dma_wait3A_174 = tpu.memref_slice %arg3[%add3A_167, %dma_wait3A_172, %dma_wait3A_173] : memref<2500x1x128xi32, #tpu.memory_space<hbm>> -> memref<1x1x128xi32, #tpu.memory_space<hbm>>
        %dma_wait3A_175 = tpu.memref_squeeze %dma_wait3A_174 : memref<1x1x128xi32, #tpu.memory_space<hbm>> -> memref<1x128xi32, #tpu.memory_space<hbm>>
        tpu.wait_dma2 semaphore(%arg15 : memref<!tpu.dma_semaphore, #tpu.memory_space<semaphore_mem>>) src(%dma_wait3A_175 : memref<1x128xi32, #tpu.memory_space<hbm>>) dst(%arg6 : memref<1x128xi32, #tpu.memory_space<vmem>>)
        %add3A_176 = arith.addi %add3A_6, %add3A_166 : i32
        %dma_wait3A_177 = arith.constant 0 : i32
        %dma_wait3A_178 = arith.constant 0 : i32
        %dma_wait3A_179 = tpu.memref_slice %arg4[%add3A_176, %dma_wait3A_177, %dma_wait3A_178] : memref<2500x1x128xi32, #tpu.memory_space<hbm>> -> memref<1x1x128xi32, #tpu.memory_space<hbm>>
        %dma_wait3A_180 = tpu.memref_squeeze %dma_wait3A_179 : memref<1x1x128xi32, #tpu.memory_space<hbm>> -> memref<1x128xi32, #tpu.memory_space<hbm>>
        %dma_wait3A_181 = arith.constant 0 : i32
        %dma_wait3A_182 = arith.constant 0 : i32
        %dma_wait3A_183 = tpu.memref_slice %arg4[%add3A_176, %dma_wait3A_181, %dma_wait3A_182] : memref<2500x1x128xi32, #tpu.memory_space<hbm>> -> memref<1x1x128xi32, #tpu.memory_space<hbm>>
        %dma_wait3A_184 = tpu.memref_squeeze %dma_wait3A_183 : memref<1x1x128xi32, #tpu.memory_space<hbm>> -> memref<1x128xi32, #tpu.memory_space<hbm>>
        tpu.wait_dma2 semaphore(%arg15 : memref<!tpu.dma_semaphore, #tpu.memory_space<semaphore_mem>>) src(%dma_wait3A_184 : memref<1x128xi32, #tpu.memory_space<hbm>>) dst(%arg8 : memref<1x128xi32, #tpu.memory_space<vmem>>)
        %dma_start3A_185 = arith.constant 0 : i32
        %dma_start3A_186 = arith.constant 0 : i32
        %dma_start3A_187 = tpu.memref_slice %arg6[%dma_start3A_185, %dma_start3A_186] : memref<1x128xi32, #tpu.memory_space<vmem>> -> memref<1x128xi32, #tpu.memory_space<vmem>>
        %dma_start3A_188 = tpu.memref_squeeze %dma_start3A_187 : memref<1x128xi32, #tpu.memory_space<vmem>> -> memref<128xi32, #tpu.memory_space<vmem>>
        %dma_start3A_189 = arith.constant 0 : i32
        %dma_start3A_190 = arith.constant 0 : i32
        %dma_start3A_191 = tpu.memref_slice %arg2[%dma_start3A_189, %dma_start3A_190] : memref<10000x128xf32, #tpu.memory_space<hbm>> -> memref<10000x128xf32, #tpu.memory_space<hbm>>
        tpu.enqueue_indirect_dma source(%dma_start3A_191 : memref<10000x128xf32, #tpu.memory_space<hbm>>) target(%arg10 : memref<128x128xf32, #tpu.memory_space<vmem>>) offsets(%dma_start3A_188 : memref<128xi32, #tpu.memory_space<vmem>>) semaphore(%arg13 : memref<!tpu.dma_semaphore, #tpu.memory_space<semaphore_mem>>)
      } else {
      }
      %run_scoped3A_159 = arith.constant 0 : i32
      "tpu.region"() ({
        %run_scoped3A_165 = tpu.sem_alloc : memref<!tpu.dma_semaphore, #tpu.memory_space<semaphore_mem>>
        %dma_start3A_166 = arith.constant 0 : i32
        %dma_start3A_167 = tpu.memref_slice %arg9[%run_scoped3A_159, %dma_start3A_166] : memref<1x128xi32, #tpu.memory_space<vmem>> -> memref<1x128xi32, #tpu.memory_space<vmem>>
        %dma_start3A_168 = tpu.memref_squeeze %dma_start3A_167 : memref<1x128xi32, #tpu.memory_space<vmem>> -> memref<128xi32, #tpu.memory_space<vmem>>
        %dma_start3A_169 = arith.constant 0 : i32
        %dma_start3A_170 = arith.constant 0 : i32
        %dma_start3A_171 = tpu.memref_slice %arg12[%dma_start3A_169, %dma_start3A_170] : memref<10112x128xf32, #tpu.memory_space<vmem_shared>> -> memref<10112x128xf32, #tpu.memory_space<vmem_shared>>
        tpu.enqueue_indirect_dma source(%arg11 : memref<128x128xf32, #tpu.memory_space<vmem>>) target(%dma_start3A_171 : memref<10112x128xf32, #tpu.memory_space<vmem_shared>>) offsets(%dma_start3A_168 : memref<128xi32, #tpu.memory_space<vmem>>) semaphore(%run_scoped3A_165 : memref<!tpu.dma_semaphore, #tpu.memory_space<semaphore_mem>>) {add = true}
        %dma_wait3A_172 = arith.constant 0 : i32
        %dma_wait3A_173 = tpu.memref_slice %arg9[%run_scoped3A_159, %dma_wait3A_172] : memref<1x128xi32, #tpu.memory_space<vmem>> -> memref<1x128xi32, #tpu.memory_space<vmem>>
        %dma_wait3A_174 = tpu.memref_squeeze %dma_wait3A_173 : memref<1x128xi32, #tpu.memory_space<vmem>> -> memref<128xi32, #tpu.memory_space<vmem>>
        %dma_wait3A_175 = arith.constant 0 : i32
        %dma_wait3A_176 = arith.constant 0 : i32
        %dma_wait3A_177 = tpu.memref_slice %arg12[%dma_wait3A_175, %dma_wait3A_176] : memref<10112x128xf32, #tpu.memory_space<vmem_shared>> -> memref<10112x128xf32, #tpu.memory_space<vmem_shared>>
        tpu.wait_indirect_dma semaphore(%run_scoped3A_165 : memref<!tpu.dma_semaphore, #tpu.memory_space<semaphore_mem>>) src(%arg11 : memref<128x128xf32, #tpu.memory_space<vmem>>) dst(%dma_wait3A_177 : memref<10112x128xf32, #tpu.memory_space<vmem_shared>>)
        tpu.yield
      }) : () -> ()
      %lt3A_160 = arith.constant 38 : i32
      %lt3A_161 = arith.cmpi slt, %scan3A_106, %lt3A_160 : i32
      %convert_element_type3A_162 = arith.extui %lt3A_161 : i1 to i32
      %cond3A_163 = arith.constant 0 : i32
      %cond3A_164 = arith.cmpi ne, %convert_element_type3A_162, %cond3A_163 : i32
      scf.if %cond3A_164 {
        %add3A_165 = arith.constant 3 : i32
        %add3A_166 = arith.addi %mul3A_108, %add3A_165 : i32
        %add3A_167 = arith.addi %add3A_6, %add3A_166 : i32
        %dma_start3A_168 = arith.constant 0 : i32
        %dma_start3A_169 = arith.constant 0 : i32
        %dma_start3A_170 = tpu.memref_slice %arg3[%add3A_167, %dma_start3A_168, %dma_start3A_169] : memref<2500x1x128xi32, #tpu.memory_space<hbm>> -> memref<1x1x128xi32, #tpu.memory_space<hbm>>
        %dma_start3A_171 = tpu.memref_squeeze %dma_start3A_170 : memref<1x1x128xi32, #tpu.memory_space<hbm>> -> memref<1x128xi32, #tpu.memory_space<hbm>>
        %dma_start3A_172 = arith.constant 0 : i32
        %dma_start3A_173 = arith.constant 0 : i32
        %dma_start3A_174 = tpu.memref_slice %arg3[%add3A_167, %dma_start3A_172, %dma_start3A_173] : memref<2500x1x128xi32, #tpu.memory_space<hbm>> -> memref<1x1x128xi32, #tpu.memory_space<hbm>>
        %dma_start3A_175 = tpu.memref_squeeze %dma_start3A_174 : memref<1x1x128xi32, #tpu.memory_space<hbm>> -> memref<1x128xi32, #tpu.memory_space<hbm>>
        tpu.enqueue_dma source(%dma_start3A_175 : memref<1x128xi32, #tpu.memory_space<hbm>>) target(%arg7 : memref<1x128xi32, #tpu.memory_space<vmem>>) target_semaphore(%arg16 : memref<!tpu.dma_semaphore, #tpu.memory_space<semaphore_mem>>)
        %add3A_176 = arith.addi %add3A_6, %add3A_166 : i32
        %dma_start3A_177 = arith.constant 0 : i32
        %dma_start3A_178 = arith.constant 0 : i32
        %dma_start3A_179 = tpu.memref_slice %arg4[%add3A_176, %dma_start3A_177, %dma_start3A_178] : memref<2500x1x128xi32, #tpu.memory_space<hbm>> -> memref<1x1x128xi32, #tpu.memory_space<hbm>>
        %dma_start3A_180 = tpu.memref_squeeze %dma_start3A_179 : memref<1x1x128xi32, #tpu.memory_space<hbm>> -> memref<1x128xi32, #tpu.memory_space<hbm>>
        %dma_start3A_181 = arith.constant 0 : i32
        %dma_start3A_182 = arith.constant 0 : i32
        %dma_start3A_183 = tpu.memref_slice %arg4[%add3A_176, %dma_start3A_181, %dma_start3A_182] : memref<2500x1x128xi32, #tpu.memory_space<hbm>> -> memref<1x1x128xi32, #tpu.memory_space<hbm>>
        %dma_start3A_184 = tpu.memref_squeeze %dma_start3A_183 : memref<1x1x128xi32, #tpu.memory_space<hbm>> -> memref<1x128xi32, #tpu.memory_space<hbm>>
        tpu.enqueue_dma source(%dma_start3A_184 : memref<1x128xi32, #tpu.memory_space<hbm>>) target(%arg9 : memref<1x128xi32, #tpu.memory_space<vmem>>) target_semaphore(%arg16 : memref<!tpu.dma_semaphore, #tpu.memory_space<semaphore_mem>>)
      } else {
      }
    }
    %scan3A_95 = arith.constant 39 : i32
    %while3A = arith.constant 0 : i32
    %while3A_96 = arith.constant 78 : i32
    %while3A_97 = arith.subi %add3A_9, %while3A_96 : i32
    %while3A_98 = arith.addi %while3A_96, %while3A_97 : i32
    %while3A_99 = arith.constant 1 : i32
    %while3A_100 = arith.divsi %while3A_97, %while3A_99 : i32
    %while3A_101 = arith.muli %while3A_100, %while3A_99 : i32
    %while3A_102 = arith.addi %while3A_96, %while3A_101 : i32
    %while3A_103 = arith.constant 1 : i32
    scf.for %while3A_106 = %while3A_96 to %while3A_102 step %while3A_103  : i32 {
      %add3A_107 = arith.addi %add3A_6, %while3A_106 : i32
      %dma_start3A_108 = arith.constant 0 : i32
      %dma_start3A_109 = arith.constant 0 : i32
      %dma_start3A_110 = tpu.memref_slice %arg3[%add3A_107, %dma_start3A_108, %dma_start3A_109] : memref<2500x1x128xi32, #tpu.memory_space<hbm>> -> memref<1x1x128xi32, #tpu.memory_space<hbm>>
      %dma_start3A_111 = tpu.memref_squeeze %dma_start3A_110 : memref<1x1x128xi32, #tpu.memory_space<hbm>> -> memref<1x128xi32, #tpu.memory_space<hbm>>
      %dma_start3A_112 = arith.constant 0 : i32
      %dma_start3A_113 = arith.constant 0 : i32
      %dma_start3A_114 = tpu.memref_slice %arg3[%add3A_107, %dma_start3A_112, %dma_start3A_113] : memref<2500x1x128xi32, #tpu.memory_space<hbm>> -> memref<1x1x128xi32, #tpu.memory_space<hbm>>
      %dma_start3A_115 = tpu.memref_squeeze %dma_start3A_114 : memref<1x1x128xi32, #tpu.memory_space<hbm>> -> memref<1x128xi32, #tpu.memory_space<hbm>>
      tpu.enqueue_dma source(%dma_start3A_115 : memref<1x128xi32, #tpu.memory_space<hbm>>) target(%arg6 : memref<1x128xi32, #tpu.memory_space<vmem>>) target_semaphore(%arg15 : memref<!tpu.dma_semaphore, #tpu.memory_space<semaphore_mem>>)
      %add3A_116 = arith.addi %add3A_6, %while3A_106 : i32
      %dma_start3A_117 = arith.constant 0 : i32
      %dma_start3A_118 = arith.constant 0 : i32
      %dma_start3A_119 = tpu.memref_slice %arg4[%add3A_116, %dma_start3A_117, %dma_start3A_118] : memref<2500x1x128xi32, #tpu.memory_space<hbm>> -> memref<1x1x128xi32, #tpu.memory_space<hbm>>
      %dma_start3A_120 = tpu.memref_squeeze %dma_start3A_119 : memref<1x1x128xi32, #tpu.memory_space<hbm>> -> memref<1x128xi32, #tpu.memory_space<hbm>>
      %dma_start3A_121 = arith.constant 0 : i32
      %dma_start3A_122 = arith.constant 0 : i32
      %dma_start3A_123 = tpu.memref_slice %arg4[%add3A_116, %dma_start3A_121, %dma_start3A_122] : memref<2500x1x128xi32, #tpu.memory_space<hbm>> -> memref<1x1x128xi32, #tpu.memory_space<hbm>>
      %dma_start3A_124 = tpu.memref_squeeze %dma_start3A_123 : memref<1x1x128xi32, #tpu.memory_space<hbm>> -> memref<1x128xi32, #tpu.memory_space<hbm>>
      tpu.enqueue_dma source(%dma_start3A_124 : memref<1x128xi32, #tpu.memory_space<hbm>>) target(%arg8 : memref<1x128xi32, #tpu.memory_space<vmem>>) target_semaphore(%arg15 : memref<!tpu.dma_semaphore, #tpu.memory_space<semaphore_mem>>)
      %add3A_125 = arith.addi %add3A_6, %while3A_106 : i32
      %dma_wait3A_126 = arith.constant 0 : i32
      %dma_wait3A_127 = arith.constant 0 : i32
      %dma_wait3A_128 = tpu.memref_slice %arg3[%add3A_125, %dma_wait3A_126, %dma_wait3A_127] : memref<2500x1x128xi32, #tpu.memory_space<hbm>> -> memref<1x1x128xi32, #tpu.memory_space<hbm>>
      %dma_wait3A_129 = tpu.memref_squeeze %dma_wait3A_128 : memref<1x1x128xi32, #tpu.memory_space<hbm>> -> memref<1x128xi32, #tpu.memory_space<hbm>>
      %dma_wait3A_130 = arith.constant 0 : i32
      %dma_wait3A_131 = arith.constant 0 : i32
      %dma_wait3A_132 = tpu.memref_slice %arg3[%add3A_125, %dma_wait3A_130, %dma_wait3A_131] : memref<2500x1x128xi32, #tpu.memory_space<hbm>> -> memref<1x1x128xi32, #tpu.memory_space<hbm>>
      %dma_wait3A_133 = tpu.memref_squeeze %dma_wait3A_132 : memref<1x1x128xi32, #tpu.memory_space<hbm>> -> memref<1x128xi32, #tpu.memory_space<hbm>>
      tpu.wait_dma2 semaphore(%arg15 : memref<!tpu.dma_semaphore, #tpu.memory_space<semaphore_mem>>) src(%dma_wait3A_133 : memref<1x128xi32, #tpu.memory_space<hbm>>) dst(%arg6 : memref<1x128xi32, #tpu.memory_space<vmem>>)
      %add3A_134 = arith.addi %add3A_6, %while3A_106 : i32
      %dma_wait3A_135 = arith.constant 0 : i32
      %dma_wait3A_136 = arith.constant 0 : i32
      %dma_wait3A_137 = tpu.memref_slice %arg4[%add3A_134, %dma_wait3A_135, %dma_wait3A_136] : memref<2500x1x128xi32, #tpu.memory_space<hbm>> -> memref<1x1x128xi32, #tpu.memory_space<hbm>>
      %dma_wait3A_138 = tpu.memref_squeeze %dma_wait3A_137 : memref<1x1x128xi32, #tpu.memory_space<hbm>> -> memref<1x128xi32, #tpu.memory_space<hbm>>
      %dma_wait3A_139 = arith.constant 0 : i32
      %dma_wait3A_140 = arith.constant 0 : i32
      %dma_wait3A_141 = tpu.memref_slice %arg4[%add3A_134, %dma_wait3A_139, %dma_wait3A_140] : memref<2500x1x128xi32, #tpu.memory_space<hbm>> -> memref<1x1x128xi32, #tpu.memory_space<hbm>>
      %dma_wait3A_142 = tpu.memref_squeeze %dma_wait3A_141 : memref<1x1x128xi32, #tpu.memory_space<hbm>> -> memref<1x128xi32, #tpu.memory_space<hbm>>
      tpu.wait_dma2 semaphore(%arg15 : memref<!tpu.dma_semaphore, #tpu.memory_space<semaphore_mem>>) src(%dma_wait3A_142 : memref<1x128xi32, #tpu.memory_space<hbm>>) dst(%arg8 : memref<1x128xi32, #tpu.memory_space<vmem>>)
      %dma_start3A_143 = arith.constant 0 : i32
      %dma_start3A_144 = arith.constant 0 : i32
      %dma_start3A_145 = tpu.memref_slice %arg6[%dma_start3A_143, %dma_start3A_144] : memref<1x128xi32, #tpu.memory_space<vmem>> -> memref<1x128xi32, #tpu.memory_space<vmem>>
      %dma_start3A_146 = tpu.memref_squeeze %dma_start3A_145 : memref<1x128xi32, #tpu.memory_space<vmem>> -> memref<128xi32, #tpu.memory_space<vmem>>
      %dma_start3A_147 = arith.constant 0 : i32
      %dma_start3A_148 = arith.constant 0 : i32
      %dma_start3A_149 = tpu.memref_slice %arg2[%dma_start3A_147, %dma_start3A_148] : memref<10000x128xf32, #tpu.memory_space<hbm>> -> memref<10000x128xf32, #tpu.memory_space<hbm>>
      tpu.enqueue_indirect_dma source(%dma_start3A_149 : memref<10000x128xf32, #tpu.memory_space<hbm>>) target(%arg10 : memref<128x128xf32, #tpu.memory_space<vmem>>) offsets(%dma_start3A_146 : memref<128xi32, #tpu.memory_space<vmem>>) semaphore(%arg13 : memref<!tpu.dma_semaphore, #tpu.memory_space<semaphore_mem>>)
      %dma_wait3A_150 = arith.constant 0 : i32
      %dma_wait3A_151 = arith.constant 0 : i32
      %dma_wait3A_152 = tpu.memref_slice %arg6[%dma_wait3A_150, %dma_wait3A_151] : memref<1x128xi32, #tpu.memory_space<vmem>> -> memref<1x128xi32, #tpu.memory_space<vmem>>
      %dma_wait3A_153 = tpu.memref_squeeze %dma_wait3A_152 : memref<1x128xi32, #tpu.memory_space<vmem>> -> memref<128xi32, #tpu.memory_space<vmem>>
      %dma_wait3A_154 = arith.constant 0 : i32
      %dma_wait3A_155 = arith.constant 0 : i32
      %dma_wait3A_156 = tpu.memref_slice %arg2[%dma_wait3A_154, %dma_wait3A_155] : memref<10000x128xf32, #tpu.memory_space<hbm>> -> memref<10000x128xf32, #tpu.memory_space<hbm>>
      tpu.wait_indirect_dma semaphore(%arg13 : memref<!tpu.dma_semaphore, #tpu.memory_space<semaphore_mem>>) src(%dma_wait3A_156 : memref<10000x128xf32, #tpu.memory_space<hbm>>) dst(%arg10 : memref<128x128xf32, #tpu.memory_space<vmem>>)
      %run_scoped3A = arith.constant 0 : i32
      "tpu.region"() ({
        %run_scoped3A_157 = tpu.sem_alloc : memref<!tpu.dma_semaphore, #tpu.memory_space<semaphore_mem>>
        %dma_start3A_158 = arith.constant 0 : i32
        %dma_start3A_159 = tpu.memref_slice %arg8[%run_scoped3A, %dma_start3A_158] : memref<1x128xi32, #tpu.memory_space<vmem>> -> memref<1x128xi32, #tpu.memory_space<vmem>>
        %dma_start3A_160 = tpu.memref_squeeze %dma_start3A_159 : memref<1x128xi32, #tpu.memory_space<vmem>> -> memref<128xi32, #tpu.memory_space<vmem>>
        %dma_start3A_161 = arith.constant 0 : i32
        %dma_start3A_162 = arith.constant 0 : i32
        %dma_start3A_163 = tpu.memref_slice %arg12[%dma_start3A_161, %dma_start3A_162] : memref<10112x128xf32, #tpu.memory_space<vmem_shared>> -> memref<10112x128xf32, #tpu.memory_space<vmem_shared>>
        tpu.enqueue_indirect_dma source(%arg10 : memref<128x128xf32, #tpu.memory_space<vmem>>) target(%dma_start3A_163 : memref<10112x128xf32, #tpu.memory_space<vmem_shared>>) offsets(%dma_start3A_160 : memref<128xi32, #tpu.memory_space<vmem>>) semaphore(%run_scoped3A_157 : memref<!tpu.dma_semaphore, #tpu.memory_space<semaphore_mem>>) {add = true}
        %dma_wait3A_164 = arith.constant 0 : i32
        %dma_wait3A_165 = tpu.memref_slice %arg8[%run_scoped3A, %dma_wait3A_164] : memref<1x128xi32, #tpu.memory_space<vmem>> -> memref<1x128xi32, #tpu.memory_space<vmem>>
        %dma_wait3A_166 = tpu.memref_squeeze %dma_wait3A_165 : memref<1x128xi32, #tpu.memory_space<vmem>> -> memref<128xi32, #tpu.memory_space<vmem>>
        %dma_wait3A_167 = arith.constant 0 : i32
        %dma_wait3A_168 = arith.constant 0 : i32
        %dma_wait3A_169 = tpu.memref_slice %arg12[%dma_wait3A_167, %dma_wait3A_168] : memref<10112x128xf32, #tpu.memory_space<vmem_shared>> -> memref<10112x128xf32, #tpu.memory_space<vmem_shared>>
        tpu.wait_indirect_dma semaphore(%run_scoped3A_157 : memref<!tpu.dma_semaphore, #tpu.memory_space<semaphore_mem>>) src(%arg10 : memref<128x128xf32, #tpu.memory_space<vmem>>) dst(%dma_wait3A_169 : memref<10112x128xf32, #tpu.memory_space<vmem_shared>>)
        tpu.yield
      }) : () -> ()
    }
    %while3A_104 = arith.constant 1 : i32
    scf.for %while3A_106 = %while3A_102 to %while3A_98 step %while3A_104  : i32 {
      %add3A_107 = arith.addi %add3A_6, %while3A_106 : i32
      %dma_start3A_108 = arith.constant 0 : i32
      %dma_start3A_109 = arith.constant 0 : i32
      %dma_start3A_110 = tpu.memref_slice %arg3[%add3A_107, %dma_start3A_108, %dma_start3A_109] : memref<2500x1x128xi32, #tpu.memory_space<hbm>> -> memref<1x1x128xi32, #tpu.memory_space<hbm>>
      %dma_start3A_111 = tpu.memref_squeeze %dma_start3A_110 : memref<1x1x128xi32, #tpu.memory_space<hbm>> -> memref<1x128xi32, #tpu.memory_space<hbm>>
      %dma_start3A_112 = arith.constant 0 : i32
      %dma_start3A_113 = arith.constant 0 : i32
      %dma_start3A_114 = tpu.memref_slice %arg3[%add3A_107, %dma_start3A_112, %dma_start3A_113] : memref<2500x1x128xi32, #tpu.memory_space<hbm>> -> memref<1x1x128xi32, #tpu.memory_space<hbm>>
      %dma_start3A_115 = tpu.memref_squeeze %dma_start3A_114 : memref<1x1x128xi32, #tpu.memory_space<hbm>> -> memref<1x128xi32, #tpu.memory_space<hbm>>
      tpu.enqueue_dma source(%dma_start3A_115 : memref<1x128xi32, #tpu.memory_space<hbm>>) target(%arg6 : memref<1x128xi32, #tpu.memory_space<vmem>>) target_semaphore(%arg15 : memref<!tpu.dma_semaphore, #tpu.memory_space<semaphore_mem>>)
      %add3A_116 = arith.addi %add3A_6, %while3A_106 : i32
      %dma_start3A_117 = arith.constant 0 : i32
      %dma_start3A_118 = arith.constant 0 : i32
      %dma_start3A_119 = tpu.memref_slice %arg4[%add3A_116, %dma_start3A_117, %dma_start3A_118] : memref<2500x1x128xi32, #tpu.memory_space<hbm>> -> memref<1x1x128xi32, #tpu.memory_space<hbm>>
      %dma_start3A_120 = tpu.memref_squeeze %dma_start3A_119 : memref<1x1x128xi32, #tpu.memory_space<hbm>> -> memref<1x128xi32, #tpu.memory_space<hbm>>
      %dma_start3A_121 = arith.constant 0 : i32
      %dma_start3A_122 = arith.constant 0 : i32
      %dma_start3A_123 = tpu.memref_slice %arg4[%add3A_116, %dma_start3A_121, %dma_start3A_122] : memref<2500x1x128xi32, #tpu.memory_space<hbm>> -> memref<1x1x128xi32, #tpu.memory_space<hbm>>
      %dma_start3A_124 = tpu.memref_squeeze %dma_start3A_123 : memref<1x1x128xi32, #tpu.memory_space<hbm>> -> memref<1x128xi32, #tpu.memory_space<hbm>>
      tpu.enqueue_dma source(%dma_start3A_124 : memref<1x128xi32, #tpu.memory_space<hbm>>) target(%arg8 : memref<1x128xi32, #tpu.memory_space<vmem>>) target_semaphore(%arg15 : memref<!tpu.dma_semaphore, #tpu.memory_space<semaphore_mem>>)
      %add3A_125 = arith.addi %add3A_6, %while3A_106 : i32
      %dma_wait3A_126 = arith.constant 0 : i32
      %dma_wait3A_127 = arith.constant 0 : i32
      %dma_wait3A_128 = tpu.memref_slice %arg3[%add3A_125, %dma_wait3A_126, %dma_wait3A_127] : memref<2500x1x128xi32, #tpu.memory_space<hbm>> -> memref<1x1x128xi32, #tpu.memory_space<hbm>>
      %dma_wait3A_129 = tpu.memref_squeeze %dma_wait3A_128 : memref<1x1x128xi32, #tpu.memory_space<hbm>> -> memref<1x128xi32, #tpu.memory_space<hbm>>
      %dma_wait3A_130 = arith.constant 0 : i32
      %dma_wait3A_131 = arith.constant 0 : i32
      %dma_wait3A_132 = tpu.memref_slice %arg3[%add3A_125, %dma_wait3A_130, %dma_wait3A_131] : memref<2500x1x128xi32, #tpu.memory_space<hbm>> -> memref<1x1x128xi32, #tpu.memory_space<hbm>>
      %dma_wait3A_133 = tpu.memref_squeeze %dma_wait3A_132 : memref<1x1x128xi32, #tpu.memory_space<hbm>> -> memref<1x128xi32, #tpu.memory_space<hbm>>
      tpu.wait_dma2 semaphore(%arg15 : memref<!tpu.dma_semaphore, #tpu.memory_space<semaphore_mem>>) src(%dma_wait3A_133 : memref<1x128xi32, #tpu.memory_space<hbm>>) dst(%arg6 : memref<1x128xi32, #tpu.memory_space<vmem>>)
      %add3A_134 = arith.addi %add3A_6, %while3A_106 : i32
      %dma_wait3A_135 = arith.constant 0 : i32
      %dma_wait3A_136 = arith.constant 0 : i32
      %dma_wait3A_137 = tpu.memref_slice %arg4[%add3A_134, %dma_wait3A_135, %dma_wait3A_136] : memref<2500x1x128xi32, #tpu.memory_space<hbm>> -> memref<1x1x128xi32, #tpu.memory_space<hbm>>
      %dma_wait3A_138 = tpu.memref_squeeze %dma_wait3A_137 : memref<1x1x128xi32, #tpu.memory_space<hbm>> -> memref<1x128xi32, #tpu.memory_space<hbm>>
      %dma_wait3A_139 = arith.constant 0 : i32
      %dma_wait3A_140 = arith.constant 0 : i32
      %dma_wait3A_141 = tpu.memref_slice %arg4[%add3A_134, %dma_wait3A_139, %dma_wait3A_140] : memref<2500x1x128xi32, #tpu.memory_space<hbm>> -> memref<1x1x128xi32, #tpu.memory_space<hbm>>
      %dma_wait3A_142 = tpu.memref_squeeze %dma_wait3A_141 : memref<1x1x128xi32, #tpu.memory_space<hbm>> -> memref<1x128xi32, #tpu.memory_space<hbm>>
      tpu.wait_dma2 semaphore(%arg15 : memref<!tpu.dma_semaphore, #tpu.memory_space<semaphore_mem>>) src(%dma_wait3A_142 : memref<1x128xi32, #tpu.memory_space<hbm>>) dst(%arg8 : memref<1x128xi32, #tpu.memory_space<vmem>>)
      %dma_start3A_143 = arith.constant 0 : i32
      %dma_start3A_144 = arith.constant 0 : i32
      %dma_start3A_145 = tpu.memref_slice %arg6[%dma_start3A_143, %dma_start3A_144] : memref<1x128xi32, #tpu.memory_space<vmem>> -> memref<1x128xi32, #tpu.memory_space<vmem>>
      %dma_start3A_146 = tpu.memref_squeeze %dma_start3A_145 : memref<1x128xi32, #tpu.memory_space<vmem>> -> memref<128xi32, #tpu.memory_space<vmem>>
      %dma_start3A_147 = arith.constant 0 : i32
      %dma_start3A_148 = arith.constant 0 : i32
      %dma_start3A_149 = tpu.memref_slice %arg2[%dma_start3A_147, %dma_start3A_148] : memref<10000x128xf32, #tpu.memory_space<hbm>> -> memref<10000x128xf32, #tpu.memory_space<hbm>>
      tpu.enqueue_indirect_dma source(%dma_start3A_149 : memref<10000x128xf32, #tpu.memory_space<hbm>>) target(%arg10 : memref<128x128xf32, #tpu.memory_space<vmem>>) offsets(%dma_start3A_146 : memref<128xi32, #tpu.memory_space<vmem>>) semaphore(%arg13 : memref<!tpu.dma_semaphore, #tpu.memory_space<semaphore_mem>>)
      %dma_wait3A_150 = arith.constant 0 : i32
      %dma_wait3A_151 = arith.constant 0 : i32
      %dma_wait3A_152 = tpu.memref_slice %arg6[%dma_wait3A_150, %dma_wait3A_151] : memref<1x128xi32, #tpu.memory_space<vmem>> -> memref<1x128xi32, #tpu.memory_space<vmem>>
      %dma_wait3A_153 = tpu.memref_squeeze %dma_wait3A_152 : memref<1x128xi32, #tpu.memory_space<vmem>> -> memref<128xi32, #tpu.memory_space<vmem>>
      %dma_wait3A_154 = arith.constant 0 : i32
      %dma_wait3A_155 = arith.constant 0 : i32
      %dma_wait3A_156 = tpu.memref_slice %arg2[%dma_wait3A_154, %dma_wait3A_155] : memref<10000x128xf32, #tpu.memory_space<hbm>> -> memref<10000x128xf32, #tpu.memory_space<hbm>>
      tpu.wait_indirect_dma semaphore(%arg13 : memref<!tpu.dma_semaphore, #tpu.memory_space<semaphore_mem>>) src(%dma_wait3A_156 : memref<10000x128xf32, #tpu.memory_space<hbm>>) dst(%arg10 : memref<128x128xf32, #tpu.memory_space<vmem>>)
      %run_scoped3A = arith.constant 0 : i32
      "tpu.region"() ({
        %run_scoped3A_157 = tpu.sem_alloc : memref<!tpu.dma_semaphore, #tpu.memory_space<semaphore_mem>>
        %dma_start3A_158 = arith.constant 0 : i32
        %dma_start3A_159 = tpu.memref_slice %arg8[%run_scoped3A, %dma_start3A_158] : memref<1x128xi32, #tpu.memory_space<vmem>> -> memref<1x128xi32, #tpu.memory_space<vmem>>
        %dma_start3A_160 = tpu.memref_squeeze %dma_start3A_159 : memref<1x128xi32, #tpu.memory_space<vmem>> -> memref<128xi32, #tpu.memory_space<vmem>>
        %dma_start3A_161 = arith.constant 0 : i32
        %dma_start3A_162 = arith.constant 0 : i32
        %dma_start3A_163 = tpu.memref_slice %arg12[%dma_start3A_161, %dma_start3A_162] : memref<10112x128xf32, #tpu.memory_space<vmem_shared>> -> memref<10112x128xf32, #tpu.memory_space<vmem_shared>>
        tpu.enqueue_indirect_dma source(%arg10 : memref<128x128xf32, #tpu.memory_space<vmem>>) target(%dma_start3A_163 : memref<10112x128xf32, #tpu.memory_space<vmem_shared>>) offsets(%dma_start3A_160 : memref<128xi32, #tpu.memory_space<vmem>>) semaphore(%run_scoped3A_157 : memref<!tpu.dma_semaphore, #tpu.memory_space<semaphore_mem>>) {add = true}
        %dma_wait3A_164 = arith.constant 0 : i32
        %dma_wait3A_165 = tpu.memref_slice %arg8[%run_scoped3A, %dma_wait3A_164] : memref<1x128xi32, #tpu.memory_space<vmem>> -> memref<1x128xi32, #tpu.memory_space<vmem>>
        %dma_wait3A_166 = tpu.memref_squeeze %dma_wait3A_165 : memref<1x128xi32, #tpu.memory_space<vmem>> -> memref<128xi32, #tpu.memory_space<vmem>>
        %dma_wait3A_167 = arith.constant 0 : i32
        %dma_wait3A_168 = arith.constant 0 : i32
        %dma_wait3A_169 = tpu.memref_slice %arg12[%dma_wait3A_167, %dma_wait3A_168] : memref<10112x128xf32, #tpu.memory_space<vmem_shared>> -> memref<10112x128xf32, #tpu.memory_space<vmem_shared>>
        tpu.wait_indirect_dma semaphore(%run_scoped3A_157 : memref<!tpu.dma_semaphore, #tpu.memory_space<semaphore_mem>>) src(%arg10 : memref<128x128xf32, #tpu.memory_space<vmem>>) dst(%dma_wait3A_169 : memref<10112x128xf32, #tpu.memory_space<vmem_shared>>)
        tpu.yield
      }) : () -> ()
    }
    %barrier3A_105 = arith.constant 0 : index
    tpu.barrier barrier_id(%barrier3A_105)
    "tpu.region"() ({
      %run_scoped3A = tpu.sem_alloc : memref<!tpu.dma_semaphore, #tpu.memory_space<semaphore_mem>>
      %dma_start3A_106 = arith.constant 0 : i32
      %dma_start3A_107 = tpu.memref_slice %arg5[%arg0, %mul3A_2, %dma_start3A_106] : memref<2x10112x128xf32, #tpu.memory_space<hbm>> -> memref<1x632x128xf32, #tpu.memory_space<hbm>>
      %dma_start3A_108 = tpu.memref_squeeze %dma_start3A_107 : memref<1x632x128xf32, #tpu.memory_space<hbm>> -> memref<632x128xf32, #tpu.memory_space<hbm>>
      %dma_start3A_109 = arith.constant 0 : i32
      %dma_start3A_110 = tpu.memref_slice %arg12[%mul3A_2, %dma_start3A_109] : memref<10112x128xf32, #tpu.memory_space<vmem_shared>> -> memref<632x128xf32, #tpu.memory_space<vmem_shared>>
      tpu.enqueue_dma source(%dma_start3A_110 : memref<632x128xf32, #tpu.memory_space<vmem_shared>>) target(%dma_start3A_108 : memref<632x128xf32, #tpu.memory_space<hbm>>) target_semaphore(%run_scoped3A : memref<!tpu.dma_semaphore, #tpu.memory_space<semaphore_mem>>)
      %dma_wait3A_111 = arith.constant 0 : i32
      %dma_wait3A_112 = tpu.memref_slice %arg5[%arg0, %mul3A_2, %dma_wait3A_111] : memref<2x10112x128xf32, #tpu.memory_space<hbm>> -> memref<1x632x128xf32, #tpu.memory_space<hbm>>
      %dma_wait3A_113 = tpu.memref_squeeze %dma_wait3A_112 : memref<1x632x128xf32, #tpu.memory_space<hbm>> -> memref<632x128xf32, #tpu.memory_space<hbm>>
      %dma_wait3A_114 = arith.constant 0 : i32
      %dma_wait3A_115 = tpu.memref_slice %arg12[%mul3A_2, %dma_wait3A_114] : memref<10112x128xf32, #tpu.memory_space<vmem_shared>> -> memref<632x128xf32, #tpu.memory_space<vmem_shared>>
      tpu.wait_dma2 semaphore(%run_scoped3A : memref<!tpu.dma_semaphore, #tpu.memory_space<semaphore_mem>>) src(%dma_wait3A_115 : memref<632x128xf32, #tpu.memory_space<vmem_shared>>) dst(%dma_wait3A_113 : memref<632x128xf32, #tpu.memory_space<hbm>>)
      tpu.yield
    }) : () -> ()
    return
  }
}

module attributes {stable_mosaic.version = 14 : i64} {
  func.func @body(%arg0: i32, %arg1: memref<1000x128xf32, #tpu.memory_space<vmem>>, %arg2: memref<128x128xf32, #tpu.memory_space<vmem>>, %arg3: memref<1000x4xf32, #tpu.memory_space<vmem>>, %arg4: memref<4x1xf32, #tpu.memory_space<vmem>>, %arg5: memref<1x1xf32, #tpu.memory_space<vmem>>, %arg6: memref<1000x128xf32, #tpu.memory_space<vmem>>, %arg7: memref<1000x1xf32, #tpu.memory_space<vmem>>) attributes {dimension_semantics = [#tpu.dimension_semantics<arbitrary>], iteration_bounds = array<i64: 10>, scalar_prefetch = 0 : i64, scratch_operands = 0 : i64, tpu.core_type = #tpu.core_type<tc>, window_params = [{transform_indices = @transform_0, window_bounds = array<i64: 1000, 128>}, {pipeline_mode = #tpu.pipeline_mode<synchronous>, transform_indices = @transform_1, window_bounds = array<i64: 128, 128>}, {transform_indices = @transform_2, window_bounds = array<i64: 1000, 4>}, {pipeline_mode = #tpu.pipeline_mode<synchronous>, transform_indices = @transform_3, window_bounds = array<i64: 4, 1>}, {pipeline_mode = #tpu.pipeline_mode<synchronous>, transform_indices = @transform_4, window_bounds = array<i64: 1, 1>}, {transform_indices = @transform_5, window_bounds = array<i64: 1000, 128>}, {transform_indices = @transform_6, window_bounds = array<i64: 1000, 1>}]} {
    %get3A = arith.constant 0 : index
    %get3A_0 = arith.constant 0 : index
    %get3A_1 = vector.load %arg1[%get3A, %get3A_0] : memref<1000x128xf32, #tpu.memory_space<vmem>>, vector<1000x128xf32>
    %get3A_2 = arith.constant 0 : index
    %get3A_3 = arith.constant 0 : index
    %get3A_4 = vector.load %arg2[%get3A_2, %get3A_3] : memref<128x128xf32, #tpu.memory_space<vmem>>, vector<128x128xf32>
    %dot_general3A = arith.constant dense<0.000000e+00> : vector<1000x128xf32>
    %dot_general3A_5 = tpu.matmul %get3A_1, %get3A_4, %dot_general3A {dimension_numbers = #tpu.dot_dimension_numbers<[1], [0], [0], [1], [0, 0, 1, 1], [], []>, transpose_lhs_hint = false} : vector<1000x128xf32>, vector<128x128xf32>, vector<1000x128xf32> -> vector<1000x128xf32>
    %swap3A = arith.constant 0 : index
    %swap3A_6 = arith.constant 0 : index
    %swap3A_7 = vector.load %arg6[%swap3A, %swap3A_6] : memref<1000x128xf32, #tpu.memory_space<vmem>>, vector<1000x128xf32>
    tpu.vector_store %arg6[%swap3A, %swap3A_6], %dot_general3A_5 {strides = array<i32>} : memref<1000x128xf32, #tpu.memory_space<vmem>>, vector<1000x128xf32>,
    %get3A_8 = arith.constant 0 : index
    %get3A_9 = arith.constant 0 : index
    %get3A_10 = vector.load %arg3[%get3A_8, %get3A_9] : memref<1000x4xf32, #tpu.memory_space<vmem>>, vector<1000x4xf32>
    %get3A_11 = arith.constant 0 : index
    %get3A_12 = arith.constant 0 : index
    %get3A_13 = vector.load %arg4[%get3A_11, %get3A_12] : memref<4x1xf32, #tpu.memory_space<vmem>>, vector<4x1xf32>
    %dot_general3A_14 = arith.constant dense<0.000000e+00> : vector<1000x1xf32>
    %dot_general3A_15 = tpu.matmul %get3A_10, %get3A_13, %dot_general3A_14 {dimension_numbers = #tpu.dot_dimension_numbers<[1], [0], [0], [1], [0, 0, 1, 1], [], []>, transpose_lhs_hint = false} : vector<1000x4xf32>, vector<4x1xf32>, vector<1000x1xf32> -> vector<1000x1xf32>
    %get3A_16 = arith.constant 0 : index
    %get3A_17 = arith.constant 0 : index
    %get3A_18 = vector.load %arg5[%get3A_16, %get3A_17] : memref<1x1xf32, #tpu.memory_space<vmem>>, vector<1x1xf32>
    %add3A = vector.broadcast %get3A_18 : vector<1x1xf32> to vector<1000x1xf32>
    %add3A_19 = arith.addf %dot_general3A_15, %add3A : vector<1000x1xf32>
    %swap3A_20 = arith.constant 0 : index
    %swap3A_21 = arith.constant 0 : index
    %swap3A_22 = vector.load %arg7[%swap3A_20, %swap3A_21] : memref<1000x1xf32, #tpu.memory_space<vmem>>, vector<1000x1xf32>
    tpu.vector_store %arg7[%swap3A_20, %swap3A_21], %add3A_19 {strides = array<i32>} : memref<1000x1xf32, #tpu.memory_space<vmem>>, vector<1000x1xf32>,
    return
  }
  func.func @transform_0(%arg0: i32) -> (i32, i32) {
    %c0_i32 = arith.constant 0 : i32
    %c0_i32_0 = arith.constant 0 : i32
    return %arg0, %c0_i32 : i32, i32
  }
  func.func @transform_1(%arg0: i32) -> (i32, i32) {
    %c0_i32 = arith.constant 0 : i32
    %c0_i32_0 = arith.constant 0 : i32
    %c0_i32_1 = arith.constant 0 : i32
    return %c0_i32, %c0_i32_0 : i32, i32
  }
  func.func @transform_2(%arg0: i32) -> (i32, i32) {
    %c0_i32 = arith.constant 0 : i32
    %c0_i32_0 = arith.constant 0 : i32
    return %arg0, %c0_i32 : i32, i32
  }
  func.func @transform_3(%arg0: i32) -> (i32, i32) {
    %c0_i32 = arith.constant 0 : i32
    %c0_i32_0 = arith.constant 0 : i32
    %c0_i32_1 = arith.constant 0 : i32
    return %c0_i32, %c0_i32_0 : i32, i32
  }
  func.func @transform_4(%arg0: i32) -> (i32, i32) {
    %c0_i32 = arith.constant 0 : i32
    %c0_i32_0 = arith.constant 0 : i32
    %c0_i32_1 = arith.constant 0 : i32
    return %c0_i32, %c0_i32_0 : i32, i32
  }
  func.func @transform_5(%arg0: i32) -> (i32, i32) {
    %c0_i32 = arith.constant 0 : i32
    %c0_i32_0 = arith.constant 0 : i32
    return %arg0, %c0_i32 : i32, i32
  }
  func.func @transform_6(%arg0: i32) -> (i32, i32) {
    %c0_i32 = arith.constant 0 : i32
    %c0_i32_0 = arith.constant 0 : i32
    return %arg0, %c0_i32 : i32, i32
  }
}

module attributes {stable_mosaic.version = 14 : i64} {
  func.func @body(%arg0: i32, %arg1: memref<1000x128xf32, #tpu.memory_space<vmem>>, %arg2: memref<1000x2xf32, #tpu.memory_space<vmem>>, %arg3: memref<1000x128xf32, #tpu.memory_space<vmem>>, %arg4: memref<1000x1xf32, #tpu.memory_space<vmem>>) attributes {dimension_semantics = [#tpu.dimension_semantics<arbitrary>], iteration_bounds = array<i64: 10>, scalar_prefetch = 0 : i64, scratch_operands = 0 : i64, tpu.core_type = #tpu.core_type<tc>, window_params = [{transform_indices = @transform_0, window_bounds = array<i64: 1000, 128>}, {transform_indices = @transform_1, window_bounds = array<i64: 1000, 2>}, {transform_indices = @transform_2, window_bounds = array<i64: 1000, 128>}, {transform_indices = @transform_3, window_bounds = array<i64: 1000, 1>}]} {
    %get3A = arith.constant 0 : index
    %get3A_0 = arith.constant 0 : index
    %get3A_1 = vector.load %arg2[%get3A, %get3A_0] : memref<1000x2xf32, #tpu.memory_space<vmem>>, vector<1000x1xf32>
    %add3A = arith.constant 1.000000e+00 : f32
    %add3A_2 = vector.broadcast %add3A : f32 to vector<1000x1xf32>
    %add3A_3 = arith.addf %add3A_2, %get3A_1 : vector<1000x1xf32>
    %get3A_4 = arith.constant 0 : index
    %get3A_5 = arith.constant 1 : index
    %get3A_6 = vector.load %arg2[%get3A_4, %get3A_5] : memref<1000x2xf32, #tpu.memory_space<vmem>>, vector<1000x1xf32>
    %add3A_7 = arith.addf %add3A_3, %get3A_6 : vector<1000x1xf32>
    %rsqrt3A = math.rsqrt %add3A_7 : vector<1000x1xf32>
    %get3A_8 = arith.constant 0 : index
    %get3A_9 = arith.constant 0 : index
    %get3A_10 = vector.load %arg1[%get3A_8, %get3A_9] : memref<1000x128xf32, #tpu.memory_space<vmem>>, vector<1000x128xf32>
    %mul3A = vector.broadcast %rsqrt3A : vector<1000x1xf32> to vector<1000x128xf32>
    %mul3A_11 = arith.mulf %mul3A, %get3A_10 : vector<1000x128xf32>
    %swap3A = arith.constant 0 : index
    %swap3A_12 = arith.constant 0 : index
    %swap3A_13 = vector.load %arg3[%swap3A, %swap3A_12] : memref<1000x128xf32, #tpu.memory_space<vmem>>, vector<1000x128xf32>
    tpu.vector_store %arg3[%swap3A, %swap3A_12], %mul3A_11 {strides = array<i32>} : memref<1000x128xf32, #tpu.memory_space<vmem>>, vector<1000x128xf32>,
    %swap3A_14 = arith.constant 0 : index
    %swap3A_15 = arith.constant 0 : index
    %swap3A_16 = vector.load %arg4[%swap3A_14, %swap3A_15] : memref<1000x1xf32, #tpu.memory_space<vmem>>, vector<1000x1xf32>
    tpu.vector_store %arg4[%swap3A_14, %swap3A_15], %rsqrt3A {strides = array<i32>} : memref<1000x1xf32, #tpu.memory_space<vmem>>, vector<1000x1xf32>,
    return
  }
  func.func @transform_0(%arg0: i32) -> (i32, i32) {
    %c0_i32 = arith.constant 0 : i32
    %c0_i32_0 = arith.constant 0 : i32
    return %arg0, %c0_i32 : i32, i32
  }
  func.func @transform_1(%arg0: i32) -> (i32, i32) {
    %c0_i32 = arith.constant 0 : i32
    %c0_i32_0 = arith.constant 0 : i32
    return %arg0, %c0_i32 : i32, i32
  }
  func.func @transform_2(%arg0: i32) -> (i32, i32) {
    %c0_i32 = arith.constant 0 : i32
    %c0_i32_0 = arith.constant 0 : i32
    return %arg0, %c0_i32 : i32, i32
  }
  func.func @transform_3(%arg0: i32) -> (i32, i32) {
    %c0_i32 = arith.constant 0 : i32
    %c0_i32_0 = arith.constant 0 : i32
    return %arg0, %c0_i32 : i32, i32
  }
}

module attributes {stable_mosaic.version = 14 : i64} {
  func.func @body(%arg0: i32, %arg1: memref<2x1000x128xf32, #tpu.memory_space<vmem>>, %arg2: memref<1000x128xf32, #tpu.memory_space<vmem>>, %arg3: memref<1000x1xf32, #tpu.memory_space<vmem>>, %arg4: memref<1x128xf32, #tpu.memory_space<vmem>>, %arg5: memref<128x1xf32, #tpu.memory_space<vmem>>, %arg6: memref<1000x1xf32, #tpu.memory_space<vmem>>) attributes {dimension_semantics = [#tpu.dimension_semantics<arbitrary>], iteration_bounds = array<i64: 10>, scalar_prefetch = 0 : i64, scratch_operands = 0 : i64, tpu.core_type = #tpu.core_type<tc>, window_params = [{transform_indices = @transform_0, window_bounds = array<i64: 2, 1000, 128>}, {transform_indices = @transform_1, window_bounds = array<i64: 1000, 128>}, {transform_indices = @transform_2, window_bounds = array<i64: 1000, 1>}, {pipeline_mode = #tpu.pipeline_mode<synchronous>, transform_indices = @transform_3, window_bounds = array<i64: 1, 128>}, {pipeline_mode = #tpu.pipeline_mode<synchronous>, transform_indices = @transform_4, window_bounds = array<i64: 128, 1>}, {transform_indices = @transform_5, window_bounds = array<i64: 1000, 1>}]} {
    %get3A = arith.constant 0 : index
    %get3A_0 = arith.constant 0 : index
    %get3A_1 = arith.constant 0 : index
    %get3A_2 = vector.load %arg1[%get3A, %get3A_0, %get3A_1] : memref<2x1000x128xf32, #tpu.memory_space<vmem>>, vector<1x1000x128xf32>
    %get3A_3 = vector.shape_cast %get3A_2 : vector<1x1000x128xf32> to vector<1000x128xf32>
    %get3A_4 = arith.constant 1 : index
    %get3A_5 = arith.constant 0 : index
    %get3A_6 = arith.constant 0 : index
    %get3A_7 = vector.load %arg1[%get3A_4, %get3A_5, %get3A_6] : memref<2x1000x128xf32, #tpu.memory_space<vmem>>, vector<1x1000x128xf32>
    %get3A_8 = vector.shape_cast %get3A_7 : vector<1x1000x128xf32> to vector<1000x128xf32>
    %add3A = arith.addf %get3A_3, %get3A_8 : vector<1000x128xf32>
    %get3A_9 = arith.constant 0 : index
    %get3A_10 = arith.constant 0 : index
    %get3A_11 = vector.load %arg3[%get3A_9, %get3A_10] : memref<1000x1xf32, #tpu.memory_space<vmem>>, vector<1000x1xf32>
    %get3A_12 = arith.constant 0 : index
    %get3A_13 = arith.constant 0 : index
    %get3A_14 = vector.load %arg2[%get3A_12, %get3A_13] : memref<1000x128xf32, #tpu.memory_space<vmem>>, vector<1000x128xf32>
    %add3A_15 = arith.addf %add3A, %get3A_14 : vector<1000x128xf32>
    %mul3A = vector.broadcast %get3A_11 : vector<1000x1xf32> to vector<1000x128xf32>
    %mul3A_16 = arith.mulf %mul3A, %add3A_15 : vector<1000x128xf32>
    %get3A_17 = arith.constant 0 : index
    %get3A_18 = arith.constant 0 : index
    %get3A_19 = vector.load %arg4[%get3A_17, %get3A_18] : memref<1x128xf32, #tpu.memory_space<vmem>>, vector<1x128xf32>
    %add3A_20 = vector.broadcast %get3A_19 : vector<1x128xf32> to vector<1000x128xf32>
    %add3A_21 = arith.addf %mul3A_16, %add3A_20 : vector<1000x128xf32>
    %max3A = arith.constant 0.000000e+00 : f32
    %max3A_22 = vector.broadcast %max3A : f32 to vector<1000x128xf32>
    %max3A_23 = arith.maximumf %add3A_21, %max3A_22 : vector<1000x128xf32>
    %get3A_24 = arith.constant 0 : index
    %get3A_25 = arith.constant 0 : index
    %get3A_26 = vector.load %arg5[%get3A_24, %get3A_25] : memref<128x1xf32, #tpu.memory_space<vmem>>, vector<128x1xf32>
    %dot_general3A = arith.constant dense<0.000000e+00> : vector<1000x1xf32>
    %dot_general3A_27 = tpu.matmul %max3A_23, %get3A_26, %dot_general3A {dimension_numbers = #tpu.dot_dimension_numbers<[1], [0], [0], [1], [0, 0, 1, 1], [], []>, transpose_lhs_hint = false} : vector<1000x128xf32>, vector<128x1xf32>, vector<1000x1xf32> -> vector<1000x1xf32>
    %mul3A_28 = arith.mulf %get3A_11, %dot_general3A_27 : vector<1000x1xf32>
    %swap3A = arith.constant 0 : index
    %swap3A_29 = arith.constant 0 : index
    %swap3A_30 = vector.load %arg6[%swap3A, %swap3A_29] : memref<1000x1xf32, #tpu.memory_space<vmem>>, vector<1000x1xf32>
    tpu.vector_store %arg6[%swap3A, %swap3A_29], %mul3A_28 {strides = array<i32>} : memref<1000x1xf32, #tpu.memory_space<vmem>>, vector<1000x1xf32>,
    return
  }
  func.func @transform_0(%arg0: i32) -> (i32, i32, i32) {
    %c0_i32 = arith.constant 0 : i32
    %c0_i32_0 = arith.constant 0 : i32
    %c0_i32_1 = arith.constant 0 : i32
    return %c0_i32, %arg0, %c0_i32_0 : i32, i32, i32
  }
  func.func @transform_1(%arg0: i32) -> (i32, i32) {
    %c0_i32 = arith.constant 0 : i32
    %c0_i32_0 = arith.constant 0 : i32
    return %arg0, %c0_i32 : i32, i32
  }
  func.func @transform_2(%arg0: i32) -> (i32, i32) {
    %c0_i32 = arith.constant 0 : i32
    %c0_i32_0 = arith.constant 0 : i32
    return %arg0, %c0_i32 : i32, i32
  }
  func.func @transform_3(%arg0: i32) -> (i32, i32) {
    %c0_i32 = arith.constant 0 : i32
    %c0_i32_0 = arith.constant 0 : i32
    %c0_i32_1 = arith.constant 0 : i32
    return %c0_i32, %c0_i32_0 : i32, i32
  }
  func.func @transform_4(%arg0: i32) -> (i32, i32) {
    %c0_i32 = arith.constant 0 : i32
    %c0_i32_0 = arith.constant 0 : i32
    %c0_i32_1 = arith.constant 0 : i32
    return %c0_i32, %c0_i32_0 : i32, i32
  }
  func.func @transform_5(%arg0: i32) -> (i32, i32) {
    %c0_i32 = arith.constant 0 : i32
    %c0_i32_0 = arith.constant 0 : i32
    return %arg0, %c0_i32 : i32, i32
  }
}

module attributes {stable_mosaic.version = 14 : i64} {
  func.func @body(%arg0: i32, %arg1: memref<1000x2xf32, #tpu.memory_space<vmem>>, %arg2: memref<1000x1xf32, #tpu.memory_space<vmem>>, %arg3: memref<1000x1xf32, #tpu.memory_space<vmem>>, %arg4: memref<1x1xf32, #tpu.memory_space<vmem>>, %arg5: memref<1000x1xf32, #tpu.memory_space<vmem>>) attributes {dimension_semantics = [#tpu.dimension_semantics<arbitrary>], iteration_bounds = array<i64: 10>, scalar_prefetch = 0 : i64, scratch_operands = 0 : i64, tpu.core_type = #tpu.core_type<tc>, window_params = [{transform_indices = @transform_0, window_bounds = array<i64: 1000, 2>}, {transform_indices = @transform_1, window_bounds = array<i64: 1000, 1>}, {transform_indices = @transform_2, window_bounds = array<i64: 1000, 1>}, {pipeline_mode = #tpu.pipeline_mode<synchronous>, transform_indices = @transform_3, window_bounds = array<i64: 1, 1>}, {transform_indices = @transform_4, window_bounds = array<i64: 1000, 1>}]} {
    %get3A = arith.constant 0 : index
    %get3A_0 = arith.constant 0 : index
    %get3A_1 = vector.load %arg1[%get3A, %get3A_0] : memref<1000x2xf32, #tpu.memory_space<vmem>>, vector<1000x1xf32>
    %get3A_2 = arith.constant 0 : index
    %get3A_3 = arith.constant 1 : index
    %get3A_4 = vector.load %arg1[%get3A_2, %get3A_3] : memref<1000x2xf32, #tpu.memory_space<vmem>>, vector<1000x1xf32>
    %add3A = arith.addf %get3A_1, %get3A_4 : vector<1000x1xf32>
    %get3A_5 = arith.constant 0 : index
    %get3A_6 = arith.constant 0 : index
    %get3A_7 = vector.load %arg3[%get3A_5, %get3A_6] : memref<1000x1xf32, #tpu.memory_space<vmem>>, vector<1000x1xf32>
    %get3A_8 = arith.constant 0 : index
    %get3A_9 = arith.constant 0 : index
    %get3A_10 = vector.load %arg2[%get3A_8, %get3A_9] : memref<1000x1xf32, #tpu.memory_space<vmem>>, vector<1000x1xf32>
    %add3A_11 = arith.addf %add3A, %get3A_10 : vector<1000x1xf32>
    %mul3A = arith.mulf %get3A_7, %add3A_11 : vector<1000x1xf32>
    %get3A_12 = arith.constant 0 : index
    %get3A_13 = arith.constant 0 : index
    %get3A_14 = vector.load %arg4[%get3A_12, %get3A_13] : memref<1x1xf32, #tpu.memory_space<vmem>>, vector<1x1xf32>
    %add3A_15 = vector.broadcast %get3A_14 : vector<1x1xf32> to vector<1000x1xf32>
    %add3A_16 = arith.addf %mul3A, %add3A_15 : vector<1000x1xf32>
    %swap3A = arith.constant 0 : index
    %swap3A_17 = arith.constant 0 : index
    %swap3A_18 = vector.load %arg5[%swap3A, %swap3A_17] : memref<1000x1xf32, #tpu.memory_space<vmem>>, vector<1000x1xf32>
    tpu.vector_store %arg5[%swap3A, %swap3A_17], %add3A_16 {strides = array<i32>} : memref<1000x1xf32, #tpu.memory_space<vmem>>, vector<1000x1xf32>,
    return
  }
  func.func @transform_0(%arg0: i32) -> (i32, i32) {
    %c0_i32 = arith.constant 0 : i32
    %c0_i32_0 = arith.constant 0 : i32
    return %arg0, %c0_i32 : i32, i32
  }
  func.func @transform_1(%arg0: i32) -> (i32, i32) {
    %c0_i32 = arith.constant 0 : i32
    %c0_i32_0 = arith.constant 0 : i32
    return %arg0, %c0_i32 : i32, i32
  }
  func.func @transform_2(%arg0: i32) -> (i32, i32) {
    %c0_i32 = arith.constant 0 : i32
    %c0_i32_0 = arith.constant 0 : i32
    return %arg0, %c0_i32 : i32, i32
  }
  func.func @transform_3(%arg0: i32) -> (i32, i32) {
    %c0_i32 = arith.constant 0 : i32
    %c0_i32_0 = arith.constant 0 : i32
    %c0_i32_1 = arith.constant 0 : i32
    return %c0_i32, %c0_i32_0 : i32, i32
  }
  func.func @transform_4(%arg0: i32) -> (i32, i32) {
    %c0_i32 = arith.constant 0 : i32
    %c0_i32_0 = arith.constant 0 : i32
    return %arg0, %c0_i32 : i32, i32
  }
}

module attributes {stable_mosaic.version = 14 : i64} {
  func.func @body(%arg0: i32, %arg1: memref<1x10000xf32, #tpu.memory_space<vmem>>, %arg2: memref<200x1xf32, #tpu.memory_space<vmem>>, %arg3: memref<200x10000xf32, #tpu.memory_space<vmem>>) attributes {dimension_semantics = [#tpu.dimension_semantics<arbitrary>], iteration_bounds = array<i64: 50>, scalar_prefetch = 0 : i64, scratch_operands = 0 : i64, tpu.core_type = #tpu.core_type<tc>, window_params = [{pipeline_mode = #tpu.pipeline_mode<synchronous>, transform_indices = @transform_0, window_bounds = array<i64: 1, 10000>}, {transform_indices = @transform_1, window_bounds = array<i64: 200, 1>}, {transform_indices = @transform_2, window_bounds = array<i64: 200, 10000>}]} {
    %get3A = arith.constant 0 : index
    %get3A_0 = arith.constant 0 : index
    %get3A_1 = vector.load %arg2[%get3A, %get3A_0] : memref<200x1xf32, #tpu.memory_space<vmem>>, vector<200x1xf32>
    %get3A_2 = arith.constant 0 : index
    %get3A_3 = arith.constant 0 : index
    %get3A_4 = vector.load %arg1[%get3A_2, %get3A_3] : memref<1x10000xf32, #tpu.memory_space<vmem>>, vector<1x10000xf32>
    %add3A = vector.broadcast %get3A_1 : vector<200x1xf32> to vector<200x10000xf32>
    %add3A_5 = vector.broadcast %get3A_4 : vector<1x10000xf32> to vector<200x10000xf32>
    %add3A_6 = arith.addf %add3A, %add3A_5 : vector<200x10000xf32>
    %swap3A = arith.constant 0 : index
    %swap3A_7 = arith.constant 0 : index
    %swap3A_8 = vector.load %arg3[%swap3A, %swap3A_7] : memref<200x10000xf32, #tpu.memory_space<vmem>>, vector<200x10000xf32>
    tpu.vector_store %arg3[%swap3A, %swap3A_7], %add3A_6 {strides = array<i32>} : memref<200x10000xf32, #tpu.memory_space<vmem>>, vector<200x10000xf32>,
    return
  }
  func.func @transform_0(%arg0: i32) -> (i32, i32) {
    %c0_i32 = arith.constant 0 : i32
    %c0_i32_0 = arith.constant 0 : i32
    %c0_i32_1 = arith.constant 0 : i32
    return %c0_i32, %c0_i32_0 : i32, i32
  }
  func.func @transform_1(%arg0: i32) -> (i32, i32) {
    %c0_i32 = arith.constant 0 : i32
    %c0_i32_0 = arith.constant 0 : i32
    return %arg0, %c0_i32 : i32, i32
  }
  func.func @transform_2(%arg0: i32) -> (i32, i32) {
    %c0_i32 = arith.constant 0 : i32
    %c0_i32_0 = arith.constant 0 : i32
    return %arg0, %c0_i32 : i32, i32
  }
}

</mosaic_0001>

<sc_bundles>
// kernel: kernel.10.cloned.1.call-start
scs
__scs_entry_jumppad:
0x0: {  	(pc) =	sbr.rel $0x88, $3  }
0x1: {  	(tag) =	ssettag $0x0;
	lr =	simm.s32 $0x1  }
0x2: {  	[smem:$0x3F98] =	sst lr;
	_ =	strace $0xD0000000  }
0x3: {  	_ = 	snop  }
0x4: {  	_ = 	snop  }
0x5: {  	_ = 	snop  }
0x6: {  	_ = 	snop  }
0x7: {  	_ = 	snop  }
__scs_overlays_trampoline_lowered:
0x8: {  	[smem:$0x3FA7] =	sst s0  }
0x9: {  	[smem:$0x3FA8] =	sst s1  }
0xa: {  	[smem:$0x3FA9] =	sst s2  }
0xb: {  	[smem:$0x3FAA] =	sst s3  }
0xc: {  	[smem:$0x3FAB] =	sst s4  }
0xd: {  	[smem:$0x3FAC] =	sst s5  }
0xe: {  	[smem:$0x3FAD] =	sst s6  }
0xf: {  	[smem:$0x3FAE] =	sst s7  }
0x10: {  	[smem:$0x3FAF] =	sst s8  }
0x11: {  	[smem:$0x3FB0] =	sst s9;
	s0 =	simm.s32 @!p0 $0x0  }
0x12: {  	s1 =	sld [smem:$0x3F96];
	s0 =	simm.s32 @p0 $0x1  }
0x13: {  	[smem:$0x3FB1] =	sst s0;
	s0 =	simm.s32 @!p1 $0x0  }
0x14: {  	s2 =	sld [smem:$0x3F95];
	s0 =	simm.s32 @p1 $0x1  }
0x15: {  	[smem:$0x3FB2] =	sst s0;
	s0 =	simm.s32 @!p2 $0x0  }
0x16: {  	s3 =	sld [smem:$0x3FDB];
	s0 =	simm.s32 @p2 $0x1  }
0x17: {  	s4 =	simm.s32 $0x1BF5;
	[smem:$0x3FB4] =	sst s0  }
0x18: {  	s0 =	sld [smem:$0x3F97];
	_ =	swait.ge [sflag:s4], $0x0  }
0x19: {  	s7 =	sld [smem:$0x3F98]  }
0x1a: {  	s8 =	sadd.s32 $0xFFFFE003, lr  }
0x1b: {  	s9 =	sadd.s32 $0xFFFFFEF7, lr;
	s5 =	simm.s32 $0xFFFFFFFF;
	p2 =	slt.u32 s8, $0xFFFFF086  }
0x1c: {  	p1 =	slt.u32 s9, $0xF7A;
	s5 =	simm.s32 @!p2 $0x0  }
0x1d: {  	s5 =	simm.s32 @p1 $0x1;
	p0 =	seq.s32 s7, s2  }
0x1e: {  	s7 =	smul.u32 @!p0 $0xF7A, s2;
	p2 =	seq.s32 @!p0 s5, $0x0  }
0x1f: {  	s9 =	smul.u32 $0xF7A, s1;
	s8 =	simm.s32 @!p0 $0x1BF5;
	p2 =	por !p2, p0  }
0x20: {  	[sflag:s8] =	ssyncset.s32 @!p0 $0xFFFFF086;
	s6 =	sadd.s32 @!p0 s3, s7;
	s7 =	simm.s32 @!p0 $0x108  }
0x21: {  	s3 =	sadd.s32 s3, s9;
	s6 =	sadd.s32 @!p0 $0x88, s6;
	s7 =	simm.s32 @p2 $0x1082  }
0x22: {  	[simem:s7], [sflag:s8] =	dma.local @!p0 [hbm:s6], $0xF7A  }
0x23: {  	s9 =	sor.u32 $0xD0000000, s2;
	s6 =	simm.s32 $0x108;
	_ =	swait.ge @!p0 [sflag:s8], $0x0  }
0x24: {  	s3 =	sadd.s32 $0x88, s3;
	s6 =	simm.s32 @!p1 $0x1082;
	[sflag:s4] =	ssyncset.s32 $0xFFFFF086  }
0x25: {  	[simem:s6], [sflag:s4] =	dma.local [hbm:s3], $0xF7A  }
0x26: {  	[smem:$0x3F98] =	sst s1;
	(tag) =	ssettag s2;
	_ =	strace s9  }
0x27: {  	s1 =	sld [smem:$0x3FA8]  }
0x28: {  	s2 =	sld [smem:$0x3FA9]  }
0x29: {  	s4 =	sld [smem:$0x3FAB]  }
0x2a: {  	p0 =	seq.s32 s5, $0x0;
	s5 =	sld [smem:$0x3FAC]  }
0x2b: {  	s6 =	sld [smem:$0x3FAD]  }
0x2c: {  	s7 =	sld [smem:$0x3FAE]  }
0x2d: {  	s3 =	simm.s32 $0x108;
	s8 =	sld [smem:$0x3FAF]  }
0x2e: {  	s3 =	simm.s32 @!p0 $0x1082;
	s9 =	sld [smem:$0x3FB0]  }
0x2f: {  	lr =	sadd.s32 s0, s3;
	s0 =	sld [smem:$0x3FA7]  }
0x30: {  	s3 =	sld [smem:$0x3FAA]  }
0x31: {  	[smem:$0x3FB3] =	sst s10  }
0x32: {  	s10 =	sld [smem:$0x3FB1];
	_ =	sdelay $0x3  }
0x33: {  	p0 =	seq.s32 s10, $0x1;
	s10 =	sld [smem:$0x3FB3];
	_ =	sdelay $0x3  }
0x34: {  	[smem:$0x3FB3] =	sst s10  }
0x35: {  	s10 =	sld [smem:$0x3FB2];
	_ =	sdelay $0x3  }
0x36: {  	p1 =	seq.s32 s10, $0x1;
	s10 =	sld [smem:$0x3FB3];
	_ =	sdelay $0x3  }
0x37: {  	[smem:$0x3FB3] =	sst s10  }
0x38: {  	s10 =	sld [smem:$0x3FB4]  }
0x39: {  	_ = 	snop;
	(pc) =	sbr.ind lr, $3  }
0x3a: {  	_ = 	snop  }
0x3b: {  	_ = 	snop  }
0x3c: {  	p2 =	seq.s32 s10, $0x1;
	s10 =	sld [smem:$0x3FB3]  }
0x3d: {  	_ =	shalt  }
0x3e: {  	_ =	shalt  }
0x3f: {  	_ =	shalt  }
0x40: {  	_ =	shalt  }
0x41: {  	_ =	shalt  }
0x42: {  	_ =	shalt  }
0x43: {  	_ =	shalt  }
0x44: {  	_ =	shalt  }
0x45: {  	_ =	shalt  }
0x46: {  	_ =	shalt  }
0x47: {  	_ =	shalt  }
0x48: {  	_ =	shalt  }
0x49: {  	_ =	shalt  }
0x4a: {  	_ =	shalt  }
0x4b: {  	_ =	shalt  }
0x4c: {  	_ =	shalt  }
0x4d: {  	_ =	shalt  }
0x4e: {  	_ =	shalt  }
0x4f: {  	_ =	shalt  }
0x50: {  	_ =	shalt  }
0x51: {  	_ =	shalt  }
0x52: {  	_ =	shalt  }
0x53: {  	_ =	shalt  }
0x54: {  	_ =	shalt  }
0x55: {  	_ =	shalt  }
0x56: {  	_ =	shalt  }
0x57: {  	_ =	shalt  }
0x58: {  	_ =	shalt  }
0x59: {  	_ =	shalt  }
0x5a: {  	_ =	shalt  }
0x5b: {  	_ =	shalt  }
0x5c: {  	_ =	shalt  }
0x5d: {  	_ =	shalt  }
0x5e: {  	_ =	shalt  }
0x5f: {  	_ =	shalt  }
0x60: {  	_ =	shalt  }
0x61: {  	_ =	shalt  }
0x62: {  	_ =	shalt  }
0x63: {  	_ =	shalt  }
0x64: {  	_ =	shalt  }
0x65: {  	_ =	shalt  }
0x66: {  	_ =	shalt  }
0x67: {  	_ =	shalt  }
0x68: {  	_ =	shalt  }
0x69: {  	_ =	shalt  }
0x6a: {  	_ =	shalt  }
0x6b: {  	_ =	shalt  }
0x6c: {  	_ =	shalt  }
0x6d: {  	_ =	shalt  }
0x6e: {  	_ =	shalt  }
0x6f: {  	_ =	shalt  }
0x70: {  	_ =	shalt  }
0x71: {  	_ =	shalt  }
0x72: {  	_ =	shalt  }
0x73: {  	_ =	shalt  }
0x74: {  	_ =	shalt  }
0x75: {  	_ =	shalt  }
0x76: {  	_ =	shalt  }
0x77: {  	_ =	shalt  }
0x78: {  	_ =	shalt  }
0x79: {  	_ =	shalt  }
0x7a: {  	_ =	shalt  }
0x7b: {  	_ =	shalt  }
0x7c: {  	_ =	shalt  }
0x7d: {  	_ =	shalt  }
0x7e: {  	_ =	shalt  }
0x7f: {  	_ =	shalt  }
0x80: {  	_ =	shalt  }
0x81: {  	_ =	shalt  }
0x82: {  	_ =	shalt  }
0x83: {  	_ =	shalt  }
0x84: {  	_ =	shalt  }
0x85: {  	_ =	shalt  }
0x86: {  	_ =	shalt  }
0x87: {  	_ =	shalt  }
.Lfunc_end0:
.L_simem_size_0:
called_computation_lowered:
.L_overlay_start_0:
0x88: {  	s2 =	sld [smem:$0x3FD9]  }
0x89: {  	s3 =	sld [smem:$0x3FFE];
	_ =	sdelay $0x1  }
0x8a: {  	s1 =	srdreg.scid  }
0x8b: {  	s0 =	sand.u32 $0x1, s1  }
0x8c: {  	s17 =	sshll.u32 s0, $0xA;
	s2 =	sadd.s32 s3, s2  }
0x8d: {  	s2 =	sadd.s32 s2, s17  }
0x8e: {  	[smem:$0x3FBF] =	sst s2  }
0x8f: {  	_ = 	snop  }
0x90: {  	s2 =	sld [smem:$0x3FD0];
	(tm) =	ssettm $0x1  }
0x91: {  	s18 =	sld [smem:$0x3FFB];
	_ =	sdelay $0x3  }
0x92: {  	_ =	strace s18  }
0x93: {  	s3 =	sld [smem:$0x3FFC];
	_ =	sdelay $0x3  }
0x94: {  	_ =	strace s3  }
0x95: {  	s3 =	sld [smem:$0x3FFD];
	_ =	sdelay $0x3  }
0x96: {  	_ =	strace s3  }
0x97: {  	_ =	strace $0x8FFFFFFF  }
0x98: {  	s19 =	sld [smem:$0x3FDB];
	_ =	sdelay $0x1  }
0x99: {  	s4 =	simm.s32 $_scs_section_size  }
0x9a: {  	s5 =	simm.s32 $_size__tile_overlayer_lowered;
	s6 =	simm.s32 $_tile_overlayer_lowered  }
0x9b: {  	s22 =	simm.s32 $0x1BFF;
	s21 =	sshll.u32 s6, $0x1;
	s3 =	sadd.s32 s4, s19  }
0x9c: {  	s7 =	simm.s32 $0x0;
	s20 =	sshll.u32 s5, $0x1;
	s5 =	sadd.s32 s21, s3  }
0x9d: {  	[timem:s7], [sflag:s22] =	dma.local [hbm:s5], s20  }
0x9e: {  	_ =	swait.ge [sflag:s22], s20  }
0x9f: {  	s4 =	ssub.s32 $0x0, s20;
	[sflag:s22] =	ssyncset.done $0x0  }
0xa0: {  	[sflag:s22] =	ssyncadd.s32 s4;
	_ =	sdelay $0x1  }
0xa1: {  	s23 =	simm.s32 $0x1B8B  }
0xa2: {  	_ =	swait.ge [sflag:s23], $0x1  }
0xa3: {  	[sflag:s23] =	ssyncset.done $0x0  }
0xa4: {  	s25 =	simm.s32 $0x1B8E;
	s24 =	sld [smem:$0x3FFE];
	[sflag:s23] =	ssyncadd.s32 $0xFFFFFFFF  }
0xa5: {  	s26 =	simm.s32 $execute0_lowered;
	[smem:$0x3FD2] =	sst s25  }
0xa6: {  	s5 =	sshll.u32 s26, $0x1;
	_ =	strace $0x80000046;
	[dreg:$0x1] =	wrdreg $0xFFFFFFFF  }
0xa7: {  	s28 =	simm.s32 $_size_execute0_lowered;
	s3 =	sadd.s32 s3, s5;
	[dreg:$0x0] =	wrdreg $0x0  }
0xa8: {  	s5 =	sshll.u32 s28, $0x1;
	[dreg:$0x2] =	wrdreg s3  }
0xa9: {  	[dreg:$0x3] =	wrdreg s5  }
0xaa: {  	[dreg:$0x4] =	wrdreg $0xC0  }
0xab: {  	_ =	task [dreg:s7], $0x5FFFF  }
0xac: {  	[dreg:$0x1] =	wrdreg $0xFFFFFFFF  }
0xad: {  	[dreg:$0x0] =	wrdreg $0x60  }
0xae: {  	[dreg:$0x2] =	wrdreg s24  }
0xaf: {  	[dreg:$0x3] =	wrdreg s2  }
0xb0: {  	[dreg:$0x4] =	wrdreg $0x2A800  }
0xb1: {  	[dreg:$0x5] =	wrdreg $0x9  }
0xb2: {  	_ =	task.clear_ibuf [dreg:s7], $0x6FFFF;
	_ =	strace $0x90000046  }
0xb3: {  	s29 =	simm.s32 $0x9;
	_ =	strace $0x80000048  }
0xb4: {  	_ =	swait.ge [sflag:s29], $0x1  }
0xb5: {  	[sflag:s29] =	ssyncadd.s32 $0xFFFFFFFF  }
0xb6: {  	_ =	strace $0x90000048  }
0xb7: {  	_ =	sfence  }
0xb8: {  	s30 =	sld [smem:$0x0];
	_ =	sdelay $0x2  }
0xb9: {  	s31 =	sshll.u32 s1, $0xD;
	s1 =	sshrl.u32 s1, $0x2  }
0xba: {  	s3 =	sand.u32 $0x4000, s31;
	s1 =	sadd.s32 s1, s30  }
0xbb: {  	s0 =	sor.u32 s3, s0;
	s1 =	sshll.u32 s1, $0x11  }
0xbc: {  	s0 =	sor.u32 s1, s0  }
0xbd: {  	s0 =	sadd.s32 $0x8F2B, s0  }
0xbe: {  	[sflag:s0] =	ssyncadd.remote.s32 $0x1  }
0xbf: {  	_ =	sfence.sel $0xFFFF  }
0xc0: {  	[dreg:$0x0] =	wrdreg $0xFFFFFFFF;
	(pc) =	sbr.abs _section_cstart, $3  }
0xc1: {  	[dreg:$0x1] =	wrdreg $0xFFFFFFFF  }
0xc2: {  	_ =	task.clear_ibuf [dreg:s7], $0x2FFFF;
	_ =	strace $0x9FFFFFFF  }
0xc3: {  	(tm) =	ssettm $0x7FFFFFFF  }
tec
execute0_lowered:
.L_overlay_start_1:
0x0: {  	(tag) =	ssettag $0x1  }
0x1: {  	s0 =	srdreg.scid  }
0x2: {  	s5 =	rddreg [dreg:$0x0];
	s4 =	sand.u32 $0x1, s0;
	s0 =	stileid.u32  }
0x3: {  	s7 =	rddreg [dreg:$0x1];
	s10 =	smul.u32 $0x278, s0  }
0x4: {  	s2 =	rddreg [dreg:$0x2];
	s3 =	simm.s32 $0x0;
	s12 =	smul.u32 $0x2780, s4  }
0x5: {  	[smem:$0x7FF] =	sst s3;
	s13 =	smul.u32 $0x4E0, s4  }
0x6: {  	s1 =	sshll.u32 s4, $0x4;
	s11 =	ssub.s32 $0x2, s4;
	s14 =	smul.u32 $0x4E, s0  }
0x7: {  	s6 =	sor.u32 s0, s1;
	s1 =	rddreg [dreg:$0x3];
	_ =	strace $0x80000047  }
0x8: {  	s25 =	sshrl.u32 s11, $0x1;
	s8 =	smul.u32 $0x4E, s6;
	s9 =	smin.u32 s6, $0x4  }
0x9: {  	s11 =	ssub.s32 s11, s25;
	s4 =	sadd.s32 s10, s2;
	p0 =	slt.u32 s6, $0x4  }
0xa: {  	s28 =	sadd.s32 s10, s12;
	s10 =	simm.s32 $0x2800;
	s12 =	simm.s32 $0x80  }
0xb: {  	s26 =	sor.u32 s13, s9;
	s30 =	sshrl.u32 s28, $0x3;
	s8 =	sadd.s32 s9, s8  }
0xc: {  	s13 =	simm.s32 $0x2780;
	s29 =	sadd.s32 s14, s26;
	s8 =	smin.u32 s8, $0x975  }
0xd: {  	s7 =	sadd.s32 s7, s30;
	s31 =	smax.u32 s29, $0x975;
	s8 =	sshll.u32 s8, $0x4  }
0xe: {  	s9 =	sshll.u32 s31, $0x7;
	s8 =	sadd.s32 s8, s5;
	s5 =	simm.s32 $0x4F  }
0xf: {  	s14 =	simm.s32 $0x0;
	s9 =	sadd.s32 $0xFFFB4580, s9;
	s5 =	simm.s32 @!p0 $0x4E  }
0x10: {  	v0 =	vimm.f32 $0.0e+00;
	v1 =	vimm.f32 $1.000000000e+00;
	s6 =	sadd.s32 $0x1E00, s8;
	s8 =	smax.u32 s11, $0x1;
	s11 =	simm.s32 $0x1  }
.LBB2_1:
0x11: {  	[tilespmem:$0x2800] =	vst v0  }
0x12: {  	[tilespmem:$0x2810] =	vst v0  }
0x13: {  	[tilespmem:$0x2820] =	vst v0  }
0x14: {  	[tilespmem:$0x2830] =	vst v0  }
0x15: {  	[tilespmem:$0x2840] =	vst v0  }
0x16: {  	[tilespmem:$0x2850] =	vst v0  }
0x17: {  	[tilespmem:$0x2860] =	vst v0  }
0x18: {  	[tilespmem:$0x2870] =	vst v0  }
0x19: {  	[tilespmem:$0x2880] =	vst v0  }
0x1a: {  	[tilespmem:$0x2890] =	vst v0  }
0x1b: {  	[tilespmem:$0x28A0] =	vst v0  }
0x1c: {  	[tilespmem:$0x28B0] =	vst v0  }
0x1d: {  	[tilespmem:$0x28C0] =	vst v0  }
0x1e: {  	[tilespmem:$0x28D0] =	vst v0  }
0x1f: {  	[tilespmem:$0x28E0] =	vst v0  }
0x20: {  	[tilespmem:$0x28F0] =	vst v0  }
0x21: {  	[tilespmem:$0x2900] =	vst v0  }
0x22: {  	[tilespmem:$0x2910] =	vst v0  }
0x23: {  	[tilespmem:$0x2920] =	vst v0  }
0x24: {  	[tilespmem:$0x2930] =	vst v0  }
0x25: {  	[tilespmem:$0x2940] =	vst v0  }
0x26: {  	[tilespmem:$0x2950] =	vst v0  }
0x27: {  	[tilespmem:$0x2960] =	vst v0  }
0x28: {  	[tilespmem:$0x2970] =	vst v0  }
0x29: {  	[tilespmem:$0x2980] =	vst v0  }
0x2a: {  	[tilespmem:$0x2990] =	vst v0  }
0x2b: {  	[tilespmem:$0x29A0] =	vst v0  }
0x2c: {  	[tilespmem:$0x29B0] =	vst v0  }
0x2d: {  	[tilespmem:$0x29C0] =	vst v0  }
0x2e: {  	[tilespmem:$0x29D0] =	vst v0  }
0x2f: {  	[tilespmem:$0x29E0] =	vst v0  }
0x30: {  	[tilespmem:$0x29F0] =	vst v0  }
0x31: {  	[tilespmem:$0x2A00] =	vst v0  }
0x32: {  	[tilespmem:$0x2A10] =	vst v0  }
0x33: {  	[tilespmem:$0x2A20] =	vst v0  }
0x34: {  	[tilespmem:$0x2A30] =	vst v0  }
0x35: {  	[tilespmem:$0x2A40] =	vst v0  }
0x36: {  	[tilespmem:$0x2A50] =	vst v0  }
0x37: {  	[tilespmem:$0x2A60] =	vst v0  }
0x38: {  	[tilespmem:$0x2A70] =	vst v0  }
0x39: {  	[spmem:s4] =	stream.linear.scatter [tilespmem:s10], [sflag:$0x1], $0x278, $0x38;
	[tilespmem:$0x2CF8] =	vst v63  }
0x3a: {  	_ =	swait.ge [sflag:s11], $0x278  }
0x3b: {  	[sflag:s11] =	ssyncset.done $0x0  }
0x3c: {  	[sflag:s11] =	ssyncadd.s32 $0xFFFFFD88  }
0x3d: {  	[bflag:$0x0] =	sbarrier.arrive $0xFFFF  }
0x3e: {  	[tilespmem:$0x2780] =	vst v1  }
0x3f: {  	[tilespmem:$0x2790] =	vst v1  }
0x40: {  	[tilespmem:$0x27A0] =	vst v1  }
0x41: {  	[tilespmem:$0x27B0] =	vst v1  }
0x42: {  	[tilespmem:$0x27C0] =	vst v1  }
0x43: {  	[tilespmem:$0x27D0] =	vst v1  }
0x44: {  	[tilespmem:$0x27E0] =	vst v1  }
0x45: {  	[tilespmem:$0x27F0] =	vst v1  }
0x46: {  	[tilespmem:s3], [sflag:$0x1] =	stream.linear.gather [hbm4b:s6+s3], $0x2780, $0x38;
	[tilespmem:$0x2CF8] =	vst v63  }
0x47: {  	p0 =	sne.s32 s5, $0x1;
	_ =	swait.ge [sflag:s11], $0x2780  }
.Ltmp0:
0x48: {  	[sflag:s11] =	ssyncset.done $0x0;
	(pc) =	sbr.rel @!p0 .LBB2_3-.Ltmp0, $4  }
0x49: {  	[sflag:s11] =	ssyncadd.s32 $0xFFFFD880  }
0x4a: {  	[spmem:s2] =	stream.indirect.scatter.add.f32 [tilespmem:s13], [sflag:$0x1], $0x1, s9, s12, $0xb8;
	[tilespmem:$0x2CF8] =	vst v63  }
0x4b: {  	_ =	swait.ge [sflag:s11], $0x80  }
0x4c: {  	s15 =	sadd.s32 $0xFFFFFFFF, s5;
	s16 =	smov.u32 s9;
	[sflag:s11] =	ssyncset.done $0x0  }
.LBB2_2:
0x4d: {  	p0 =	sne.s32 s15, $0x1;
	[sflag:s11] =	ssyncadd.s32 $0xFFFFFF80;
	s16 =	sadd.s32 $0x80, s16  }
.Ltmp1:
0x4e: {  	s15 =	sadd.s32 $0xFFFFFFFF, s15;
	(pc) =	sbr.rel @p0 .LBB2_2-.Ltmp1, $4  }
0x4f: {  	_ = 	snop  }
0x50: {  	[spmem:s2] =	stream.indirect.scatter.add.f32 [tilespmem:s13], [sflag:$0x1], $0x1, s16, s12, $0xb8;
	[tilespmem:$0x2CF8] =	vst v63  }
0x51: {  	_ =	swait.ge [sflag:s11], $0x80  }
0x52: {  	[sflag:s11] =	ssyncset.done $0x0  }
.LBB2_3:
0x53: {  	[sflag:s11] =	ssyncadd.s32 $0xFFFFFF80  }
0x54: {  	[bflag:$0x0] =	sbarrier.arrive $0xFFFF  }
0x55: {  	[tilespmem:s10], [sflag:$0x1] =	stream.linear.gather [spmem:s4], $0x278, $0x38;
	[tilespmem:$0x2CF8] =	vst v63  }
0x56: {  	s14 =	sadd.s32 $0x1, s14;
	_ =	swait.ge [sflag:s11], $0x278  }
0x57: {  	p0 =	sne.s32 s14, s8;
	[sflag:s11] =	ssyncset.done $0x0  }
.Ltmp2:
0x58: {  	[sflag:s11] =	ssyncadd.s32 $0xFFFFFD88;
	(pc) =	sbr.rel @p0 .LBB2_1-.Ltmp2, $4  }
0x59: {  	[hbm4b:s7+s3] =	stream.linear.scatter [tilespmem:s10], [sflag:$0x1], $0x278, $0x38;
	[tilespmem:$0x2CF8] =	vst v63  }
0x5a: {  	_ =	swait.ge [sflag:s11], $0x278  }
0x5b: {  	[sflag:s11] =	ssyncset.done $0x0  }
0x5c: {  	[sflag:s11] =	ssyncadd.s32 $0xFFFFFD88  }
0x5d: {  	_ =	sfence.sel $0x180000  }
0x5e: {  	[bflag:$0x0] =	sbarrier.arrive $0xFFFF  }
0x5f: {  	p0 =	sne.s32 s0, $0x0;
	_ =	strace $0x90000047  }
0x60: {  	s0 =	sadd.s32 @!p0 $0x100000, s1;
	[bflag:$0x2] =	sbarrier.arrive $0xFFFF  }
0x61: {  	[sflag:s0] =	ssyncadd.tile.s32 @!p0 $0x1;
	_ =	shalt  }
.Lfunc_end2:
_tile_overlayer_lowered:
.L_overlay_start_2:
0x62: {  	(tag) =	ssettag $0x2  }
0x63: {  	s0 =	rddreg [dreg:$0x0];
	s2 =	stileid.u32  }
0x64: {  	s1 =	rddreg [dreg:$0x1];
	p0 =	sne.s32 s2, $0x0  }
0x65: {  	s3 =	rddreg [dreg:$0x2];
	[bflag:$0x3] =	sbarrier.arrive $0xFFFF;
	s2 =	simm.s32 @!p0 $0x1C01  }
0x66: {  	[timem:s3], [sflag:s2] =	dma.local @!p0 [hbm:s0], s1  }
0x67: {  	s0 =	simm.s32 @!p0 $0x1  }
0x68: {  	_ =	swait.ge @!p0 [sflag:s0], s1  }
0x69: {  	s1 =	ssub.s32 @!p0 $0x0, s1;
	[sflag:s0] =	ssyncset.done @!p0 $0x0  }
0x6a: {  	[sflag:s0] =	ssyncadd.s32 @!p0 s1  }
0x6b: {  	[bflag:$0x3] =	sbarrier.arrive $0xFFFF  }
0x6c: {  	_ =	shalt  }

// kernel: kernel.13.cloned.1.call-start
scs
__scs_entry_jumppad:
0x0: {  	(pc) =	sbr.rel $0x88, $3  }
0x1: {  	(tag) =	ssettag $0x0;
	lr =	simm.s32 $0x1  }
0x2: {  	[smem:$0x3F98] =	sst lr;
	_ =	strace $0xD0000000  }
0x3: {  	_ = 	snop  }
0x4: {  	_ = 	snop  }
0x5: {  	_ = 	snop  }
0x6: {  	_ = 	snop  }
0x7: {  	_ = 	snop  }
__scs_overlays_trampoline_lowered:
0x8: {  	[smem:$0x3FA7] =	sst s0  }
0x9: {  	[smem:$0x3FA8] =	sst s1  }
0xa: {  	[smem:$0x3FA9] =	sst s2  }
0xb: {  	[smem:$0x3FAA] =	sst s3  }
0xc: {  	[smem:$0x3FAB] =	sst s4  }
0xd: {  	[smem:$0x3FAC] =	sst s5  }
0xe: {  	[smem:$0x3FAD] =	sst s6  }
0xf: {  	[smem:$0x3FAE] =	sst s7  }
0x10: {  	[smem:$0x3FAF] =	sst s8  }
0x11: {  	[smem:$0x3FB0] =	sst s9;
	s0 =	simm.s32 @!p0 $0x0  }
0x12: {  	s1 =	sld [smem:$0x3F96];
	s0 =	simm.s32 @p0 $0x1  }
0x13: {  	[smem:$0x3FB1] =	sst s0;
	s0 =	simm.s32 @!p1 $0x0  }
0x14: {  	s2 =	sld [smem:$0x3F95];
	s0 =	simm.s32 @p1 $0x1  }
0x15: {  	[smem:$0x3FB2] =	sst s0;
	s0 =	simm.s32 @!p2 $0x0  }
0x16: {  	s3 =	sld [smem:$0x3FDB];
	s0 =	simm.s32 @p2 $0x1  }
0x17: {  	s4 =	simm.s32 $0x1BF5;
	[smem:$0x3FB4] =	sst s0  }
0x18: {  	s0 =	sld [smem:$0x3F97];
	_ =	swait.ge [sflag:s4], $0x0  }
0x19: {  	s7 =	sld [smem:$0x3F98]  }
0x1a: {  	s8 =	sadd.s32 $0xFFFFE003, lr  }
0x1b: {  	s9 =	sadd.s32 $0xFFFFFEF7, lr;
	s5 =	simm.s32 $0xFFFFFFFF;
	p2 =	slt.u32 s8, $0xFFFFF086  }
0x1c: {  	p1 =	slt.u32 s9, $0xF7A;
	s5 =	simm.s32 @!p2 $0x0  }
0x1d: {  	s5 =	simm.s32 @p1 $0x1;
	p0 =	seq.s32 s7, s2  }
0x1e: {  	s7 =	smul.u32 @!p0 $0xF7A, s2;
	p2 =	seq.s32 @!p0 s5, $0x0  }
0x1f: {  	s9 =	smul.u32 $0xF7A, s1;
	s8 =	simm.s32 @!p0 $0x1BF5;
	p2 =	por !p2, p0  }
0x20: {  	[sflag:s8] =	ssyncset.s32 @!p0 $0xFFFFF086;
	s6 =	sadd.s32 @!p0 s3, s7;
	s7 =	simm.s32 @!p0 $0x108  }
0x21: {  	s3 =	sadd.s32 s3, s9;
	s6 =	sadd.s32 @!p0 $0x88, s6;
	s7 =	simm.s32 @p2 $0x1082  }
0x22: {  	[simem:s7], [sflag:s8] =	dma.local @!p0 [hbm:s6], $0xF7A  }
0x23: {  	s9 =	sor.u32 $0xD0000000, s2;
	s6 =	simm.s32 $0x108;
	_ =	swait.ge @!p0 [sflag:s8], $0x0  }
0x24: {  	s3 =	sadd.s32 $0x88, s3;
	s6 =	simm.s32 @!p1 $0x1082;
	[sflag:s4] =	ssyncset.s32 $0xFFFFF086  }
0x25: {  	[simem:s6], [sflag:s4] =	dma.local [hbm:s3], $0xF7A  }
0x26: {  	[smem:$0x3F98] =	sst s1;
	(tag) =	ssettag s2;
	_ =	strace s9  }
0x27: {  	s1 =	sld [smem:$0x3FA8]  }
0x28: {  	s2 =	sld [smem:$0x3FA9]  }
0x29: {  	s4 =	sld [smem:$0x3FAB]  }
0x2a: {  	p0 =	seq.s32 s5, $0x0;
	s5 =	sld [smem:$0x3FAC]  }
0x2b: {  	s6 =	sld [smem:$0x3FAD]  }
0x2c: {  	s7 =	sld [smem:$0x3FAE]  }
0x2d: {  	s3 =	simm.s32 $0x108;
	s8 =	sld [smem:$0x3FAF]  }
0x2e: {  	s3 =	simm.s32 @!p0 $0x1082;
	s9 =	sld [smem:$0x3FB0]  }
0x2f: {  	lr =	sadd.s32 s0, s3;
	s0 =	sld [smem:$0x3FA7]  }
0x30: {  	s3 =	sld [smem:$0x3FAA]  }
0x31: {  	[smem:$0x3FB3] =	sst s10  }
0x32: {  	s10 =	sld [smem:$0x3FB1];
	_ =	sdelay $0x3  }
0x33: {  	p0 =	seq.s32 s10, $0x1;
	s10 =	sld [smem:$0x3FB3];
	_ =	sdelay $0x3  }
0x34: {  	[smem:$0x3FB3] =	sst s10  }
0x35: {  	s10 =	sld [smem:$0x3FB2];
	_ =	sdelay $0x3  }
0x36: {  	p1 =	seq.s32 s10, $0x1;
	s10 =	sld [smem:$0x3FB3];
	_ =	sdelay $0x3  }
0x37: {  	[smem:$0x3FB3] =	sst s10  }
0x38: {  	s10 =	sld [smem:$0x3FB4]  }
0x39: {  	_ = 	snop;
	(pc) =	sbr.ind lr, $3  }
0x3a: {  	_ = 	snop  }
0x3b: {  	_ = 	snop  }
0x3c: {  	p2 =	seq.s32 s10, $0x1;
	s10 =	sld [smem:$0x3FB3]  }
0x3d: {  	_ =	shalt  }
0x3e: {  	_ =	shalt  }
0x3f: {  	_ =	shalt  }
0x40: {  	_ =	shalt  }
0x41: {  	_ =	shalt  }
0x42: {  	_ =	shalt  }
0x43: {  	_ =	shalt  }
0x44: {  	_ =	shalt  }
0x45: {  	_ =	shalt  }
0x46: {  	_ =	shalt  }
0x47: {  	_ =	shalt  }
0x48: {  	_ =	shalt  }
0x49: {  	_ =	shalt  }
0x4a: {  	_ =	shalt  }
0x4b: {  	_ =	shalt  }
0x4c: {  	_ =	shalt  }
0x4d: {  	_ =	shalt  }
0x4e: {  	_ =	shalt  }
0x4f: {  	_ =	shalt  }
0x50: {  	_ =	shalt  }
0x51: {  	_ =	shalt  }
0x52: {  	_ =	shalt  }
0x53: {  	_ =	shalt  }
0x54: {  	_ =	shalt  }
0x55: {  	_ =	shalt  }
0x56: {  	_ =	shalt  }
0x57: {  	_ =	shalt  }
0x58: {  	_ =	shalt  }
0x59: {  	_ =	shalt  }
0x5a: {  	_ =	shalt  }
0x5b: {  	_ =	shalt  }
0x5c: {  	_ =	shalt  }
0x5d: {  	_ =	shalt  }
0x5e: {  	_ =	shalt  }
0x5f: {  	_ =	shalt  }
0x60: {  	_ =	shalt  }
0x61: {  	_ =	shalt  }
0x62: {  	_ =	shalt  }
0x63: {  	_ =	shalt  }
0x64: {  	_ =	shalt  }
0x65: {  	_ =	shalt  }
0x66: {  	_ =	shalt  }
0x67: {  	_ =	shalt  }
0x68: {  	_ =	shalt  }
0x69: {  	_ =	shalt  }
0x6a: {  	_ =	shalt  }
0x6b: {  	_ =	shalt  }
0x6c: {  	_ =	shalt  }
0x6d: {  	_ =	shalt  }
0x6e: {  	_ =	shalt  }
0x6f: {  	_ =	shalt  }
0x70: {  	_ =	shalt  }
0x71: {  	_ =	shalt  }
0x72: {  	_ =	shalt  }
0x73: {  	_ =	shalt  }
0x74: {  	_ =	shalt  }
0x75: {  	_ =	shalt  }
0x76: {  	_ =	shalt  }
0x77: {  	_ =	shalt  }
0x78: {  	_ =	shalt  }
0x79: {  	_ =	shalt  }
0x7a: {  	_ =	shalt  }
0x7b: {  	_ =	shalt  }
0x7c: {  	_ =	shalt  }
0x7d: {  	_ =	shalt  }
0x7e: {  	_ =	shalt  }
0x7f: {  	_ =	shalt  }
0x80: {  	_ =	shalt  }
0x81: {  	_ =	shalt  }
0x82: {  	_ =	shalt  }
0x83: {  	_ =	shalt  }
0x84: {  	_ =	shalt  }
0x85: {  	_ =	shalt  }
0x86: {  	_ =	shalt  }
0x87: {  	_ =	shalt  }
.Lfunc_end0:
.L_simem_size_0:
called_computation.1_lowered:
.L_overlay_start_0:
0x88: {  	s2 =	sld [smem:$0x3FD9]  }
0x89: {  	s3 =	sld [smem:$0x3FFE];
	_ =	sdelay $0x1  }
0x8a: {  	s1 =	srdreg.scid  }
0x8b: {  	s0 =	sand.u32 $0x1, s1  }
0x8c: {  	s17 =	sshll.u32 s0, $0xA;
	s2 =	sadd.s32 s3, s2  }
0x8d: {  	s2 =	sadd.s32 s2, s17  }
0x8e: {  	[smem:$0x3FBF] =	sst s2  }
0x8f: {  	_ = 	snop  }
0x90: {  	s2 =	sld [smem:$0x3FD0];
	(tm) =	ssettm $0x1  }
0x91: {  	s18 =	sld [smem:$0x3FFB];
	_ =	sdelay $0x3  }
0x92: {  	_ =	strace s18  }
0x93: {  	s3 =	sld [smem:$0x3FFC];
	_ =	sdelay $0x3  }
0x94: {  	_ =	strace s3  }
0x95: {  	s3 =	sld [smem:$0x3FFD];
	_ =	sdelay $0x3  }
0x96: {  	_ =	strace s3  }
0x97: {  	_ =	strace $0x8FFFFFFF  }
0x98: {  	s19 =	sld [smem:$0x3FDB];
	_ =	sdelay $0x1  }
0x99: {  	s4 =	simm.s32 $_scs_section_size  }
0x9a: {  	s5 =	simm.s32 $_size__tile_overlayer_lowered;
	s6 =	simm.s32 $_tile_overlayer_lowered  }
0x9b: {  	s22 =	simm.s32 $0x1BFF;
	s21 =	sshll.u32 s6, $0x1;
	s3 =	sadd.s32 s4, s19  }
0x9c: {  	s7 =	simm.s32 $0x0;
	s20 =	sshll.u32 s5, $0x1;
	s5 =	sadd.s32 s21, s3  }
0x9d: {  	[timem:s7], [sflag:s22] =	dma.local [hbm:s5], s20  }
0x9e: {  	_ =	swait.ge [sflag:s22], s20  }
0x9f: {  	s4 =	ssub.s32 $0x0, s20;
	[sflag:s22] =	ssyncset.done $0x0  }
0xa0: {  	[sflag:s22] =	ssyncadd.s32 s4;
	_ =	sdelay $0x1  }
0xa1: {  	s23 =	simm.s32 $0x1B8B  }
0xa2: {  	_ =	swait.ge [sflag:s23], $0x1  }
0xa3: {  	[sflag:s23] =	ssyncset.done $0x0  }
0xa4: {  	s25 =	simm.s32 $0x1B8E;
	s24 =	sld [smem:$0x3FFE];
	[sflag:s23] =	ssyncadd.s32 $0xFFFFFFFF  }
0xa5: {  	s26 =	simm.s32 $execute0_lowered;
	[smem:$0x3FD2] =	sst s25  }
0xa6: {  	s5 =	sshll.u32 s26, $0x1;
	_ =	strace $0x80000049;
	[dreg:$0x1] =	wrdreg $0xFFFFFFFF  }
0xa7: {  	s28 =	simm.s32 $_size_execute0_lowered;
	s3 =	sadd.s32 s3, s5;
	[dreg:$0x0] =	wrdreg $0x0  }
0xa8: {  	s5 =	sshll.u32 s28, $0x1;
	[dreg:$0x2] =	wrdreg s3  }
0xa9: {  	[dreg:$0x3] =	wrdreg s5  }
0xaa: {  	[dreg:$0x4] =	wrdreg $0xC0  }
0xab: {  	_ =	task [dreg:s7], $0x5FFFF  }
0xac: {  	[dreg:$0x1] =	wrdreg $0xFFFFFFFF  }
0xad: {  	[dreg:$0x0] =	wrdreg $0x60  }
0xae: {  	[dreg:$0x2] =	wrdreg s24  }
0xaf: {  	[dreg:$0x3] =	wrdreg s2  }
0xb0: {  	[dreg:$0x4] =	wrdreg $0x82000  }
0xb1: {  	[dreg:$0x5] =	wrdreg $0x9  }
0xb2: {  	_ =	task.clear_ibuf [dreg:s7], $0x6FFFF;
	_ =	strace $0x90000049  }
0xb3: {  	s29 =	simm.s32 $0x9;
	_ =	strace $0x8000004B  }
0xb4: {  	_ =	swait.ge [sflag:s29], $0x1  }
0xb5: {  	[sflag:s29] =	ssyncadd.s32 $0xFFFFFFFF  }
0xb6: {  	_ =	strace $0x9000004B  }
0xb7: {  	_ =	sfence  }
0xb8: {  	s30 =	sld [smem:$0x0];
	_ =	sdelay $0x2  }
0xb9: {  	s31 =	sshll.u32 s1, $0xD;
	s1 =	sshrl.u32 s1, $0x2  }
0xba: {  	s3 =	sand.u32 $0x4000, s31;
	s1 =	sadd.s32 s1, s30  }
0xbb: {  	s0 =	sor.u32 s3, s0;
	s1 =	sshll.u32 s1, $0x11  }
0xbc: {  	s0 =	sor.u32 s1, s0  }
0xbd: {  	s0 =	sadd.s32 $0x8F2B, s0  }
0xbe: {  	[sflag:s0] =	ssyncadd.remote.s32 $0x1  }
0xbf: {  	_ =	sfence.sel $0xFFFF  }
0xc0: {  	[dreg:$0x0] =	wrdreg $0xFFFFFFFF;
	(pc) =	sbr.abs _section_cstart, $3  }
0xc1: {  	[dreg:$0x1] =	wrdreg $0xFFFFFFFF  }
0xc2: {  	_ =	task.clear_ibuf [dreg:s7], $0x2FFFF;
	_ =	strace $0x9FFFFFFF  }
0xc3: {  	(tm) =	ssettm $0x7FFFFFFF  }
tec
execute0_lowered:
.L_overlay_start_1:
0x0: {  	(tag) =	ssettag $0x1  }
0x1: {  	s0 =	rddreg [dreg:$0x0]  }
0x2: {  	s2 =	rddreg [dreg:$0x1]  }
0x3: {  	s1 =	rddreg [dreg:$0x2]  }
0x4: {  	s3 =	srdreg.scid;
	s20 =	stileid.u32  }
0x5: {  	s28 =	simm.s32 $0x3;
	s29 =	simm.s32 $0x1;
	s30 =	simm.s32 $0x4  }
0x6: {  	s31 =	simm.s32 $0x4200;
	s5 =	sand.u32 $0x1, s3;
	s18 =	smul.u32 $0x4F000, s20  }
0x7: {  	s3 =	simm.s32 $0x0;
	s19 =	sadd.s32 $0xBC00, s0;
	s14 =	smul.u32 $0x4E, s20  }
0x8: {  	s4 =	sshll.u32 s5, $0x4;
	[smem:$0x7FF] =	sst s3;
	s16 =	smul.u32 $0x13C000, s5  }
0x9: {  	s8 =	ssub.s32 $0x2, s5;
	s5 =	smul.u32 $0x4E0, s5;
	s6 =	sor.u32 s20, s4  }
0xa: {  	_ =	strace $0x8000004A;
	s4 =	sadd.s32 $0x15A00, s0;
	s0 =	sadd.s32 $0x1E00, s0  }
0xb: {  	s9 =	sshrl.u32 s8, $0x1;
	s10 =	sshrl.u32 s18, $0x2;
	s20 =	smul.u32 $0x13C00, s20  }
0xc: {  	s7 =	smul.u32 $0x4E, s6;
	s15 =	smin.u32 s6, $0x4;
	s17 =	ssub.s32 s8, s9  }
0xd: {  	s9 =	sadd.s32 s10, s1;
	s5 =	sadd.s32 s14, s5;
	p0 =	sgt.u32 s6, $0x3  }
0xe: {  	s10 =	sadd.s32 $0x4000, s9;
	s11 =	sadd.s32 $0x8000, s9;
	s12 =	sadd.s32 $0xC000, s9  }
0xf: {  	s16 =	sadd.s32 s20, s16;
	s5 =	sadd.s32 s15, s5;
	s17 =	smax.u32 s17, $0x1  }
0x10: {  	s7 =	sadd.s32 s15, s7;
	s16 =	sshrl.u32 s16, $0x3;
	s5 =	sshll.u32 s5, $0x4  }
0x11: {  	s13 =	sshll.u32 s7, $0x4;
	s16 =	sadd.s32 s2, s16;
	s25 =	sadd.s32 $0x30, s5  }
0x12: {  	s26 =	sadd.s32 s5, s19;
	s5 =	sadd.s32 s5, s0;
	s2 =	simm.s32 $0x0  }
0x13: {  	s7 =	sadd.s32 s19, s13;
	s21 =	sadd.s32 s0, s13;
	s22 =	sadd.s32 $0x10, s13  }
0x14: {  	s18 =	sadd.s32 $0x4E0, s13;
	s13 =	sadd.s32 $0x10000, s9;
	[dreg:$0x4] =	wrdreg s7  }
0x15: {  	s20 =	sadd.s32 $0x20, s26;
	s26 =	simm.s32 $0x5;
	[dreg:$0x5] =	wrdreg s21  }
0x16: {  	s23 =	sadd.s32 s19, s22;
	s24 =	sadd.s32 s0, s22;
	s18 =	sand.u32 $0x1FFFFFF0, s18  }
0x17: {  	s21 =	sadd.s32 $0x20, s5;
	s22 =	simm.s32 $0x100;
	[dreg:$0x6] =	wrdreg s23  }
0x18: {  	[dreg:$0x7] =	wrdreg s24;
	s14 =	sadd.s32 s19, s18;
	s15 =	sadd.s32 s0, s18  }
0x19: {  	s18 =	sadd.s32 s25, s19;
	s19 =	sadd.s32 s25, s0;
	s23 =	simm.s32 $0x80  }
0x1a: {  	v0 =	vimm.f32 $0.0e+00;
	s24 =	simm.s32 $0x180;
	s25 =	simm.s32 $0x200;
	s0 =	simm.s32 $0x2  }
.LBB2_1:
0x1b: {  	s5 =	rddreg [dreg:$0x4]  }
0x1c: {  	[tilespmem:s3], [sflag:$0x3] =	stream.linear.gather [hbm4b:s5+s3], $0x80, $0x38;
	[tilespmem:$0x1BE00] =	vst v63  }
0x1d: {  	s6 =	rddreg [dreg:$0x5]  }
0x1e: {  	[tilespmem:s22], [sflag:$0x3] =	stream.linear.gather [hbm4b:s6+s3], $0x80, $0x38;
	[tilespmem:$0x1BE00] =	vst v63  }
0x1f: {  	s7 =	rddreg [dreg:$0x6]  }
0x20: {  	[tilespmem:s23], [sflag:$0x4] =	stream.linear.gather [hbm4b:s7+s3], $0x80, $0x38;
	[tilespmem:$0x1BE00] =	vst v63  }
0x21: {  	s8 =	rddreg [dreg:$0x7];
	s5 =	simm.s32 $0x0;
	s6 =	simm.s32 $0x200  }
0x22: {  	[tilespmem:s24], [sflag:$0x4] =	stream.linear.gather [hbm4b:s8+s3], $0x80, $0x38;
	[tilespmem:$0x1BE00] =	vst v63  }
.LBB2_2:
0x23: {  	p1 =	sne.s32 s6, $0xFE00;
	[tilespmem:s5+$0x270] =	vst v0  }
0x24: {  	[tilespmem:s5+$0x200] =	vst v0  }
0x25: {  	[tilespmem:s5+$0x210] =	vst v0  }
.Ltmp0:
0x26: {  	[tilespmem:s5+$0x220] =	vst v0;
	(pc) =	sbr.rel @p1 .LBB2_2-.Ltmp0, $4  }
0x27: {  	[tilespmem:s5+$0x230] =	vst v0  }
0x28: {  	[tilespmem:s5+$0x240] =	vst v0  }
0x29: {  	[tilespmem:s5+$0x250] =	vst v0  }
0x2a: {  	[tilespmem:s5+$0x260] =	vst v0;
	s5 =	sshra.s32 s6, $0x2;
	s6 =	sadd.s32 $0x200, s6  }
0x2b: {  	[tilespmem:s5+$0x270] =	vst v0  }
0x2c: {  	[tilespmem:s5+$0x200] =	vst v0  }
0x2d: {  	[tilespmem:s5+$0x210] =	vst v0  }
0x2e: {  	[tilespmem:s5+$0x220] =	vst v0  }
0x2f: {  	[tilespmem:s5+$0x230] =	vst v0  }
0x30: {  	[tilespmem:s5+$0x240] =	vst v0  }
0x31: {  	[tilespmem:s5+$0x250] =	vst v0  }
0x32: {  	[tilespmem:s5+$0x260] =	vst v0  }
0x33: {  	[spmem:s9] =	stream.linear.scatter [tilespmem:s25], [sflag:$0x5], $0x4000, $0x38;
	[tilespmem:$0x1BE00] =	vst v63  }
0x34: {  	_ =	swait.ge [sflag:s26], $0x4000  }
0x35: {  	[sflag:s26] =	ssyncset.done $0x0  }
0x36: {  	[sflag:s26] =	ssyncadd.s32 $0xFFFFC000  }
0x37: {  	[spmem:s10] =	stream.linear.scatter [tilespmem:s25], [sflag:$0x5], $0x4000, $0x38;
	[tilespmem:$0x1BE00] =	vst v63  }
0x38: {  	_ =	swait.ge [sflag:s26], $0x4000  }
0x39: {  	[sflag:s26] =	ssyncset.done $0x0  }
0x3a: {  	[sflag:s26] =	ssyncadd.s32 $0xFFFFC000  }
0x3b: {  	[spmem:s11] =	stream.linear.scatter [tilespmem:s25], [sflag:$0x5], $0x4000, $0x38;
	[tilespmem:$0x1BE00] =	vst v63  }
0x3c: {  	_ =	swait.ge [sflag:s26], $0x4000  }
0x3d: {  	[sflag:s26] =	ssyncset.done $0x0  }
0x3e: {  	[sflag:s26] =	ssyncadd.s32 $0xFFFFC000  }
0x3f: {  	[spmem:s12] =	stream.linear.scatter [tilespmem:s25], [sflag:$0x5], $0x4000, $0x38;
	[tilespmem:$0x1BE00] =	vst v63  }
0x40: {  	_ =	swait.ge [sflag:s26], $0x4000  }
0x41: {  	[sflag:s26] =	ssyncset.done $0x0  }
0x42: {  	[sflag:s26] =	ssyncadd.s32 $0xFFFFC000  }
0x43: {  	[spmem:s13] =	stream.linear.scatter [tilespmem:s25], [sflag:$0x5], $0x3C00, $0x38;
	[tilespmem:$0x1BE00] =	vst v63  }
0x44: {  	_ =	swait.ge [sflag:s26], $0x3C00  }
0x45: {  	[sflag:s26] =	ssyncset.done $0x0  }
0x46: {  	[sflag:s26] =	ssyncadd.s32 $0xFFFFC400  }
0x47: {  	[bflag:$0x0] =	sbarrier.arrive $0xFFFF  }
0x48: {  	_ =	swait.ge [sflag:s28], $0x80  }
0x49: {  	[sflag:s28] =	ssyncset.done $0x0  }
0x4a: {  	[sflag:s28] =	ssyncadd.s32 $0xFFFFFF80  }
0x4b: {  	_ =	swait.ge [sflag:s28], $0x80  }
0x4c: {  	[sflag:s28] =	ssyncset.done $0x0  }
0x4d: {  	s8 =	simm.s32 $0x0;
	[sflag:s28] =	ssyncadd.s32 $0xFFFFFF80  }
0x4e: {  	[tilespmem:s25], [sflag:$0x1] =	stream.indirect.gather [hbm4b:s4+s23], $0x80, s8, s23, $0xb8;
	[tilespmem:$0x1BE00] =	vst v63  }
0x4f: {  	_ =	swait.ge [sflag:s29], $0x4000  }
0x50: {  	[sflag:s29] =	ssyncset.done $0x0  }
0x51: {  	[sflag:s29] =	ssyncadd.s32 $0xFFFFC000  }
0x52: {  	_ =	swait.ge [sflag:s30], $0x80  }
0x53: {  	[sflag:s30] =	ssyncset.done $0x0  }
0x54: {  	[sflag:s30] =	ssyncadd.s32 $0xFFFFFF80  }
0x55: {  	_ =	swait.ge [sflag:s30], $0x80  }
0x56: {  	[sflag:s30] =	ssyncset.done $0x0  }
0x57: {  	[sflag:s30] =	ssyncadd.s32 $0xFFFFFF80  }
0x58: {  	[tilespmem:s31], [sflag:$0x2] =	stream.indirect.gather [hbm4b:s4+s23], $0x80, s23, s23, $0xb8;
	[tilespmem:$0x1BE00] =	vst v63  }
0x59: {  	_ = 	snop  }
0x5a: {  	[spmem:s1] =	stream.indirect.scatter.add.f32 [tilespmem:s25], [sflag:$0x5], $0x80, s22, s23, $0xb8;
	[tilespmem:$0x1BE00] =	vst v63  }
0x5b: {  	_ =	swait.ge [sflag:s26], $0x4000  }
0x5c: {  	[sflag:s26] =	ssyncset.done $0x0  }
0x5d: {  	s6 =	sadd.s32 $0x0, s20;
	[sflag:s26] =	ssyncadd.s32 $0xFFFFC000  }
0x5e: {  	[tilespmem:s3], [sflag:$0x3] =	stream.linear.gather [hbm4b:s6+s3], $0x80, $0x38;
	[tilespmem:$0x1BE00] =	vst v63  }
0x5f: {  	s7 =	sadd.s32 $0x0, s21  }
0x60: {  	[tilespmem:s22], [sflag:$0x3] =	stream.linear.gather [hbm4b:s7+s3], $0x80, $0x38;
	[tilespmem:$0x1BE00] =	vst v63  }
0x61: {  	_ =	swait.ge [sflag:s0], $0x4000  }
0x62: {  	[sflag:s0] =	ssyncset.done $0x0  }
0x63: {  	[sflag:s0] =	ssyncadd.s32 $0xFFFFC000  }
0x64: {  	_ =	swait.ge [sflag:s28], $0x80  }
0x65: {  	[sflag:s28] =	ssyncset.done $0x0  }
0x66: {  	[sflag:s28] =	ssyncadd.s32 $0xFFFFFF80  }
0x67: {  	_ =	swait.ge [sflag:s28], $0x80  }
0x68: {  	[sflag:s28] =	ssyncset.done $0x0  }
0x69: {  	[sflag:s28] =	ssyncadd.s32 $0xFFFFFF80  }
0x6a: {  	[tilespmem:s25], [sflag:$0x1] =	stream.indirect.gather [hbm4b:s4+s23], $0x80, s3, s23, $0xb8;
	[tilespmem:$0x1BE00] =	vst v63  }
0x6b: {  	_ = 	snop  }
0x6c: {  	[spmem:s1] =	stream.indirect.scatter.add.f32 [tilespmem:s31], [sflag:$0x5], $0x80, s24, s23, $0xb8;
	[tilespmem:$0x1BE00] =	vst v63  }
0x6d: {  	_ =	swait.ge [sflag:s26], $0x4000  }
0x6e: {  	s5 =	simm.s32 $0x20;
	[sflag:s26] =	ssyncset.done $0x0  }
0x6f: {  	s8 =	sadd.s32 $0x0, s18;
	s6 =	sadd.s32 $0x0, s19;
	[sflag:s26] =	ssyncadd.s32 $0xFFFFC000  }
0x70: {  	[tilespmem:s23], [sflag:$0x4] =	stream.linear.gather [hbm4b:s8+s3], $0x80, $0x38;
	[tilespmem:$0x1BE00] =	vst v63  }
.LBB2_4:
0x71: {  	[tilespmem:s24], [sflag:$0x4] =	stream.linear.gather [hbm4b:s6+s3], $0x80, $0x38;
	[tilespmem:$0x1BE00] =	vst v63  }
0x72: {  	s6 =	smov.u32 s5  }
0x73: {  	p1 =	seq.s32 s5, $0x4A0;
	s5 =	sadd.s32 $0x20, s5;
	_ =	swait.ge [sflag:s29], $0x4000  }
0x74: {  	[sflag:s29] =	ssyncset.done $0x0  }
0x75: {  	[sflag:s29] =	ssyncadd.s32 $0xFFFFC000  }
0x76: {  	_ =	swait.ge [sflag:s30], $0x80  }
0x77: {  	[sflag:s30] =	ssyncset.done $0x0  }
0x78: {  	[sflag:s30] =	ssyncadd.s32 $0xFFFFFF80  }
0x79: {  	_ =	swait.ge [sflag:s30], $0x80  }
0x7a: {  	[sflag:s30] =	ssyncset.done $0x0  }
0x7b: {  	[sflag:s30] =	ssyncadd.s32 $0xFFFFFF80  }
0x7c: {  	[tilespmem:s31], [sflag:$0x2] =	stream.indirect.gather [hbm4b:s4+s23], $0x80, s23, s23, $0xb8;
	[tilespmem:$0x1BE00] =	vst v63  }
0x7d: {  	_ = 	snop  }
0x7e: {  	[spmem:s1] =	stream.indirect.scatter.add.f32 [tilespmem:s25], [sflag:$0x5], $0x80, s22, s23, $0xb8;
	[tilespmem:$0x1BE00] =	vst v63  }
0x7f: {  	_ =	swait.ge [sflag:s26], $0x4000  }
0x80: {  	[sflag:s26] =	ssyncset.done $0x0  }
0x81: {  	s7 =	sadd.s32 s6, s20;
	[sflag:s26] =	ssyncadd.s32 $0xFFFFC000  }
0x82: {  	[tilespmem:s3], [sflag:$0x3] =	stream.linear.gather [hbm4b:s7+s3], $0x80, $0x38;
	[tilespmem:$0x1BE00] =	vst v63  }
0x83: {  	s7 =	sadd.s32 s6, s21  }
0x84: {  	[tilespmem:s22], [sflag:$0x3] =	stream.linear.gather [hbm4b:s7+s3], $0x80, $0x38;
	[tilespmem:$0x1BE00] =	vst v63  }
0x85: {  	_ =	swait.ge [sflag:s0], $0x4000  }
0x86: {  	[sflag:s0] =	ssyncset.done $0x0  }
0x87: {  	[sflag:s0] =	ssyncadd.s32 $0xFFFFC000  }
0x88: {  	_ =	swait.ge [sflag:s28], $0x80  }
0x89: {  	[sflag:s28] =	ssyncset.done $0x0  }
0x8a: {  	[sflag:s28] =	ssyncadd.s32 $0xFFFFFF80  }
0x8b: {  	_ =	swait.ge [sflag:s28], $0x80  }
0x8c: {  	[sflag:s28] =	ssyncset.done $0x0  }
0x8d: {  	[sflag:s28] =	ssyncadd.s32 $0xFFFFFF80  }
0x8e: {  	[tilespmem:s25], [sflag:$0x1] =	stream.indirect.gather [hbm4b:s4+s23], $0x80, s3, s23, $0xb8;
	[tilespmem:$0x1BE00] =	vst v63  }
0x8f: {  	_ = 	snop  }
0x90: {  	[spmem:s1] =	stream.indirect.scatter.add.f32 [tilespmem:s31], [sflag:$0x5], $0x80, s24, s23, $0xb8;
	[tilespmem:$0x1BE00] =	vst v63  }
.Ltmp1:
0x91: {  	_ =	swait.ge [sflag:s26], $0x4000;
	(pc) =	sbr.rel @!p1 .LBB2_4-.Ltmp1, $4  }
0x92: {  	[sflag:s26] =	ssyncset.done $0x0  }
0x93: {  	s7 =	sadd.s32 s6, s18;
	[sflag:s26] =	ssyncadd.s32 $0xFFFFC000  }
0x94: {  	[tilespmem:s23], [sflag:$0x4] =	stream.linear.gather [hbm4b:s7+s3], $0x80, $0x38;
	[tilespmem:$0x1BE00] =	vst v63  }
0x95: {  	s6 =	sadd.s32 s6, s19  }
0x96: {  	[tilespmem:s24], [sflag:$0x4] =	stream.linear.gather [hbm4b:s6+s3], $0x80, $0x38;
	[tilespmem:$0x1BE00] =	vst v63  }
0x97: {  	_ =	swait.ge [sflag:s29], $0x4000  }
0x98: {  	[sflag:s29] =	ssyncset.done $0x0  }
0x99: {  	[sflag:s29] =	ssyncadd.s32 $0xFFFFC000  }
0x9a: {  	_ =	swait.ge [sflag:s30], $0x80  }
0x9b: {  	[sflag:s30] =	ssyncset.done $0x0  }
0x9c: {  	[sflag:s30] =	ssyncadd.s32 $0xFFFFFF80  }
0x9d: {  	_ =	swait.ge [sflag:s30], $0x80  }
0x9e: {  	[sflag:s30] =	ssyncset.done $0x0  }
0x9f: {  	[sflag:s30] =	ssyncadd.s32 $0xFFFFFF80  }
0xa0: {  	[tilespmem:s31], [sflag:$0x2] =	stream.indirect.gather [hbm4b:s4+s23], $0x80, s23, s23, $0xb8;
	[tilespmem:$0x1BE00] =	vst v63  }
0xa1: {  	_ = 	snop  }
0xa2: {  	[spmem:s1] =	stream.indirect.scatter.add.f32 [tilespmem:s25], [sflag:$0x5], $0x80, s22, s23, $0xb8;
	[tilespmem:$0x1BE00] =	vst v63  }
0xa3: {  	_ =	swait.ge [sflag:s26], $0x4000  }
0xa4: {  	[sflag:s26] =	ssyncset.done $0x0  }
0xa5: {  	[sflag:s26] =	ssyncadd.s32 $0xFFFFC000  }
0xa6: {  	_ =	swait.ge [sflag:s0], $0x4000  }
0xa7: {  	[sflag:s0] =	ssyncset.done $0x0  }
0xa8: {  	[sflag:s0] =	ssyncadd.s32 $0xFFFFC000  }
0xa9: {  	[spmem:s1] =	stream.indirect.scatter.add.f32 [tilespmem:s31], [sflag:$0x5], $0x80, s24, s23, $0xb8;
	[tilespmem:$0x1BE00] =	vst v63  }
0xaa: {  	_ =	swait.ge [sflag:s26], $0x4000  }
0xab: {  	[sflag:s26] =	ssyncset.done $0x0  }
0xac: {  	s5 =	simm.s32 @!p0 $0x0;
	[sflag:s26] =	ssyncadd.s32 $0xFFFFC000  }
0xad: {  	[tilespmem:s5], [sflag:$0x3] =	stream.linear.gather @!p0 [hbm4b:s14+s5], $0x80, $0x38;
	[tilespmem:$0x1BE00] =	vst v63  }
0xae: {  	s6 =	simm.s32 @!p0 $0x100;
	s7 =	simm.s32 @!p0 $0x3  }
0xaf: {  	[tilespmem:s6], [sflag:$0x3] =	stream.linear.gather @!p0 [hbm4b:s15+s5], $0x80, $0x38;
	[tilespmem:$0x1BE00] =	vst v63  }
0xb0: {  	_ =	swait.ge @!p0 [sflag:s7], $0x80  }
0xb1: {  	[sflag:s7] =	ssyncset.done @!p0 $0x0  }
0xb2: {  	[sflag:s7] =	ssyncadd.s32 @!p0 $0xFFFFFF80  }
0xb3: {  	_ =	swait.ge @!p0 [sflag:s7], $0x80  }
0xb4: {  	[sflag:s7] =	ssyncset.done @!p0 $0x0  }
0xb5: {  	s8 =	simm.s32 @!p0 $0x200;
	[sflag:s7] =	ssyncadd.s32 @!p0 $0xFFFFFF80;
	s7 =	simm.s32 @!p0 $0x80  }
0xb6: {  	[tilespmem:s8], [sflag:$0x1] =	stream.indirect.gather @!p0 [hbm4b:s4+s7], $0x80, s5, s7, $0xb8;
	[tilespmem:$0x1BE00] =	vst v63  }
0xb7: {  	s5 =	simm.s32 @!p0 $0x1  }
0xb8: {  	_ =	swait.ge @!p0 [sflag:s5], $0x4000  }
0xb9: {  	[sflag:s5] =	ssyncset.done @!p0 $0x0  }
0xba: {  	[sflag:s5] =	ssyncadd.s32 @!p0 $0xFFFFC000;
	s5 =	simm.s32 @!p0 $0x5  }
0xbb: {  	[spmem:s1] =	stream.indirect.scatter.add.f32 @!p0 [tilespmem:s8], [sflag:$0x5], $0x80, s6, s7, $0xb8;
	[tilespmem:$0x1BE00] =	vst v63  }
0xbc: {  	s2 =	sadd.s32 $0x1, s2;
	_ =	swait.ge @!p0 [sflag:s5], $0x4000  }
0xbd: {  	p1 =	sne.s32 s2, s17;
	s7 =	stileid.u32;
	[sflag:s5] =	ssyncset.done @!p0 $0x0  }
0xbe: {  	s8 =	sshrl.u32 s9, $0x3;
	[sflag:s5] =	ssyncadd.s32 @!p0 $0xFFFFC000;
	s5 =	sshll.u32 s7, $0x6  }
.Ltmp2:
0xbf: {  	[bflag:$0x0] =	sbarrier.arrive $0xFFFF;
	s5 =	sor.u32 $0x1C05, s5;
	(pc) =	sbr.rel @p1 .LBB2_1-.Ltmp2, $4  }
0xc0: {  	[hbm:s16], [sflag:s5] =	dma.local [spmem:s8], $0x2780  }
0xc1: {  	_ =	swait.ge [sflag:s26], $0x2780  }
0xc2: {  	[sflag:s26] =	ssyncset.done $0x0  }
0xc3: {  	[sflag:s26] =	ssyncadd.s32 $0xFFFFD880  }
0xc4: {  	_ =	sfence.sel $0x180000  }
0xc5: {  	[bflag:$0x0] =	sbarrier.arrive $0xFFFF  }
0xc6: {  	_ =	strace $0x9000004A  }
0xc7: {  	s0 =	stileid.u32;
	[bflag:$0x2] =	sbarrier.arrive $0xFFFF  }
0xc8: {  	p0 =	sne.s32 s0, $0x0;
	s0 =	rddreg [dreg:$0x3]  }
0xc9: {  	s0 =	sadd.s32 @!p0 $0x100000, s0  }
0xca: {  	[sflag:s0] =	ssyncadd.tile.s32 @!p0 $0x1;
	_ =	shalt  }
.Lfunc_end2:
_tile_overlayer_lowered:
.L_overlay_start_2:
0xcb: {  	(tag) =	ssettag $0x2  }
0xcc: {  	s0 =	rddreg [dreg:$0x0];
	s2 =	stileid.u32  }
0xcd: {  	s1 =	rddreg [dreg:$0x1];
	p0 =	sne.s32 s2, $0x0  }
0xce: {  	s3 =	rddreg [dreg:$0x2];
	[bflag:$0x3] =	sbarrier.arrive $0xFFFF;
	s2 =	simm.s32 @!p0 $0x1C05  }
0xcf: {  	[timem:s3], [sflag:s2] =	dma.local @!p0 [hbm:s0], s1  }
0xd0: {  	s0 =	simm.s32 @!p0 $0x5  }
0xd1: {  	_ =	swait.ge @!p0 [sflag:s0], s1  }
0xd2: {  	s1 =	ssub.s32 @!p0 $0x0, s1;
	[sflag:s0] =	ssyncset.done @!p0 $0x0  }
0xd3: {  	[sflag:s0] =	ssyncadd.s32 @!p0 s1  }
0xd4: {  	[bflag:$0x3] =	sbarrier.arrive $0xFFFF  }
0xd5: {  	_ =	shalt  }

// kernel: kernel.16.cloned.1.call-start
scs
__scs_entry_jumppad:
0x0: {  	(pc) =	sbr.rel $0x88, $3  }
0x1: {  	(tag) =	ssettag $0x0;
	lr =	simm.s32 $0x1  }
0x2: {  	[smem:$0x3F98] =	sst lr;
	_ =	strace $0xD0000000  }
0x3: {  	_ = 	snop  }
0x4: {  	_ = 	snop  }
0x5: {  	_ = 	snop  }
0x6: {  	_ = 	snop  }
0x7: {  	_ = 	snop  }
__scs_overlays_trampoline_lowered:
0x8: {  	[smem:$0x3FA7] =	sst s0  }
0x9: {  	[smem:$0x3FA8] =	sst s1  }
0xa: {  	[smem:$0x3FA9] =	sst s2  }
0xb: {  	[smem:$0x3FAA] =	sst s3  }
0xc: {  	[smem:$0x3FAB] =	sst s4  }
0xd: {  	[smem:$0x3FAC] =	sst s5  }
0xe: {  	[smem:$0x3FAD] =	sst s6  }
0xf: {  	[smem:$0x3FAE] =	sst s7  }
0x10: {  	[smem:$0x3FAF] =	sst s8  }
0x11: {  	[smem:$0x3FB0] =	sst s9;
	s0 =	simm.s32 @!p0 $0x0  }
0x12: {  	s1 =	sld [smem:$0x3F96];
	s0 =	simm.s32 @p0 $0x1  }
0x13: {  	[smem:$0x3FB1] =	sst s0;
	s0 =	simm.s32 @!p1 $0x0  }
0x14: {  	s2 =	sld [smem:$0x3F95];
	s0 =	simm.s32 @p1 $0x1  }
0x15: {  	[smem:$0x3FB2] =	sst s0;
	s0 =	simm.s32 @!p2 $0x0  }
0x16: {  	s3 =	sld [smem:$0x3FDB];
	s0 =	simm.s32 @p2 $0x1  }
0x17: {  	s4 =	simm.s32 $0x1BF5;
	[smem:$0x3FB4] =	sst s0  }
0x18: {  	s0 =	sld [smem:$0x3F97];
	_ =	swait.ge [sflag:s4], $0x0  }
0x19: {  	s7 =	sld [smem:$0x3F98]  }
0x1a: {  	s8 =	sadd.s32 $0xFFFFE003, lr  }
0x1b: {  	s9 =	sadd.s32 $0xFFFFFEF7, lr;
	s5 =	simm.s32 $0xFFFFFFFF;
	p2 =	slt.u32 s8, $0xFFFFF086  }
0x1c: {  	p1 =	slt.u32 s9, $0xF7A;
	s5 =	simm.s32 @!p2 $0x0  }
0x1d: {  	s5 =	simm.s32 @p1 $0x1;
	p0 =	seq.s32 s7, s2  }
0x1e: {  	s7 =	smul.u32 @!p0 $0xF7A, s2;
	p2 =	seq.s32 @!p0 s5, $0x0  }
0x1f: {  	s9 =	smul.u32 $0xF7A, s1;
	s8 =	simm.s32 @!p0 $0x1BF5;
	p2 =	por !p2, p0  }
0x20: {  	[sflag:s8] =	ssyncset.s32 @!p0 $0xFFFFF086;
	s6 =	sadd.s32 @!p0 s3, s7;
	s7 =	simm.s32 @!p0 $0x108  }
0x21: {  	s3 =	sadd.s32 s3, s9;
	s6 =	sadd.s32 @!p0 $0x88, s6;
	s7 =	simm.s32 @p2 $0x1082  }
0x22: {  	[simem:s7], [sflag:s8] =	dma.local @!p0 [hbm:s6], $0xF7A  }
0x23: {  	s9 =	sor.u32 $0xD0000000, s2;
	s6 =	simm.s32 $0x108;
	_ =	swait.ge @!p0 [sflag:s8], $0x0  }
0x24: {  	s3 =	sadd.s32 $0x88, s3;
	s6 =	simm.s32 @!p1 $0x1082;
	[sflag:s4] =	ssyncset.s32 $0xFFFFF086  }
0x25: {  	[simem:s6], [sflag:s4] =	dma.local [hbm:s3], $0xF7A  }
0x26: {  	[smem:$0x3F98] =	sst s1;
	(tag) =	ssettag s2;
	_ =	strace s9  }
0x27: {  	s1 =	sld [smem:$0x3FA8]  }
0x28: {  	s2 =	sld [smem:$0x3FA9]  }
0x29: {  	s4 =	sld [smem:$0x3FAB]  }
0x2a: {  	p0 =	seq.s32 s5, $0x0;
	s5 =	sld [smem:$0x3FAC]  }
0x2b: {  	s6 =	sld [smem:$0x3FAD]  }
0x2c: {  	s7 =	sld [smem:$0x3FAE]  }
0x2d: {  	s3 =	simm.s32 $0x108;
	s8 =	sld [smem:$0x3FAF]  }
0x2e: {  	s3 =	simm.s32 @!p0 $0x1082;
	s9 =	sld [smem:$0x3FB0]  }
0x2f: {  	lr =	sadd.s32 s0, s3;
	s0 =	sld [smem:$0x3FA7]  }
0x30: {  	s3 =	sld [smem:$0x3FAA]  }
0x31: {  	[smem:$0x3FB3] =	sst s10  }
0x32: {  	s10 =	sld [smem:$0x3FB1];
	_ =	sdelay $0x3  }
0x33: {  	p0 =	seq.s32 s10, $0x1;
	s10 =	sld [smem:$0x3FB3];
	_ =	sdelay $0x3  }
0x34: {  	[smem:$0x3FB3] =	sst s10  }
0x35: {  	s10 =	sld [smem:$0x3FB2];
	_ =	sdelay $0x3  }
0x36: {  	p1 =	seq.s32 s10, $0x1;
	s10 =	sld [smem:$0x3FB3];
	_ =	sdelay $0x3  }
0x37: {  	[smem:$0x3FB3] =	sst s10  }
0x38: {  	s10 =	sld [smem:$0x3FB4]  }
0x39: {  	_ = 	snop;
	(pc) =	sbr.ind lr, $3  }
0x3a: {  	_ = 	snop  }
0x3b: {  	_ = 	snop  }
0x3c: {  	p2 =	seq.s32 s10, $0x1;
	s10 =	sld [smem:$0x3FB3]  }
0x3d: {  	_ =	shalt  }
0x3e: {  	_ =	shalt  }
0x3f: {  	_ =	shalt  }
0x40: {  	_ =	shalt  }
0x41: {  	_ =	shalt  }
0x42: {  	_ =	shalt  }
0x43: {  	_ =	shalt  }
0x44: {  	_ =	shalt  }
0x45: {  	_ =	shalt  }
0x46: {  	_ =	shalt  }
0x47: {  	_ =	shalt  }
0x48: {  	_ =	shalt  }
0x49: {  	_ =	shalt  }
0x4a: {  	_ =	shalt  }
0x4b: {  	_ =	shalt  }
0x4c: {  	_ =	shalt  }
0x4d: {  	_ =	shalt  }
0x4e: {  	_ =	shalt  }
0x4f: {  	_ =	shalt  }
0x50: {  	_ =	shalt  }
0x51: {  	_ =	shalt  }
0x52: {  	_ =	shalt  }
0x53: {  	_ =	shalt  }
0x54: {  	_ =	shalt  }
0x55: {  	_ =	shalt  }
0x56: {  	_ =	shalt  }
0x57: {  	_ =	shalt  }
0x58: {  	_ =	shalt  }
0x59: {  	_ =	shalt  }
0x5a: {  	_ =	shalt  }
0x5b: {  	_ =	shalt  }
0x5c: {  	_ =	shalt  }
0x5d: {  	_ =	shalt  }
0x5e: {  	_ =	shalt  }
0x5f: {  	_ =	shalt  }
0x60: {  	_ =	shalt  }
0x61: {  	_ =	shalt  }
0x62: {  	_ =	shalt  }
0x63: {  	_ =	shalt  }
0x64: {  	_ =	shalt  }
0x65: {  	_ =	shalt  }
0x66: {  	_ =	shalt  }
0x67: {  	_ =	shalt  }
0x68: {  	_ =	shalt  }
0x69: {  	_ =	shalt  }
0x6a: {  	_ =	shalt  }
0x6b: {  	_ =	shalt  }
0x6c: {  	_ =	shalt  }
0x6d: {  	_ =	shalt  }
0x6e: {  	_ =	shalt  }
0x6f: {  	_ =	shalt  }
0x70: {  	_ =	shalt  }
0x71: {  	_ =	shalt  }
0x72: {  	_ =	shalt  }
0x73: {  	_ =	shalt  }
0x74: {  	_ =	shalt  }
0x75: {  	_ =	shalt  }
0x76: {  	_ =	shalt  }
0x77: {  	_ =	shalt  }
0x78: {  	_ =	shalt  }
0x79: {  	_ =	shalt  }
0x7a: {  	_ =	shalt  }
0x7b: {  	_ =	shalt  }
0x7c: {  	_ =	shalt  }
0x7d: {  	_ =	shalt  }
0x7e: {  	_ =	shalt  }
0x7f: {  	_ =	shalt  }
0x80: {  	_ =	shalt  }
0x81: {  	_ =	shalt  }
0x82: {  	_ =	shalt  }
0x83: {  	_ =	shalt  }
0x84: {  	_ =	shalt  }
0x85: {  	_ =	shalt  }
0x86: {  	_ =	shalt  }
0x87: {  	_ =	shalt  }
.Lfunc_end0:
.L_simem_size_0:
called_computation.2_lowered:
.L_overlay_start_0:
0x88: {  	s2 =	sld [smem:$0x3FD9]  }
0x89: {  	s3 =	sld [smem:$0x3FFE];
	_ =	sdelay $0x1  }
0x8a: {  	s1 =	srdreg.scid  }
0x8b: {  	s0 =	sand.u32 $0x1, s1  }
0x8c: {  	s17 =	sshll.u32 s0, $0xA;
	s2 =	sadd.s32 s3, s2  }
0x8d: {  	s2 =	sadd.s32 s2, s17  }
0x8e: {  	[smem:$0x3FBF] =	sst s2  }
0x8f: {  	_ = 	snop  }
0x90: {  	s2 =	sld [smem:$0x3FD0];
	(tm) =	ssettm $0x1  }
0x91: {  	s18 =	sld [smem:$0x3FFB];
	_ =	sdelay $0x3  }
0x92: {  	_ =	strace s18  }
0x93: {  	s3 =	sld [smem:$0x3FFC];
	_ =	sdelay $0x3  }
0x94: {  	_ =	strace s3  }
0x95: {  	s3 =	sld [smem:$0x3FFD];
	_ =	sdelay $0x3  }
0x96: {  	_ =	strace s3  }
0x97: {  	_ =	strace $0x8FFFFFFF  }
0x98: {  	s19 =	sld [smem:$0x3FDB];
	_ =	sdelay $0x1  }
0x99: {  	s4 =	simm.s32 $_scs_section_size  }
0x9a: {  	s5 =	simm.s32 $_size__tile_overlayer_lowered;
	s6 =	simm.s32 $_tile_overlayer_lowered  }
0x9b: {  	s22 =	simm.s32 $0x1BFF;
	s21 =	sshll.u32 s6, $0x1;
	s3 =	sadd.s32 s4, s19  }
0x9c: {  	s7 =	simm.s32 $0x0;
	s20 =	sshll.u32 s5, $0x1;
	s5 =	sadd.s32 s21, s3  }
0x9d: {  	[timem:s7], [sflag:s22] =	dma.local [hbm:s5], s20  }
0x9e: {  	_ =	swait.ge [sflag:s22], s20  }
0x9f: {  	s4 =	ssub.s32 $0x0, s20;
	[sflag:s22] =	ssyncset.done $0x0  }
0xa0: {  	[sflag:s22] =	ssyncadd.s32 s4;
	_ =	sdelay $0x1  }
0xa1: {  	s23 =	simm.s32 $0x1B8B  }
0xa2: {  	_ =	swait.ge [sflag:s23], $0x1  }
0xa3: {  	[sflag:s23] =	ssyncset.done $0x0  }
0xa4: {  	s25 =	simm.s32 $0x1B8E;
	s24 =	sld [smem:$0x3FFE];
	[sflag:s23] =	ssyncadd.s32 $0xFFFFFFFF  }
0xa5: {  	s26 =	simm.s32 $execute0_lowered;
	[smem:$0x3FD2] =	sst s25  }
0xa6: {  	s5 =	sshll.u32 s26, $0x1;
	_ =	strace $0x8000004C;
	[dreg:$0x1] =	wrdreg $0xFFFFFFFF  }
0xa7: {  	s28 =	simm.s32 $_size_execute0_lowered;
	s3 =	sadd.s32 s3, s5;
	[dreg:$0x0] =	wrdreg $0x0  }
0xa8: {  	s5 =	sshll.u32 s28, $0x1;
	[dreg:$0x2] =	wrdreg s3  }
0xa9: {  	[dreg:$0x3] =	wrdreg s5  }
0xaa: {  	[dreg:$0x4] =	wrdreg $0xC0  }
0xab: {  	_ =	task [dreg:s7], $0x5FFFF  }
0xac: {  	[dreg:$0x1] =	wrdreg $0xFFFFFFFF  }
0xad: {  	[dreg:$0x0] =	wrdreg $0x60  }
0xae: {  	[dreg:$0x2] =	wrdreg s24  }
0xaf: {  	[dreg:$0x3] =	wrdreg s2  }
0xb0: {  	[dreg:$0x4] =	wrdreg $0x79800  }
0xb1: {  	[dreg:$0x5] =	wrdreg $0x9  }
0xb2: {  	_ =	task.clear_ibuf [dreg:s7], $0x6FFFF;
	_ =	strace $0x9000004C  }
0xb3: {  	s29 =	simm.s32 $0x9;
	_ =	strace $0x8000004E  }
0xb4: {  	_ =	swait.ge [sflag:s29], $0x1  }
0xb5: {  	[sflag:s29] =	ssyncadd.s32 $0xFFFFFFFF  }
0xb6: {  	_ =	strace $0x9000004E  }
0xb7: {  	_ =	sfence  }
0xb8: {  	s30 =	sld [smem:$0x0];
	_ =	sdelay $0x2  }
0xb9: {  	s31 =	sshll.u32 s1, $0xD;
	s1 =	sshrl.u32 s1, $0x2  }
0xba: {  	s3 =	sand.u32 $0x4000, s31;
	s1 =	sadd.s32 s1, s30  }
0xbb: {  	s0 =	sor.u32 s3, s0;
	s1 =	sshll.u32 s1, $0x11  }
0xbc: {  	s0 =	sor.u32 s1, s0  }
0xbd: {  	s0 =	sadd.s32 $0x8F2B, s0  }
0xbe: {  	[sflag:s0] =	ssyncadd.remote.s32 $0x1  }
0xbf: {  	_ =	sfence.sel $0xFFFF  }
0xc0: {  	[dreg:$0x0] =	wrdreg $0xFFFFFFFF;
	(pc) =	sbr.abs _section_cstart, $3  }
0xc1: {  	[dreg:$0x1] =	wrdreg $0xFFFFFFFF  }
0xc2: {  	_ =	task.clear_ibuf [dreg:s7], $0x2FFFF;
	_ =	strace $0x9FFFFFFF  }
0xc3: {  	(tm) =	ssettm $0x7FFFFFFF  }
tec
execute0_lowered:
.L_overlay_start_1:
0x0: {  	(tag) =	ssettag $0x1  }
0x1: {  	s5 =	rddreg [dreg:$0x0]  }
0x2: {  	s9 =	rddreg [dreg:$0x1]  }
0x3: {  	s0 =	srdreg.scid;
	s2 =	rddreg [dreg:$0x2]  }
0x4: {  	s3 =	simm.s32 $0x0;
	s6 =	sand.u32 $0x1, s0;
	s0 =	stileid.u32  }
0x5: {  	s16 =	simm.s32 $0x4F00;
	s17 =	simm.s32 $0x80;
	s12 =	smul.u32 $0x278, s0  }
0x6: {  	s18 =	simm.s32 $0x7680;
	s19 =	simm.s32 $0x0;
	s14 =	smul.u32 $0x2780, s6  }
0x7: {  	[smem:$0x7FF] =	sst s3;
	s4 =	sadd.s32 $0x15A00, s5;
	s29 =	smul.u32 $0x4E0, s6  }
0x8: {  	s1 =	sshll.u32 s6, $0x4;
	s11 =	ssub.s32 $0x2, s6;
	s15 =	smul.u32 $0x4E, s0  }
0x9: {  	s7 =	sor.u32 s0, s1;
	s1 =	rddreg [dreg:$0x3];
	_ =	strace $0x8000004D  }
0xa: {  	s13 =	sshrl.u32 s11, $0x1;
	s8 =	smul.u32 $0x4E, s7;
	s10 =	smin.u32 s7, $0x4  }
0xb: {  	s11 =	ssub.s32 s11, s13;
	p0 =	slt.u32 s7, $0x4;
	s6 =	sadd.s32 s12, s2  }
0xc: {  	s12 =	sadd.s32 s12, s14;
	s13 =	simm.s32 $0x7700;
	s14 =	simm.s32 $0x1  }
0xd: {  	s12 =	sshrl.u32 s12, $0x3;
	s8 =	sadd.s32 s10, s8;
	s10 =	sor.u32 s29, s10  }
0xe: {  	s9 =	sadd.s32 s9, s12;
	s8 =	smin.u32 s8, $0x975;
	s10 =	sadd.s32 s15, s10  }
0xf: {  	s15 =	simm.s32 $0x2780;
	s8 =	sshll.u32 s8, $0x4;
	s30 =	smax.u32 s10, $0x975  }
0x10: {  	s10 =	smax.u32 s11, $0x1;
	s8 =	sadd.s32 s8, s5;
	s5 =	simm.s32 $0x4F  }
0x11: {  	s31 =	sshll.u32 s30, $0x7;
	s5 =	simm.s32 @!p0 $0x4E;
	s7 =	sadd.s32 $0xBC00, s8  }
0x12: {  	v0 =	vimm.f32 $0.0e+00;
	s8 =	sadd.s32 $0x1E00, s8;
	s11 =	sadd.s32 $0xFFFB9480, s31;
	s12 =	sadd.s32 $0xFFFB6D40, s31  }
.LBB2_1:
0x13: {  	[tilespmem:$0x7700] =	vst v0  }
0x14: {  	[tilespmem:$0x7710] =	vst v0  }
0x15: {  	[tilespmem:$0x7720] =	vst v0  }
0x16: {  	[tilespmem:$0x7730] =	vst v0  }
0x17: {  	[tilespmem:$0x7740] =	vst v0  }
0x18: {  	[tilespmem:$0x7750] =	vst v0  }
0x19: {  	[tilespmem:$0x7760] =	vst v0  }
0x1a: {  	[tilespmem:$0x7770] =	vst v0  }
0x1b: {  	[tilespmem:$0x7780] =	vst v0  }
0x1c: {  	[tilespmem:$0x7790] =	vst v0  }
0x1d: {  	[tilespmem:$0x77A0] =	vst v0  }
0x1e: {  	[tilespmem:$0x77B0] =	vst v0  }
0x1f: {  	[tilespmem:$0x77C0] =	vst v0  }
0x20: {  	[tilespmem:$0x77D0] =	vst v0  }
0x21: {  	[tilespmem:$0x77E0] =	vst v0  }
0x22: {  	[tilespmem:$0x77F0] =	vst v0  }
0x23: {  	[tilespmem:$0x7800] =	vst v0  }
0x24: {  	[tilespmem:$0x7810] =	vst v0  }
0x25: {  	[tilespmem:$0x7820] =	vst v0  }
0x26: {  	[tilespmem:$0x7830] =	vst v0  }
0x27: {  	[tilespmem:$0x7840] =	vst v0  }
0x28: {  	[tilespmem:$0x7850] =	vst v0  }
0x29: {  	[tilespmem:$0x7860] =	vst v0  }
0x2a: {  	[tilespmem:$0x7870] =	vst v0  }
0x2b: {  	[tilespmem:$0x7880] =	vst v0  }
0x2c: {  	[tilespmem:$0x7890] =	vst v0  }
0x2d: {  	[tilespmem:$0x78A0] =	vst v0  }
0x2e: {  	[tilespmem:$0x78B0] =	vst v0  }
0x2f: {  	[tilespmem:$0x78C0] =	vst v0  }
0x30: {  	[tilespmem:$0x78D0] =	vst v0  }
0x31: {  	[tilespmem:$0x78E0] =	vst v0  }
0x32: {  	[tilespmem:$0x78F0] =	vst v0  }
0x33: {  	[tilespmem:$0x7900] =	vst v0  }
0x34: {  	[tilespmem:$0x7910] =	vst v0  }
0x35: {  	[tilespmem:$0x7920] =	vst v0  }
0x36: {  	[tilespmem:$0x7930] =	vst v0  }
0x37: {  	[tilespmem:$0x7940] =	vst v0  }
0x38: {  	[tilespmem:$0x7950] =	vst v0  }
0x39: {  	[tilespmem:$0x7960] =	vst v0  }
0x3a: {  	[tilespmem:$0x7970] =	vst v0  }
0x3b: {  	[spmem:s6] =	stream.linear.scatter [tilespmem:s13], [sflag:$0x1], $0x278, $0x38;
	[tilespmem:$0x7BF8] =	vst v63  }
0x3c: {  	_ =	swait.ge [sflag:s14], $0x278  }
0x3d: {  	[sflag:s14] =	ssyncset.done $0x0  }
0x3e: {  	[sflag:s14] =	ssyncadd.s32 $0xFFFFFD88  }
0x3f: {  	[bflag:$0x0] =	sbarrier.arrive $0xFFFF  }
0x40: {  	[tilespmem:s3], [sflag:$0x1] =	stream.linear.gather [hbm4b:s4+s3], $0x2780, $0x38;
	[tilespmem:$0x7BF8] =	vst v63  }
0x41: {  	_ =	swait.ge [sflag:s14], $0x2780  }
0x42: {  	[sflag:s14] =	ssyncset.done $0x0  }
0x43: {  	[sflag:s14] =	ssyncadd.s32 $0xFFFFD880  }
0x44: {  	[tilespmem:s15], [sflag:$0x1] =	stream.linear.gather [hbm4b:s7+s3], $0x2780, $0x38;
	[tilespmem:$0x7BF8] =	vst v63  }
0x45: {  	_ =	swait.ge [sflag:s14], $0x2780  }
0x46: {  	[sflag:s14] =	ssyncset.done $0x0  }
0x47: {  	[sflag:s14] =	ssyncadd.s32 $0xFFFFD880  }
0x48: {  	[tilespmem:s16], [sflag:$0x1] =	stream.linear.gather [hbm4b:s8+s3], $0x2780, $0x38;
	[tilespmem:$0x7BF8] =	vst v63  }
0x49: {  	_ =	swait.ge [sflag:s14], $0x2780  }
0x4a: {  	s20 =	smov.u32 s12;
	[sflag:s14] =	ssyncset.done $0x0  }
0x4b: {  	s21 =	smov.u32 s11;
	s22 =	smov.u32 s5;
	[sflag:s14] =	ssyncadd.s32 $0xFFFFD880  }
.LBB2_2:
0x4c: {  	v1 =	vld [tilespmem:s20+$0xFFFFFFC0];
	_ =	sdelay $0x7  }
0x4d: {  	v1 =	vld.idx.msk [tilespmem:v1+s3+$0x0], $0xffff;
	_ =	sdelay $0x4  }
0x4e: {  	[tilespmem:$0x7680] =	vst v1  }
0x4f: {  	v1 =	vld [tilespmem:s20+$0xFFFFFFD0];
	_ =	sdelay $0x7  }
0x50: {  	v1 =	vld.idx.msk [tilespmem:v1+s3+$0x0], $0xffff;
	_ =	sdelay $0x4  }
0x51: {  	[tilespmem:$0x7690] =	vst v1  }
0x52: {  	v1 =	vld [tilespmem:s20+$0xFFFFFFE0];
	_ =	sdelay $0x7  }
0x53: {  	v1 =	vld.idx.msk [tilespmem:v1+s3+$0x0], $0xffff;
	_ =	sdelay $0x4  }
0x54: {  	[tilespmem:$0x76A0] =	vst v1  }
0x55: {  	v1 =	vld [tilespmem:s20+$0xFFFFFFF0];
	_ =	sdelay $0x7  }
0x56: {  	v1 =	vld.idx.msk [tilespmem:v1+s3+$0x0], $0xffff;
	_ =	sdelay $0x4  }
0x57: {  	[tilespmem:$0x76B0] =	vst v1  }
0x58: {  	v1 =	vld [tilespmem:s20+$0x0];
	_ =	sdelay $0x7  }
0x59: {  	v1 =	vld.idx.msk [tilespmem:v1+s3+$0x0], $0xffff;
	_ =	sdelay $0x4  }
0x5a: {  	[tilespmem:$0x76C0] =	vst v1  }
0x5b: {  	v1 =	vld [tilespmem:s20+$0x10];
	_ =	sdelay $0x7  }
0x5c: {  	v1 =	vld.idx.msk [tilespmem:v1+s3+$0x0], $0xffff;
	_ =	sdelay $0x4  }
0x5d: {  	[tilespmem:$0x76D0] =	vst v1  }
0x5e: {  	v1 =	vld [tilespmem:s20+$0x20];
	_ =	sdelay $0x7  }
0x5f: {  	v1 =	vld.idx.msk [tilespmem:v1+s3+$0x0], $0xffff;
	_ =	sdelay $0x4  }
0x60: {  	[tilespmem:$0x76E0] =	vst v1  }
0x61: {  	v1 =	vld [tilespmem:s20+$0x30];
	_ =	sdelay $0x7  }
0x62: {  	v1 =	vld.idx.msk [tilespmem:v1+s3+$0x0], $0xffff;
	_ =	sdelay $0x3  }
0x63: {  	p0 =	sne.s32 s22, $0x1  }
.Ltmp0:
0x64: {  	[tilespmem:$0x76F0] =	vst v1;
	(pc) =	sbr.rel @p0 .LBB2_2-.Ltmp0, $4  }
0x65: {  	[spmem:s2] =	stream.indirect.scatter.add.f32 [tilespmem:s18], [sflag:$0x1], $0x1, s21, s17, $0xb8;
	[tilespmem:$0x7BF8] =	vst v63  }
0x66: {  	_ =	swait.ge [sflag:s14], $0x80  }
0x67: {  	s22 =	sadd.s32 $0xFFFFFFFF, s22;
	[sflag:s14] =	ssyncset.done $0x0  }
0x68: {  	s20 =	sadd.s32 $0x80, s20;
	s21 =	sadd.s32 $0x80, s21;
	[sflag:s14] =	ssyncadd.s32 $0xFFFFFF80  }
0x69: {  	[bflag:$0x0] =	sbarrier.arrive $0xFFFF  }
0x6a: {  	[tilespmem:s13], [sflag:$0x1] =	stream.linear.gather [spmem:s6], $0x278, $0x38;
	[tilespmem:$0x7BF8] =	vst v63  }
0x6b: {  	s19 =	sadd.s32 $0x1, s19;
	_ =	swait.ge [sflag:s14], $0x278  }
0x6c: {  	p0 =	sne.s32 s19, s10;
	[sflag:s14] =	ssyncset.done $0x0  }
.Ltmp1:
0x6d: {  	[sflag:s14] =	ssyncadd.s32 $0xFFFFFD88;
	(pc) =	sbr.rel @p0 .LBB2_1-.Ltmp1, $4  }
0x6e: {  	[hbm4b:s9+s3] =	stream.linear.scatter [tilespmem:s13], [sflag:$0x1], $0x278, $0x38;
	[tilespmem:$0x7BF8] =	vst v63  }
0x6f: {  	_ =	swait.ge [sflag:s14], $0x278  }
0x70: {  	[sflag:s14] =	ssyncset.done $0x0  }
0x71: {  	[sflag:s14] =	ssyncadd.s32 $0xFFFFFD88  }
0x72: {  	_ =	sfence.sel $0x180000  }
0x73: {  	[bflag:$0x0] =	sbarrier.arrive $0xFFFF  }
0x74: {  	p0 =	sne.s32 s0, $0x0;
	_ =	strace $0x9000004D  }
0x75: {  	s0 =	sadd.s32 @!p0 $0x100000, s1;
	[bflag:$0x2] =	sbarrier.arrive $0xFFFF  }
0x76: {  	[sflag:s0] =	ssyncadd.tile.s32 @!p0 $0x1;
	_ =	shalt  }
.Lfunc_end2:
_tile_overlayer_lowered:
.L_overlay_start_2:
0x77: {  	(tag) =	ssettag $0x2  }
0x78: {  	s0 =	rddreg [dreg:$0x0];
	s2 =	stileid.u32  }
0x79: {  	s1 =	rddreg [dreg:$0x1];
	p0 =	sne.s32 s2, $0x0  }
0x7a: {  	s3 =	rddreg [dreg:$0x2];
	[bflag:$0x3] =	sbarrier.arrive $0xFFFF;
	s2 =	simm.s32 @!p0 $0x1C01  }
0x7b: {  	[timem:s3], [sflag:s2] =	dma.local @!p0 [hbm:s0], s1  }
0x7c: {  	s0 =	simm.s32 @!p0 $0x1  }
0x7d: {  	_ =	swait.ge @!p0 [sflag:s0], s1  }
0x7e: {  	s1 =	ssub.s32 @!p0 $0x0, s1;
	[sflag:s0] =	ssyncset.done @!p0 $0x0  }
0x7f: {  	[sflag:s0] =	ssyncadd.s32 @!p0 s1  }
0x80: {  	[bflag:$0x3] =	sbarrier.arrive $0xFFFF  }
0x81: {  	_ =	shalt  }

</sc_bundles>
